<compile_context>
chip_gen: v7x
topology: tpu7x:2x2x1
jax: 0.10.2.dev20260603
libtpu: 0.0.44.dev20260713+nightly
codegen_flags: <defaults>
</compile_context>

<pallas_src>
import functools

import jax
import jax.numpy as jnp
from jax import lax
from jax.experimental import pallas as pl
from jax.experimental.pallas import tpu as pltpu
from jax.experimental.pallas import tpu_sc as plsc

N = 10000
E = 320000
D = 128
NG = 64
NC = 2
NS = 16
EPT = E // NS
BLK = 80
NITER = EPT // BLK
ACCW = 144
NHALF = N // NC
NPAD = 5120
NPT = NPAD // NS


def _lrelu(x, s):
    return jnp.maximum(x, x * s)


_GATHER_DNUMS = lax.GatherDimensionNumbers(
    offset_dims=(), collapsed_slice_dims=(0,), start_index_map=(0,))


def _lane_gather(v, idx):
    return lax.gather(v, idx[:, None], _GATHER_DNUMS, (1,),
                      mode=lax.GatherScatterMode.PROMISE_IN_BOUNDS)


def _layer_norm(x, g, b, eps=1e-5):
    mu = jnp.mean(x, axis=-1, keepdims=True)
    var = jnp.mean((x - mu) ** 2, axis=-1, keepdims=True)
    return g * (x - mu) / jnp.sqrt(var + eps) + b


def _mm2_body(x_ref, wl_ref, wr_ref, xl_ref, xr_ref):
    xb = x_ref[...]
    xl_ref[...] = jnp.dot(xb, wl_ref[...], preferred_element_type=jnp.float32)
    xr_ref[...] = jnp.dot(xb, wr_ref[...], preferred_element_type=jnp.float32)


def _mm2(x, wl, wr, blkn=2000):
    grid = (N // blkn,)
    return pl.pallas_call(
        _mm2_body,
        grid=grid,
        in_specs=[
            pl.BlockSpec((blkn, D), lambda i: (i, 0)),
            pl.BlockSpec((D, D), lambda i: (0, 0)),
            pl.BlockSpec((D, D), lambda i: (0, 0)),
        ],
        out_specs=[pl.BlockSpec((blkn, D), lambda i: (i, 0))] * 2,
        out_shape=[jax.ShapeDtypeStruct((N, D), jnp.float32)] * 2,
    )(x, wl, wr)


def _sc_edge_body(xl_hbm, xr_hbm, att_hbm, src_hbm, dst_hbm, zacc_hbm, out_hbm,
                  src_v, dst_v, sidx_v, xl_rows, xr_rows, out_rows, att_v,
                  acc_sh, sem1, sem2):
    cid = lax.axis_index("c")
    sid = lax.axis_index("s")

    pltpu.sync_copy(src_hbm.at[sid], src_v)
    pltpu.sync_copy(dst_hbm.at[sid], dst_v)
    pltpu.sync_copy(att_hbm, att_v)
    off = pl.multiple_of(sid * NPT, 8)
    pltpu.sync_copy(zacc_hbm.at[pl.ds(off, NPT)],
                    acc_sh.at[pl.ds(off, NPT)])
    plsc.subcore_barrier()

    lane = lax.iota(jnp.int32, 16)
    base = cid * NHALF

    def iter_body(j, carry):
        cp1 = pltpu.async_copy(xl_hbm.at[src_v.at[j]], xl_rows, sem1)
        cp2 = pltpu.async_copy(xr_hbm.at[dst_v.at[j]], xr_rows, sem2)
        for c in range(BLK // 16):
            d16 = dst_v[j, pl.ds(c * 16, 16)] - base
            ok = (d16 >= 0) & (d16 < NHALF)
            sidx_v[pl.ds(c * 16, 16)] = jnp.where(ok, d16, NHALF)
        cp1.wait()
        cp2.wait()

        def edge_body(e, carry2):
            acc = jnp.zeros((16,), jnp.float32)
            for c in range(D // 16):
                a = xl_rows[e, pl.ds(c * 16, 16)]
                b = xr_rows[e, pl.ds(c * 16, 16)]
                z = a + b
                acc = acc + _lrelu(z, 0.2) * att_v[pl.ds(c * 16, 16)]
            for k in (1, 2, 4, 8):
                acc = acc + _lane_gather(acc, lane ^ k)
            w = jnp.exp(acc)
            for c in range(D // 16):
                out_rows[e, pl.ds(c * 16, 16)] = w * xl_rows[e, pl.ds(c * 16, 16)]
            out_rows[e, pl.ds(D, 16)] = jnp.where(lane == 0, w, 0.0)
            return carry2

        lax.fori_loop(0, BLK, edge_body, 0, unroll=False)
        pltpu.sync_copy(out_rows, acc_sh.at[sidx_v], add=True)
        return carry

    lax.fori_loop(0, NITER, iter_body, 0, unroll=False)

    plsc.subcore_barrier()
    pltpu.sync_copy(acc_sh.at[pl.ds(off, NPT)],
                    out_hbm.at[cid, pl.ds(off, NPT)])


def _sc_edge_pass(xl, xr, att, src3, dst3, zacc):
    mesh = plsc.VectorSubcoreMesh(core_axis_name="c", subcore_axis_name="s")
    kern = functools.partial(
        pl.kernel,
        mesh=mesh,
        compiler_params=pltpu.CompilerParams(use_tc_tiling_on_sc=False),
        out_type=jax.ShapeDtypeStruct((NC, NPAD, ACCW), jnp.float32),
        scratch_types=[
            pltpu.VMEM((NITER, BLK), jnp.int32),
            pltpu.VMEM((NITER, BLK), jnp.int32),
            pltpu.VMEM((BLK,), jnp.int32),
            pltpu.VMEM((BLK, D), jnp.float32),
            pltpu.VMEM((BLK, D), jnp.float32),
            pltpu.VMEM((BLK, ACCW), jnp.float32),
            pltpu.VMEM((D,), jnp.float32),
            pltpu.VMEM_SHARED((NPAD, ACCW), jnp.float32),
            pltpu.SemaphoreType.DMA,
            pltpu.SemaphoreType.DMA,
        ],
    )(_sc_edge_body)
    return kern(xl, xr, att, src3, dst3, zacc)


def _combine_core(acc_ref, xl_ref, xr_ref, att_ref, bias_ref, g_ref, b_ref):
    accs = acc_ref[0]
    numer = accs[:, :D]
    denom = jnp.sum(accs[:, D:ACCW], axis=1, keepdims=True)
    xlb = xl_ref[...]
    xrb = xr_ref[...]
    z = xlb + xrb
    eself = jnp.dot(_lrelu(z, 0.2), att_ref[...],
                    preferred_element_type=jnp.float32)
    wself = jnp.exp(eself)
    out = (numer + wself * xlb) / (denom + wself) + bias_ref[...]
    h = _lrelu(out, 0.01)
    return _layer_norm(h, g_ref[...], b_ref[...])


def _combine_mm2_body(acc_ref, xl_ref, xr_ref, att_ref, bias_ref, g_ref, b_ref,
                      wl_ref, wr_ref, xl2_ref, xr2_ref):
    h = _combine_core(acc_ref, xl_ref, xr_ref, att_ref, bias_ref, g_ref, b_ref)
    xl2_ref[...] = jnp.dot(h, wl_ref[...], preferred_element_type=jnp.float32)
    xr2_ref[...] = jnp.dot(h, wr_ref[...], preferred_element_type=jnp.float32)


def _combine_mm2(acc, xl, xr, att_col, bias, ln_g, ln_b, wl2, wr2, blkn=1000):
    grid = (N // blkn,)
    nb = NHALF // blkn
    full = lambda shape: pl.BlockSpec(shape, lambda i: tuple(0 for _ in shape))
    return pl.pallas_call(
        _combine_mm2_body,
        grid=grid,
        in_specs=[
            pl.BlockSpec((1, blkn, ACCW), lambda i: (i // nb, i % nb, 0)),
            pl.BlockSpec((blkn, D), lambda i: (i, 0)),
            pl.BlockSpec((blkn, D), lambda i: (i, 0)),
            full((D, 1)), full((1, D)), full((1, D)), full((1, D)),
            full((D, D)), full((D, D)),
        ],
        out_specs=[pl.BlockSpec((blkn, D), lambda i: (i, 0))] * 2,
        out_shape=[jax.ShapeDtypeStruct((N, D), jnp.float32)] * 2,
    )(acc, xl, xr, att_col, bias, ln_g, ln_b, wl2, wr2)


def _final_body(acc_ref, xl_ref, xr_ref, att_ref, bias_ref, g_ref, b_ref,
                batch_ref, gf_ref, pw_ref, pb_ref,
                f1w_ref, f1b_ref, n1g_ref, n1b_ref,
                f2w_ref, f2b_ref, n2g_ref, n2b_ref,
                pgw_ref, pgb_ref, l1w_ref, l1b_ref, l2w_ref, l2b_ref,
                ow_ref, ob_ref, out_ref, pool_ref):
    i = pl.program_id(0)
    h = _combine_core(acc_ref, xl_ref, xr_ref, att_ref, bias_ref, g_ref, b_ref)
    bb = batch_ref[0, 0, :]
    onehot = (bb[:, None] == lax.broadcasted_iota(jnp.int32, (1, NG), 1)
              ).astype(jnp.float32)
    part = lax.dot_general(onehot, h, (((0,), (0,)), ((), ())),
                           preferred_element_type=jnp.float32)

    @pl.when(i == 0)
    def _():
        pool_ref[...] = jnp.zeros_like(pool_ref)

    pool_ref[...] += part

    @pl.when(i == pl.num_programs(0) - 1)
    def _():
        g = jnp.dot(gf_ref[...], pw_ref[...],
                    preferred_element_type=jnp.float32) + pb_ref[...]
        g = jnp.dot(g, f1w_ref[...], preferred_element_type=jnp.float32) + f1b_ref[...]
        g = _layer_norm(_lrelu(g, 0.01), n1g_ref[...], n1b_ref[...])
        g = jnp.dot(g, f2w_ref[...], preferred_element_type=jnp.float32) + f2b_ref[...]
        g = _layer_norm(_lrelu(g, 0.01), n2g_ref[...], n2b_ref[...])
        pg = jnp.dot(g, pgw_ref[...], preferred_element_type=jnp.float32) + pgb_ref[...]
        a = pool_ref[...] + pg
        a = _lrelu(jnp.dot(a, l1w_ref[...], preferred_element_type=jnp.float32)
                   + l1b_ref[...], 0.01)
        a = _lrelu(jnp.dot(a, l2w_ref[...], preferred_element_type=jnp.float32)
                   + l2b_ref[...], 0.01)
        out_ref[...] = jnp.dot(a, ow_ref[...],
                               preferred_element_type=jnp.float32) + ob_ref[...]


def _final(acc, xl, xr, att_col, bias, ln_g, ln_b, batch3, gf, mlp, pg, fcs,
           outp, blkn=1000):
    grid = (N // blkn,)
    nb = NHALF // blkn
    full = lambda shape: pl.BlockSpec(shape, lambda i: tuple(0 for _ in shape))
    in_specs = [
        pl.BlockSpec((1, blkn, ACCW), lambda i: (i // nb, i % nb, 0)),
        pl.BlockSpec((blkn, D), lambda i: (i, 0)),
        pl.BlockSpec((blkn, D), lambda i: (i, 0)),
        full((D, 1)), full((1, D)), full((1, D)), full((1, D)),
        pl.BlockSpec((1, 1, blkn), lambda i: (i, 0, 0)),
        full((NG, 32)), full((32, D)), full((1, D)),
        full((D, D)), full((1, D)), full((1, D)), full((1, D)),
        full((D, D)), full((1, D)), full((1, D)), full((1, D)),
        full((D, D)), full((1, D)),
        full((D, D)), full((1, D)), full((D, D)), full((1, D)),
        full((D, 1)), full((1, 1)),
    ]
    args = [acc, xl, xr, att_col, bias, ln_g, ln_b, batch3, gf,
            mlp['proj_W'], mlp['proj_b'].reshape(1, D),
            mlp['fcs'][0]['W'], mlp['fcs'][0]['b'].reshape(1, D),
            mlp['norms'][0]['g'].reshape(1, D), mlp['norms'][0]['b'].reshape(1, D),
            mlp['fcs'][1]['W'], mlp['fcs'][1]['b'].reshape(1, D),
            mlp['norms'][1]['g'].reshape(1, D), mlp['norms'][1]['b'].reshape(1, D),
            pg['W'], pg['b'].reshape(1, D),
            fcs[0]['W'], fcs[0]['b'].reshape(1, D),
            fcs[1]['W'], fcs[1]['b'].reshape(1, D),
            outp['W'], outp['b'].reshape(1, 1)]
    return pl.pallas_call(
        _final_body,
        grid=grid,
        in_specs=in_specs,
        out_specs=pl.BlockSpec((NG, 1), lambda i: (0, 0)),
        out_shape=jax.ShapeDtypeStruct((NG, 1), jnp.float32),
        scratch_shapes=[pltpu.VMEM((NG, D), jnp.float32)],
    )(*args)


def kernel(x, edge_index, global_features, batch, params):
    src3 = edge_index[0].reshape(NS, NITER, BLK)
    dst3 = edge_index[1].reshape(NS, NITER, BLK)
    batch3 = batch.reshape(N // 1000, 1, 1000)
    zacc = jnp.zeros((NPAD, ACCW), jnp.float32)

    c0, c1 = params['convs']
    xl1, xr1 = _mm2(x, c0['Wl'], c0['Wr'])
    acc1 = _sc_edge_pass(xl1, xr1, c0['att'], src3, dst3, zacc)
    xl2, xr2 = _combine_mm2(acc1, xl1, xr1, c0['att'].reshape(D, 1),
                            c0['bias'].reshape(1, D), c0['ln_g'].reshape(1, D),
                            c0['ln_b'].reshape(1, D), c1['Wl'], c1['Wr'])
    acc2 = _sc_edge_pass(xl2, xr2, c1['att'], src3, dst3, zacc)
    return _final(acc2, xl2, xr2, c1['att'].reshape(D, 1),
                  c1['bias'].reshape(1, D), c1['ln_g'].reshape(1, D),
                  c1['ln_b'].reshape(1, D), batch3, global_features,
                  params['mlp'], params['proj_global'], params['fcs'],
                  params['out'])

# --- scband reference (transcript-rebuilt; emitter-appended) ---
"""Pipeline reference for scband-modified-gat-21157008900180 (READ-ONLY COPY).

The authoritative reference and input builder live on the scoring server;
editing this copy changes nothing except your own understanding.
"""

import jax, jax.numpy as jnp
import numpy as np

N_NODES = 10000
N_EDGES = 320000
D_IN = 128
GCN_DIMS = [128, 128]
G_IN = 32
G_HID = 128
G_LAYERS = 2
LIN_HID = 128
LIN_LAYERS = 2
OUT_DIM = 1
N_GRAPHS = 64


def _layer_norm(x, g, b, eps=1e-5):
    mu = jnp.mean(x, axis=-1, keepdims=True)
    var = jnp.mean((x - mu) ** 2, axis=-1, keepdims=True)
    return g * (x - mu) / jnp.sqrt(var + eps) + b


def _gatv2_conv(x, edge_index, p, num_nodes):
    # GATv2Conv, single head, add_self_loops=True
    loop = jnp.arange(num_nodes, dtype=edge_index.dtype)
    src = jnp.concatenate([edge_index[0], loop])
    dst = jnp.concatenate([edge_index[1], loop])
    xl = x @ p['Wl']
    xr = x @ p['Wr']
    m = jax.nn.leaky_relu(xl[src] + xr[dst], negative_slope=0.2)
    e = m @ p['att']
    emax = jax.lax.stop_gradient(jax.ops.segment_max(e, dst, num_segments=num_nodes))
    ealpha = jnp.exp(e - emax[dst])
    denom = jax.ops.segment_sum(ealpha, dst, num_segments=num_nodes)
    alpha = ealpha / denom[dst]
    out = jax.ops.segment_sum(alpha[:, None] * xl[src], dst, num_segments=num_nodes)
    return out + p['bias']


def _make_params(key):
    kiter = iter(jax.random.split(key, 64))

    def nrm(shape, s=0.05):
        return jax.random.normal(next(kiter), shape, dtype=jnp.float32) * s

    convs = []
    dims = [D_IN] + GCN_DIMS
    for i, o in zip(dims[:-1], dims[1:]):
        convs.append({'Wl': nrm((i, o)), 'Wr': nrm((i, o)), 'att': nrm((o,)),
                      'bias': jnp.zeros((o,), jnp.float32),
                      'ln_g': jnp.ones((o,), jnp.float32), 'ln_b': jnp.zeros((o,), jnp.float32)})
    mlp = {'proj_W': nrm((G_IN, G_HID)), 'proj_b': jnp.zeros((G_HID,), jnp.float32),
           'fcs': [{'W': nrm((G_HID, G_HID)), 'b': jnp.zeros((G_HID,), jnp.float32)} for _ in range(G_LAYERS)],
           'norms': [{'g': jnp.ones((G_HID,), jnp.float32), 'b': jnp.zeros((G_HID,), jnp.float32)} for _ in range(G_LAYERS)]}
    proj_global = {'W': nrm((G_HID, GCN_DIMS[-1])), 'b': jnp.zeros((GCN_DIMS[-1],), jnp.float32)}
    fcs = [{'W': nrm((GCN_DIMS[-1], LIN_HID)), 'b': jnp.zeros((LIN_HID,), jnp.float32)}]
    for _ in range(1, LIN_LAYERS):
        fcs.append({'W': nrm((LIN_HID, LIN_HID)), 'b': jnp.zeros((LIN_HID,), jnp.float32)})
    out = {'W': nrm((LIN_HID, OUT_DIM)), 'b': jnp.zeros((OUT_DIM,), jnp.float32)}
    return {'convs': convs, 'mlp': mlp, 'proj_global': proj_global, 'fcs': fcs, 'out': out}


def setup_inputs(seed: int = 0):
    key = jax.random.key(seed)
    k1, k2, k3, k4, k5 = jax.random.split(key, 5)
    x = jax.random.normal(k1, (N_NODES, D_IN), dtype=jnp.float32)
    edge_index = jax.random.randint(k2, (2, N_EDGES), 0, N_NODES, dtype=jnp.int32)
    global_features = jax.random.normal(k3, (N_GRAPHS, G_IN), dtype=jnp.float32)
    batch = jnp.sort(jax.random.randint(k4, (N_NODES,), 0, N_GRAPHS, dtype=jnp.int32))
    params = _make_params(k5)
    return {'x': x, 'edge_index': edge_index, 'global_features': global_features,
            'batch': batch, 'params': params}


def reference(x, edge_index, global_features, batch, params):
    N = x.shape[0]
    B = global_features.shape[0]
    h = x
    for p in params['convs']:
        h = _gatv2_conv(h, edge_index, p, N)
        h = jax.nn.leaky_relu(h, negative_slope=0.01)
        h = _layer_norm(h, p['ln_g'], p['ln_b'])
    add_pool = jax.ops.segment_sum(h, batch, num_segments=B)
    g = global_features @ params['mlp']['proj_W'] + params['mlp']['proj_b']
    for fc, nm in zip(params['mlp']['fcs'], params['mlp']['norms']):
        g = g @ fc['W'] + fc['b']
        g = jax.nn.leaky_relu(g, negative_slope=0.01)
        g = _layer_norm(g, nm['g'], nm['b'])
    pg = g @ params['proj_global']['W'] + params['proj_global']['b']
    a = add_pool + pg
    for fc in params['fcs']:
        a = a @ fc['W'] + fc['b']
        a = jax.nn.leaky_relu(a, negative_slope=0.01)
    a = a @ params['out']['W'] + params['out']['b']
    return a

if __name__ == "__main__":
    import jax
    _d = setup_inputs()
    print(jax.jit(kernel)(*tuple(_d.values())))

</pallas_src>

<mosaic_0001>
#map = affine_map<(d0, d1) -> (0, 0)>
#map1 = affine_map<(d0, d1) -> (0)>
#map2 = affine_map<(d0, d1) -> (0, 0, 0)>
module attributes {stable_mosaic.version = 14 : i64} {
  func.func @_sc_edge_body(%arg0: i32, %arg1: i32, %arg2: memref<10000x128xf32, #tpu.memory_space<hbm>>, %arg3: memref<10000x128xf32, #tpu.memory_space<hbm>>, %arg4: memref<128xf32, #tpu.memory_space<hbm>>, %arg5: memref<16x250x80xi32, #tpu.memory_space<hbm>>, %arg6: memref<16x250x80xi32, #tpu.memory_space<hbm>>, %arg7: memref<5120x144xf32, #tpu.memory_space<hbm>>, %arg8: memref<2x5120x144xf32, #tpu.memory_space<hbm>>, %arg9: memref<250x80xi32, #tpu.memory_space<vmem>>, %arg10: memref<250x80xi32, #tpu.memory_space<vmem>>, %arg11: memref<80xi32, #tpu.memory_space<vmem>>, %arg12: memref<80x128xf32, #tpu.memory_space<vmem>>, %arg13: memref<80x128xf32, #tpu.memory_space<vmem>>, %arg14: memref<80x144xf32, #tpu.memory_space<vmem>>, %arg15: memref<128xf32, #tpu.memory_space<vmem>>, %arg16: memref<5120x144xf32, #tpu.memory_space<vmem_shared>>, %arg17: memref<!tpu.dma_semaphore, #tpu.memory_space<semaphore_mem>>, %arg18: memref<!tpu.dma_semaphore, #tpu.memory_space<semaphore_mem>>) attributes {dimension_semantics = [#tpu.dimension_semantics<core_parallel>, #tpu.dimension_semantics<subcore_parallel>], iteration_bounds = array<i64: 2, 16>, scalar_prefetch = 0 : i64, scratch_operands = 10 : i64, tpu.core_type = #tpu.core_type<sc_vector_subcore>, window_params = [{transform_indices = #map}, {transform_indices = #map}, {transform_indices = #map1}, {transform_indices = #map2}, {transform_indices = #map2}, {transform_indices = #map}, {transform_indices = #map2}]} {
    "tpu.region"() ({
      %run_scoped3A = tpu.sem_alloc : memref<!tpu.dma_semaphore, #tpu.memory_space<semaphore_mem>>
      %dma_start3A = arith.constant 0 : i32
      %dma_start3A_9 = arith.constant 0 : i32
      %dma_start3A_10 = tpu.memref_slice %arg5[%arg1, %dma_start3A, %dma_start3A_9] : memref<16x250x80xi32, #tpu.memory_space<hbm>> -> memref<1x250x80xi32, #tpu.memory_space<hbm>>
      %dma_start3A_11 = tpu.memref_squeeze %dma_start3A_10 : memref<1x250x80xi32, #tpu.memory_space<hbm>> -> memref<250x80xi32, #tpu.memory_space<hbm>>
      %dma_start3A_12 = arith.constant 0 : i32
      %dma_start3A_13 = arith.constant 0 : i32
      %dma_start3A_14 = tpu.memref_slice %arg5[%arg1, %dma_start3A_12, %dma_start3A_13] : memref<16x250x80xi32, #tpu.memory_space<hbm>> -> memref<1x250x80xi32, #tpu.memory_space<hbm>>
      %dma_start3A_15 = tpu.memref_squeeze %dma_start3A_14 : memref<1x250x80xi32, #tpu.memory_space<hbm>> -> memref<250x80xi32, #tpu.memory_space<hbm>>
      tpu.enqueue_dma source(%dma_start3A_15 : memref<250x80xi32, #tpu.memory_space<hbm>>) target(%arg9 : memref<250x80xi32, #tpu.memory_space<vmem>>) target_semaphore(%run_scoped3A : memref<!tpu.dma_semaphore, #tpu.memory_space<semaphore_mem>>)
      %dma_wait3A = arith.constant 0 : i32
      %dma_wait3A_16 = arith.constant 0 : i32
      %dma_wait3A_17 = tpu.memref_slice %arg5[%arg1, %dma_wait3A, %dma_wait3A_16] : memref<16x250x80xi32, #tpu.memory_space<hbm>> -> memref<1x250x80xi32, #tpu.memory_space<hbm>>
      %dma_wait3A_18 = tpu.memref_squeeze %dma_wait3A_17 : memref<1x250x80xi32, #tpu.memory_space<hbm>> -> memref<250x80xi32, #tpu.memory_space<hbm>>
      %dma_wait3A_19 = arith.constant 0 : i32
      %dma_wait3A_20 = arith.constant 0 : i32
      %dma_wait3A_21 = tpu.memref_slice %arg5[%arg1, %dma_wait3A_19, %dma_wait3A_20] : memref<16x250x80xi32, #tpu.memory_space<hbm>> -> memref<1x250x80xi32, #tpu.memory_space<hbm>>
      %dma_wait3A_22 = tpu.memref_squeeze %dma_wait3A_21 : memref<1x250x80xi32, #tpu.memory_space<hbm>> -> memref<250x80xi32, #tpu.memory_space<hbm>>
      tpu.wait_dma2 semaphore(%run_scoped3A : memref<!tpu.dma_semaphore, #tpu.memory_space<semaphore_mem>>) src(%dma_wait3A_22 : memref<250x80xi32, #tpu.memory_space<hbm>>) dst(%arg9 : memref<250x80xi32, #tpu.memory_space<vmem>>)
      tpu.yield
    }) : () -> ()
    "tpu.region"() ({
      %run_scoped3A = tpu.sem_alloc : memref<!tpu.dma_semaphore, #tpu.memory_space<semaphore_mem>>
      %dma_start3A = arith.constant 0 : i32
      %dma_start3A_9 = arith.constant 0 : i32
      %dma_start3A_10 = tpu.memref_slice %arg6[%arg1, %dma_start3A, %dma_start3A_9] : memref<16x250x80xi32, #tpu.memory_space<hbm>> -> memref<1x250x80xi32, #tpu.memory_space<hbm>>
      %dma_start3A_11 = tpu.memref_squeeze %dma_start3A_10 : memref<1x250x80xi32, #tpu.memory_space<hbm>> -> memref<250x80xi32, #tpu.memory_space<hbm>>
      %dma_start3A_12 = arith.constant 0 : i32
      %dma_start3A_13 = arith.constant 0 : i32
      %dma_start3A_14 = tpu.memref_slice %arg6[%arg1, %dma_start3A_12, %dma_start3A_13] : memref<16x250x80xi32, #tpu.memory_space<hbm>> -> memref<1x250x80xi32, #tpu.memory_space<hbm>>
      %dma_start3A_15 = tpu.memref_squeeze %dma_start3A_14 : memref<1x250x80xi32, #tpu.memory_space<hbm>> -> memref<250x80xi32, #tpu.memory_space<hbm>>
      tpu.enqueue_dma source(%dma_start3A_15 : memref<250x80xi32, #tpu.memory_space<hbm>>) target(%arg10 : memref<250x80xi32, #tpu.memory_space<vmem>>) target_semaphore(%run_scoped3A : memref<!tpu.dma_semaphore, #tpu.memory_space<semaphore_mem>>)
      %dma_wait3A = arith.constant 0 : i32
      %dma_wait3A_16 = arith.constant 0 : i32
      %dma_wait3A_17 = tpu.memref_slice %arg6[%arg1, %dma_wait3A, %dma_wait3A_16] : memref<16x250x80xi32, #tpu.memory_space<hbm>> -> memref<1x250x80xi32, #tpu.memory_space<hbm>>
      %dma_wait3A_18 = tpu.memref_squeeze %dma_wait3A_17 : memref<1x250x80xi32, #tpu.memory_space<hbm>> -> memref<250x80xi32, #tpu.memory_space<hbm>>
      %dma_wait3A_19 = arith.constant 0 : i32
      %dma_wait3A_20 = arith.constant 0 : i32
      %dma_wait3A_21 = tpu.memref_slice %arg6[%arg1, %dma_wait3A_19, %dma_wait3A_20] : memref<16x250x80xi32, #tpu.memory_space<hbm>> -> memref<1x250x80xi32, #tpu.memory_space<hbm>>
      %dma_wait3A_22 = tpu.memref_squeeze %dma_wait3A_21 : memref<1x250x80xi32, #tpu.memory_space<hbm>> -> memref<250x80xi32, #tpu.memory_space<hbm>>
      tpu.wait_dma2 semaphore(%run_scoped3A : memref<!tpu.dma_semaphore, #tpu.memory_space<semaphore_mem>>) src(%dma_wait3A_22 : memref<250x80xi32, #tpu.memory_space<hbm>>) dst(%arg10 : memref<250x80xi32, #tpu.memory_space<vmem>>)
      tpu.yield
    }) : () -> ()
    "tpu.region"() ({
      %run_scoped3A = tpu.sem_alloc : memref<!tpu.dma_semaphore, #tpu.memory_space<semaphore_mem>>
      tpu.enqueue_dma source(%arg4 : memref<128xf32, #tpu.memory_space<hbm>>) target(%arg15 : memref<128xf32, #tpu.memory_space<vmem>>) target_semaphore(%run_scoped3A : memref<!tpu.dma_semaphore, #tpu.memory_space<semaphore_mem>>)
      tpu.wait_dma2 semaphore(%run_scoped3A : memref<!tpu.dma_semaphore, #tpu.memory_space<semaphore_mem>>) src(%arg4 : memref<128xf32, #tpu.memory_space<hbm>>) dst(%arg15 : memref<128xf32, #tpu.memory_space<vmem>>)
      tpu.yield
    }) : () -> ()
    %mul3A = arith.constant 320 : i32
    %mul3A_0 = arith.muli %arg1, %mul3A : i32
    %multiple_of3A = tpu.assume_multiple %mul3A_0, 8 : i32
    "tpu.region"() ({
      %run_scoped3A = tpu.sem_alloc : memref<!tpu.dma_semaphore, #tpu.memory_space<semaphore_mem>>
      %dma_start3A = arith.constant 0 : i32
      %dma_start3A_9 = tpu.memref_slice %arg16[%multiple_of3A, %dma_start3A] : memref<5120x144xf32, #tpu.memory_space<vmem_shared>> -> memref<320x144xf32, #tpu.memory_space<vmem_shared>>
      %dma_start3A_10 = arith.constant 0 : i32
      %dma_start3A_11 = tpu.memref_slice %arg7[%multiple_of3A, %dma_start3A_10] : memref<5120x144xf32, #tpu.memory_space<hbm>> -> memref<320x144xf32, #tpu.memory_space<hbm>>
      tpu.enqueue_dma source(%dma_start3A_11 : memref<320x144xf32, #tpu.memory_space<hbm>>) target(%dma_start3A_9 : memref<320x144xf32, #tpu.memory_space<vmem_shared>>) target_semaphore(%run_scoped3A : memref<!tpu.dma_semaphore, #tpu.memory_space<semaphore_mem>>)
      %dma_wait3A = arith.constant 0 : i32
      %dma_wait3A_12 = tpu.memref_slice %arg16[%multiple_of3A, %dma_wait3A] : memref<5120x144xf32, #tpu.memory_space<vmem_shared>> -> memref<320x144xf32, #tpu.memory_space<vmem_shared>>
      %dma_wait3A_13 = arith.constant 0 : i32
      %dma_wait3A_14 = tpu.memref_slice %arg7[%multiple_of3A, %dma_wait3A_13] : memref<5120x144xf32, #tpu.memory_space<hbm>> -> memref<320x144xf32, #tpu.memory_space<hbm>>
      tpu.wait_dma2 semaphore(%run_scoped3A : memref<!tpu.dma_semaphore, #tpu.memory_space<semaphore_mem>>) src(%dma_wait3A_14 : memref<320x144xf32, #tpu.memory_space<hbm>>) dst(%dma_wait3A_12 : memref<320x144xf32, #tpu.memory_space<vmem_shared>>)
      tpu.yield
    }) : () -> ()
    %barrier3A = arith.constant 0 : index
    tpu.barrier barrier_id(%barrier3A)
    %iota3A = tpu.iota {dimensions = array<i32: 0>} : vector<16xi32>
    %mul3A_1 = arith.constant 5000 : i32
    %mul3A_2 = arith.muli %arg0, %mul3A_1 : i32
    %scan3A = arith.constant 0 : i32
    %scan3A_3 = arith.constant 0 : i32
    %scan3A_4 = arith.constant 250 : i32
    %scan3A_5 = arith.addi %scan3A_3, %scan3A_4 : i32
    %scan3A_6 = arith.constant 1 : i32
    scf.for %scan3A_9 = %scan3A_3 to %scan3A_5 step %scan3A_6  : i32 {
      %dma_start3A = arith.constant 0 : i32
      %dma_start3A_10 = tpu.memref_slice %arg9[%scan3A_9, %dma_start3A] : memref<250x80xi32, #tpu.memory_space<vmem>> -> memref<1x80xi32, #tpu.memory_space<vmem>>
      %dma_start3A_11 = tpu.memref_squeeze %dma_start3A_10 : memref<1x80xi32, #tpu.memory_space<vmem>> -> memref<80xi32, #tpu.memory_space<vmem>>
      %dma_start3A_12 = arith.constant 0 : i32
      %dma_start3A_13 = arith.constant 0 : i32
      %dma_start3A_14 = tpu.memref_slice %arg2[%dma_start3A_12, %dma_start3A_13] : memref<10000x128xf32, #tpu.memory_space<hbm>> -> memref<10000x128xf32, #tpu.memory_space<hbm>>
      tpu.enqueue_indirect_dma source(%dma_start3A_14 : memref<10000x128xf32, #tpu.memory_space<hbm>>) target(%arg12 : memref<80x128xf32, #tpu.memory_space<vmem>>) offsets(%dma_start3A_11 : memref<80xi32, #tpu.memory_space<vmem>>) semaphore(%arg17 : memref<!tpu.dma_semaphore, #tpu.memory_space<semaphore_mem>>)
      %dma_start3A_15 = arith.constant 0 : i32
      %dma_start3A_16 = tpu.memref_slice %arg10[%scan3A_9, %dma_start3A_15] : memref<250x80xi32, #tpu.memory_space<vmem>> -> memref<1x80xi32, #tpu.memory_space<vmem>>
      %dma_start3A_17 = tpu.memref_squeeze %dma_start3A_16 : memref<1x80xi32, #tpu.memory_space<vmem>> -> memref<80xi32, #tpu.memory_space<vmem>>
      %dma_start3A_18 = arith.constant 0 : i32
      %dma_start3A_19 = arith.constant 0 : i32
      %dma_start3A_20 = tpu.memref_slice %arg3[%dma_start3A_18, %dma_start3A_19] : memref<10000x128xf32, #tpu.memory_space<hbm>> -> memref<10000x128xf32, #tpu.memory_space<hbm>>
      tpu.enqueue_indirect_dma source(%dma_start3A_20 : memref<10000x128xf32, #tpu.memory_space<hbm>>) target(%arg13 : memref<80x128xf32, #tpu.memory_space<vmem>>) offsets(%dma_start3A_17 : memref<80xi32, #tpu.memory_space<vmem>>) semaphore(%arg18 : memref<!tpu.dma_semaphore, #tpu.memory_space<semaphore_mem>>)
      %get3A = arith.index_cast %scan3A_9 : i32 to index
      %get3A_21 = arith.constant 0 : index
      %get3A_22 = tpu.vector_load %arg10[%get3A, %get3A_21] {strides = array<i32>} : memref<250x80xi32, #tpu.memory_space<vmem>>, vector<1x16xi32>,
      %get3A_23 = vector.shape_cast %get3A_22 : vector<1x16xi32> to vector<16xi32>
      %sub3A = vector.broadcast %mul3A_2 : i32 to vector<16xi32>
      %sub3A_24 = arith.subi %get3A_23, %sub3A : vector<16xi32>
      %ge3A = arith.constant 0 : i32
      %ge3A_25 = vector.broadcast %ge3A : i32 to vector<16xi32>
      %ge3A_26 = arith.cmpi sge, %sub3A_24, %ge3A_25 : vector<16xi32>
      %lt3A = arith.constant 5000 : i32
      %lt3A_27 = vector.broadcast %lt3A : i32 to vector<16xi32>
      %lt3A_28 = arith.cmpi slt, %sub3A_24, %lt3A_27 : vector<16xi32>
      %and3A = arith.andi %ge3A_26, %lt3A_28 : vector<16xi1>
      %jit3A = arith.constant 5000 : i32
      %broadcast_in_dim3A = vector.broadcast %jit3A : i32 to vector<16xi32>
      %select_n3A = arith.select %and3A, %sub3A_24, %broadcast_in_dim3A : vector<16xi1>, vector<16xi32>
      %swap3A = arith.constant 0 : index
      %swap3A_29 = tpu.vector_load %arg11[%swap3A] {strides = array<i32>} : memref<80xi32, #tpu.memory_space<vmem>>, vector<16xi32>,
      %swap3A_30 = vector.shape_cast %swap3A_29 : vector<16xi32> to vector<16xi32>
      %swap3A_31 = vector.shape_cast %select_n3A : vector<16xi32> to vector<16xi32>
      tpu.vector_store %arg11[%swap3A], %swap3A_31 {strides = array<i32>} : memref<80xi32, #tpu.memory_space<vmem>>, vector<16xi32>,
      %get3A_32 = arith.index_cast %scan3A_9 : i32 to index
      %get3A_33 = arith.constant 16 : index
      %get3A_34 = tpu.vector_load %arg10[%get3A_32, %get3A_33] {strides = array<i32>} : memref<250x80xi32, #tpu.memory_space<vmem>>, vector<1x16xi32>,
      %get3A_35 = vector.shape_cast %get3A_34 : vector<1x16xi32> to vector<16xi32>
      %sub3A_36 = vector.broadcast %mul3A_2 : i32 to vector<16xi32>
      %sub3A_37 = arith.subi %get3A_35, %sub3A_36 : vector<16xi32>
      %ge3A_38 = arith.constant 0 : i32
      %ge3A_39 = vector.broadcast %ge3A_38 : i32 to vector<16xi32>
      %ge3A_40 = arith.cmpi sge, %sub3A_37, %ge3A_39 : vector<16xi32>
      %lt3A_41 = arith.constant 5000 : i32
      %lt3A_42 = vector.broadcast %lt3A_41 : i32 to vector<16xi32>
      %lt3A_43 = arith.cmpi slt, %sub3A_37, %lt3A_42 : vector<16xi32>
      %and3A_44 = arith.andi %ge3A_40, %lt3A_43 : vector<16xi1>
      %jit3A_45 = arith.constant 5000 : i32
      %broadcast_in_dim3A_46 = vector.broadcast %jit3A_45 : i32 to vector<16xi32>
      %select_n3A_47 = arith.select %and3A_44, %sub3A_37, %broadcast_in_dim3A_46 : vector<16xi1>, vector<16xi32>
      %swap3A_48 = arith.constant 16 : index
      %swap3A_49 = tpu.vector_load %arg11[%swap3A_48] {strides = array<i32>} : memref<80xi32, #tpu.memory_space<vmem>>, vector<16xi32>,
      %swap3A_50 = vector.shape_cast %swap3A_49 : vector<16xi32> to vector<16xi32>
      %swap3A_51 = vector.shape_cast %select_n3A_47 : vector<16xi32> to vector<16xi32>
      tpu.vector_store %arg11[%swap3A_48], %swap3A_51 {strides = array<i32>} : memref<80xi32, #tpu.memory_space<vmem>>, vector<16xi32>,
      %get3A_52 = arith.index_cast %scan3A_9 : i32 to index
      %get3A_53 = arith.constant 32 : index
      %get3A_54 = tpu.vector_load %arg10[%get3A_52, %get3A_53] {strides = array<i32>} : memref<250x80xi32, #tpu.memory_space<vmem>>, vector<1x16xi32>,
      %get3A_55 = vector.shape_cast %get3A_54 : vector<1x16xi32> to vector<16xi32>
      %sub3A_56 = vector.broadcast %mul3A_2 : i32 to vector<16xi32>
      %sub3A_57 = arith.subi %get3A_55, %sub3A_56 : vector<16xi32>
      %ge3A_58 = arith.constant 0 : i32
      %ge3A_59 = vector.broadcast %ge3A_58 : i32 to vector<16xi32>
      %ge3A_60 = arith.cmpi sge, %sub3A_57, %ge3A_59 : vector<16xi32>
      %lt3A_61 = arith.constant 5000 : i32
      %lt3A_62 = vector.broadcast %lt3A_61 : i32 to vector<16xi32>
      %lt3A_63 = arith.cmpi slt, %sub3A_57, %lt3A_62 : vector<16xi32>
      %and3A_64 = arith.andi %ge3A_60, %lt3A_63 : vector<16xi1>
      %jit3A_65 = arith.constant 5000 : i32
      %broadcast_in_dim3A_66 = vector.broadcast %jit3A_65 : i32 to vector<16xi32>
      %select_n3A_67 = arith.select %and3A_64, %sub3A_57, %broadcast_in_dim3A_66 : vector<16xi1>, vector<16xi32>
      %swap3A_68 = arith.constant 32 : index
      %swap3A_69 = tpu.vector_load %arg11[%swap3A_68] {strides = array<i32>} : memref<80xi32, #tpu.memory_space<vmem>>, vector<16xi32>,
      %swap3A_70 = vector.shape_cast %swap3A_69 : vector<16xi32> to vector<16xi32>
      %swap3A_71 = vector.shape_cast %select_n3A_67 : vector<16xi32> to vector<16xi32>
      tpu.vector_store %arg11[%swap3A_68], %swap3A_71 {strides = array<i32>} : memref<80xi32, #tpu.memory_space<vmem>>, vector<16xi32>,
      %get3A_72 = arith.index_cast %scan3A_9 : i32 to index
      %get3A_73 = arith.constant 48 : index
      %get3A_74 = tpu.vector_load %arg10[%get3A_72, %get3A_73] {strides = array<i32>} : memref<250x80xi32, #tpu.memory_space<vmem>>, vector<1x16xi32>,
      %get3A_75 = vector.shape_cast %get3A_74 : vector<1x16xi32> to vector<16xi32>
      %sub3A_76 = vector.broadcast %mul3A_2 : i32 to vector<16xi32>
      %sub3A_77 = arith.subi %get3A_75, %sub3A_76 : vector<16xi32>
      %ge3A_78 = arith.constant 0 : i32
      %ge3A_79 = vector.broadcast %ge3A_78 : i32 to vector<16xi32>
      %ge3A_80 = arith.cmpi sge, %sub3A_77, %ge3A_79 : vector<16xi32>
      %lt3A_81 = arith.constant 5000 : i32
      %lt3A_82 = vector.broadcast %lt3A_81 : i32 to vector<16xi32>
      %lt3A_83 = arith.cmpi slt, %sub3A_77, %lt3A_82 : vector<16xi32>
      %and3A_84 = arith.andi %ge3A_80, %lt3A_83 : vector<16xi1>
      %jit3A_85 = arith.constant 5000 : i32
      %broadcast_in_dim3A_86 = vector.broadcast %jit3A_85 : i32 to vector<16xi32>
      %select_n3A_87 = arith.select %and3A_84, %sub3A_77, %broadcast_in_dim3A_86 : vector<16xi1>, vector<16xi32>
      %swap3A_88 = arith.constant 48 : index
      %swap3A_89 = tpu.vector_load %arg11[%swap3A_88] {strides = array<i32>} : memref<80xi32, #tpu.memory_space<vmem>>, vector<16xi32>,
      %swap3A_90 = vector.shape_cast %swap3A_89 : vector<16xi32> to vector<16xi32>
      %swap3A_91 = vector.shape_cast %select_n3A_87 : vector<16xi32> to vector<16xi32>
      tpu.vector_store %arg11[%swap3A_88], %swap3A_91 {strides = array<i32>} : memref<80xi32, #tpu.memory_space<vmem>>, vector<16xi32>,
      %get3A_92 = arith.index_cast %scan3A_9 : i32 to index
      %get3A_93 = arith.constant 64 : index
      %get3A_94 = tpu.vector_load %arg10[%get3A_92, %get3A_93] {strides = array<i32>} : memref<250x80xi32, #tpu.memory_space<vmem>>, vector<1x16xi32>,
      %get3A_95 = vector.shape_cast %get3A_94 : vector<1x16xi32> to vector<16xi32>
      %sub3A_96 = vector.broadcast %mul3A_2 : i32 to vector<16xi32>
      %sub3A_97 = arith.subi %get3A_95, %sub3A_96 : vector<16xi32>
      %ge3A_98 = arith.constant 0 : i32
      %ge3A_99 = vector.broadcast %ge3A_98 : i32 to vector<16xi32>
      %ge3A_100 = arith.cmpi sge, %sub3A_97, %ge3A_99 : vector<16xi32>
      %lt3A_101 = arith.constant 5000 : i32
      %lt3A_102 = vector.broadcast %lt3A_101 : i32 to vector<16xi32>
      %lt3A_103 = arith.cmpi slt, %sub3A_97, %lt3A_102 : vector<16xi32>
      %and3A_104 = arith.andi %ge3A_100, %lt3A_103 : vector<16xi1>
      %jit3A_105 = arith.constant 5000 : i32
      %broadcast_in_dim3A_106 = vector.broadcast %jit3A_105 : i32 to vector<16xi32>
      %select_n3A_107 = arith.select %and3A_104, %sub3A_97, %broadcast_in_dim3A_106 : vector<16xi1>, vector<16xi32>
      %swap3A_108 = arith.constant 64 : index
      %swap3A_109 = tpu.vector_load %arg11[%swap3A_108] {strides = array<i32>} : memref<80xi32, #tpu.memory_space<vmem>>, vector<16xi32>,
      %swap3A_110 = vector.shape_cast %swap3A_109 : vector<16xi32> to vector<16xi32>
      %swap3A_111 = vector.shape_cast %select_n3A_107 : vector<16xi32> to vector<16xi32>
      tpu.vector_store %arg11[%swap3A_108], %swap3A_111 {strides = array<i32>} : memref<80xi32, #tpu.memory_space<vmem>>, vector<16xi32>,
      %dma_wait3A = arith.constant 0 : i32
      %dma_wait3A_112 = tpu.memref_slice %arg9[%scan3A_9, %dma_wait3A] : memref<250x80xi32, #tpu.memory_space<vmem>> -> memref<1x80xi32, #tpu.memory_space<vmem>>
      %dma_wait3A_113 = tpu.memref_squeeze %dma_wait3A_112 : memref<1x80xi32, #tpu.memory_space<vmem>> -> memref<80xi32, #tpu.memory_space<vmem>>
      %dma_wait3A_114 = arith.constant 0 : i32
      %dma_wait3A_115 = arith.constant 0 : i32
      %dma_wait3A_116 = tpu.memref_slice %arg2[%dma_wait3A_114, %dma_wait3A_115] : memref<10000x128xf32, #tpu.memory_space<hbm>> -> memref<10000x128xf32, #tpu.memory_space<hbm>>
      tpu.wait_indirect_dma semaphore(%arg17 : memref<!tpu.dma_semaphore, #tpu.memory_space<semaphore_mem>>) src(%dma_wait3A_116 : memref<10000x128xf32, #tpu.memory_space<hbm>>) dst(%arg12 : memref<80x128xf32, #tpu.memory_space<vmem>>)
      %dma_wait3A_117 = arith.constant 0 : i32
      %dma_wait3A_118 = tpu.memref_slice %arg10[%scan3A_9, %dma_wait3A_117] : memref<250x80xi32, #tpu.memory_space<vmem>> -> memref<1x80xi32, #tpu.memory_space<vmem>>
      %dma_wait3A_119 = tpu.memref_squeeze %dma_wait3A_118 : memref<1x80xi32, #tpu.memory_space<vmem>> -> memref<80xi32, #tpu.memory_space<vmem>>
      %dma_wait3A_120 = arith.constant 0 : i32
      %dma_wait3A_121 = arith.constant 0 : i32
      %dma_wait3A_122 = tpu.memref_slice %arg3[%dma_wait3A_120, %dma_wait3A_121] : memref<10000x128xf32, #tpu.memory_space<hbm>> -> memref<10000x128xf32, #tpu.memory_space<hbm>>
      tpu.wait_indirect_dma semaphore(%arg18 : memref<!tpu.dma_semaphore, #tpu.memory_space<semaphore_mem>>) src(%dma_wait3A_122 : memref<10000x128xf32, #tpu.memory_space<hbm>>) dst(%arg13 : memref<80x128xf32, #tpu.memory_space<vmem>>)
      %scan3A_123 = arith.constant 0 : i32
      %scan3A_124 = arith.constant 0 : i32
      %scan3A_125 = arith.constant 80 : i32
      %scan3A_126 = arith.addi %scan3A_124, %scan3A_125 : i32
      %scan3A_127 = arith.constant 1 : i32
      scf.for %scan3A_129 = %scan3A_124 to %scan3A_126 step %scan3A_127  : i32 {
        %broadcast_in_dim3A_130 = arith.constant 0.000000e+00 : f32
        %broadcast_in_dim3A_131 = vector.broadcast %broadcast_in_dim3A_130 : f32 to vector<16xf32>
        %get3A_132 = arith.index_cast %scan3A_129 : i32 to index
        %get3A_133 = arith.constant 0 : index
        %get3A_134 = tpu.vector_load %arg12[%get3A_132, %get3A_133] {strides = array<i32>} : memref<80x128xf32, #tpu.memory_space<vmem>>, vector<1x16xf32>,
        %get3A_135 = vector.shape_cast %get3A_134 : vector<1x16xf32> to vector<16xf32>
        %get3A_136 = arith.index_cast %scan3A_129 : i32 to index
        %get3A_137 = arith.constant 0 : index
        %get3A_138 = tpu.vector_load %arg13[%get3A_136, %get3A_137] {strides = array<i32>} : memref<80x128xf32, #tpu.memory_space<vmem>>, vector<1x16xf32>,
        %get3A_139 = vector.shape_cast %get3A_138 : vector<1x16xf32> to vector<16xf32>
        %add3A = arith.addf %get3A_135, %get3A_139 : vector<16xf32>
        %mul3A_140 = arith.constant 2.000000e-01 : f32
        %mul3A_141 = vector.broadcast %mul3A_140 : f32 to vector<16xf32>
        %mul3A_142 = arith.mulf %add3A, %mul3A_141 : vector<16xf32>
        %max3A = arith.maximumf %add3A, %mul3A_142 : vector<16xf32>
        %get3A_143 = arith.constant 0 : index
        %get3A_144 = tpu.vector_load %arg15[%get3A_143] {strides = array<i32>} : memref<128xf32, #tpu.memory_space<vmem>>, vector<16xf32>,
        %get3A_145 = vector.shape_cast %get3A_144 : vector<16xf32> to vector<16xf32>
        %mul3A_146 = arith.mulf %max3A, %get3A_145 : vector<16xf32>
        %add3A_147 = arith.addf %broadcast_in_dim3A_131, %mul3A_146 : vector<16xf32>
        %get3A_148 = arith.index_cast %scan3A_129 : i32 to index
        %get3A_149 = arith.constant 16 : index
        %get3A_150 = tpu.vector_load %arg12[%get3A_148, %get3A_149] {strides = array<i32>} : memref<80x128xf32, #tpu.memory_space<vmem>>, vector<1x16xf32>,
        %get3A_151 = vector.shape_cast %get3A_150 : vector<1x16xf32> to vector<16xf32>
        %get3A_152 = arith.index_cast %scan3A_129 : i32 to index
        %get3A_153 = arith.constant 16 : index
        %get3A_154 = tpu.vector_load %arg13[%get3A_152, %get3A_153] {strides = array<i32>} : memref<80x128xf32, #tpu.memory_space<vmem>>, vector<1x16xf32>,
        %get3A_155 = vector.shape_cast %get3A_154 : vector<1x16xf32> to vector<16xf32>
        %add3A_156 = arith.addf %get3A_151, %get3A_155 : vector<16xf32>
        %mul3A_157 = arith.constant 2.000000e-01 : f32
        %mul3A_158 = vector.broadcast %mul3A_157 : f32 to vector<16xf32>
        %mul3A_159 = arith.mulf %add3A_156, %mul3A_158 : vector<16xf32>
        %max3A_160 = arith.maximumf %add3A_156, %mul3A_159 : vector<16xf32>
        %get3A_161 = arith.constant 16 : index
        %get3A_162 = tpu.vector_load %arg15[%get3A_161] {strides = array<i32>} : memref<128xf32, #tpu.memory_space<vmem>>, vector<16xf32>,
        %get3A_163 = vector.shape_cast %get3A_162 : vector<16xf32> to vector<16xf32>
        %mul3A_164 = arith.mulf %max3A_160, %get3A_163 : vector<16xf32>
        %add3A_165 = arith.addf %add3A_147, %mul3A_164 : vector<16xf32>
        %get3A_166 = arith.index_cast %scan3A_129 : i32 to index
        %get3A_167 = arith.constant 32 : index
        %get3A_168 = tpu.vector_load %arg12[%get3A_166, %get3A_167] {strides = array<i32>} : memref<80x128xf32, #tpu.memory_space<vmem>>, vector<1x16xf32>,
        %get3A_169 = vector.shape_cast %get3A_168 : vector<1x16xf32> to vector<16xf32>
        %get3A_170 = arith.index_cast %scan3A_129 : i32 to index
        %get3A_171 = arith.constant 32 : index
        %get3A_172 = tpu.vector_load %arg13[%get3A_170, %get3A_171] {strides = array<i32>} : memref<80x128xf32, #tpu.memory_space<vmem>>, vector<1x16xf32>,
        %get3A_173 = vector.shape_cast %get3A_172 : vector<1x16xf32> to vector<16xf32>
        %add3A_174 = arith.addf %get3A_169, %get3A_173 : vector<16xf32>
        %mul3A_175 = arith.constant 2.000000e-01 : f32
        %mul3A_176 = vector.broadcast %mul3A_175 : f32 to vector<16xf32>
        %mul3A_177 = arith.mulf %add3A_174, %mul3A_176 : vector<16xf32>
        %max3A_178 = arith.maximumf %add3A_174, %mul3A_177 : vector<16xf32>
        %get3A_179 = arith.constant 32 : index
        %get3A_180 = tpu.vector_load %arg15[%get3A_179] {strides = array<i32>} : memref<128xf32, #tpu.memory_space<vmem>>, vector<16xf32>,
        %get3A_181 = vector.shape_cast %get3A_180 : vector<16xf32> to vector<16xf32>
        %mul3A_182 = arith.mulf %max3A_178, %get3A_181 : vector<16xf32>
        %add3A_183 = arith.addf %add3A_165, %mul3A_182 : vector<16xf32>
        %get3A_184 = arith.index_cast %scan3A_129 : i32 to index
        %get3A_185 = arith.constant 48 : index
        %get3A_186 = tpu.vector_load %arg12[%get3A_184, %get3A_185] {strides = array<i32>} : memref<80x128xf32, #tpu.memory_space<vmem>>, vector<1x16xf32>,
        %get3A_187 = vector.shape_cast %get3A_186 : vector<1x16xf32> to vector<16xf32>
        %get3A_188 = arith.index_cast %scan3A_129 : i32 to index
        %get3A_189 = arith.constant 48 : index
        %get3A_190 = tpu.vector_load %arg13[%get3A_188, %get3A_189] {strides = array<i32>} : memref<80x128xf32, #tpu.memory_space<vmem>>, vector<1x16xf32>,
        %get3A_191 = vector.shape_cast %get3A_190 : vector<1x16xf32> to vector<16xf32>
        %add3A_192 = arith.addf %get3A_187, %get3A_191 : vector<16xf32>
        %mul3A_193 = arith.constant 2.000000e-01 : f32
        %mul3A_194 = vector.broadcast %mul3A_193 : f32 to vector<16xf32>
        %mul3A_195 = arith.mulf %add3A_192, %mul3A_194 : vector<16xf32>
        %max3A_196 = arith.maximumf %add3A_192, %mul3A_195 : vector<16xf32>
        %get3A_197 = arith.constant 48 : index
        %get3A_198 = tpu.vector_load %arg15[%get3A_197] {strides = array<i32>} : memref<128xf32, #tpu.memory_space<vmem>>, vector<16xf32>,
        %get3A_199 = vector.shape_cast %get3A_198 : vector<16xf32> to vector<16xf32>
        %mul3A_200 = arith.mulf %max3A_196, %get3A_199 : vector<16xf32>
        %add3A_201 = arith.addf %add3A_183, %mul3A_200 : vector<16xf32>
        %get3A_202 = arith.index_cast %scan3A_129 : i32 to index
        %get3A_203 = arith.constant 64 : index
        %get3A_204 = tpu.vector_load %arg12[%get3A_202, %get3A_203] {strides = array<i32>} : memref<80x128xf32, #tpu.memory_space<vmem>>, vector<1x16xf32>,
        %get3A_205 = vector.shape_cast %get3A_204 : vector<1x16xf32> to vector<16xf32>
        %get3A_206 = arith.index_cast %scan3A_129 : i32 to index
        %get3A_207 = arith.constant 64 : index
        %get3A_208 = tpu.vector_load %arg13[%get3A_206, %get3A_207] {strides = array<i32>} : memref<80x128xf32, #tpu.memory_space<vmem>>, vector<1x16xf32>,
        %get3A_209 = vector.shape_cast %get3A_208 : vector<1x16xf32> to vector<16xf32>
        %add3A_210 = arith.addf %get3A_205, %get3A_209 : vector<16xf32>
        %mul3A_211 = arith.constant 2.000000e-01 : f32
        %mul3A_212 = vector.broadcast %mul3A_211 : f32 to vector<16xf32>
        %mul3A_213 = arith.mulf %add3A_210, %mul3A_212 : vector<16xf32>
        %max3A_214 = arith.maximumf %add3A_210, %mul3A_213 : vector<16xf32>
        %get3A_215 = arith.constant 64 : index
        %get3A_216 = tpu.vector_load %arg15[%get3A_215] {strides = array<i32>} : memref<128xf32, #tpu.memory_space<vmem>>, vector<16xf32>,
        %get3A_217 = vector.shape_cast %get3A_216 : vector<16xf32> to vector<16xf32>
        %mul3A_218 = arith.mulf %max3A_214, %get3A_217 : vector<16xf32>
        %add3A_219 = arith.addf %add3A_201, %mul3A_218 : vector<16xf32>
        %get3A_220 = arith.index_cast %scan3A_129 : i32 to index
        %get3A_221 = arith.constant 80 : index
        %get3A_222 = tpu.vector_load %arg12[%get3A_220, %get3A_221] {strides = array<i32>} : memref<80x128xf32, #tpu.memory_space<vmem>>, vector<1x16xf32>,
        %get3A_223 = vector.shape_cast %get3A_222 : vector<1x16xf32> to vector<16xf32>
        %get3A_224 = arith.index_cast %scan3A_129 : i32 to index
        %get3A_225 = arith.constant 80 : index
        %get3A_226 = tpu.vector_load %arg13[%get3A_224, %get3A_225] {strides = array<i32>} : memref<80x128xf32, #tpu.memory_space<vmem>>, vector<1x16xf32>,
        %get3A_227 = vector.shape_cast %get3A_226 : vector<1x16xf32> to vector<16xf32>
        %add3A_228 = arith.addf %get3A_223, %get3A_227 : vector<16xf32>
        %mul3A_229 = arith.constant 2.000000e-01 : f32
        %mul3A_230 = vector.broadcast %mul3A_229 : f32 to vector<16xf32>
        %mul3A_231 = arith.mulf %add3A_228, %mul3A_230 : vector<16xf32>
        %max3A_232 = arith.maximumf %add3A_228, %mul3A_231 : vector<16xf32>
        %get3A_233 = arith.constant 80 : index
        %get3A_234 = tpu.vector_load %arg15[%get3A_233] {strides = array<i32>} : memref<128xf32, #tpu.memory_space<vmem>>, vector<16xf32>,
        %get3A_235 = vector.shape_cast %get3A_234 : vector<16xf32> to vector<16xf32>
        %mul3A_236 = arith.mulf %max3A_232, %get3A_235 : vector<16xf32>
        %add3A_237 = arith.addf %add3A_219, %mul3A_236 : vector<16xf32>
        %get3A_238 = arith.index_cast %scan3A_129 : i32 to index
        %get3A_239 = arith.constant 96 : index
        %get3A_240 = tpu.vector_load %arg12[%get3A_238, %get3A_239] {strides = array<i32>} : memref<80x128xf32, #tpu.memory_space<vmem>>, vector<1x16xf32>,
        %get3A_241 = vector.shape_cast %get3A_240 : vector<1x16xf32> to vector<16xf32>
        %get3A_242 = arith.index_cast %scan3A_129 : i32 to index
        %get3A_243 = arith.constant 96 : index
        %get3A_244 = tpu.vector_load %arg13[%get3A_242, %get3A_243] {strides = array<i32>} : memref<80x128xf32, #tpu.memory_space<vmem>>, vector<1x16xf32>,
        %get3A_245 = vector.shape_cast %get3A_244 : vector<1x16xf32> to vector<16xf32>
        %add3A_246 = arith.addf %get3A_241, %get3A_245 : vector<16xf32>
        %mul3A_247 = arith.constant 2.000000e-01 : f32
        %mul3A_248 = vector.broadcast %mul3A_247 : f32 to vector<16xf32>
        %mul3A_249 = arith.mulf %add3A_246, %mul3A_248 : vector<16xf32>
        %max3A_250 = arith.maximumf %add3A_246, %mul3A_249 : vector<16xf32>
        %get3A_251 = arith.constant 96 : index
        %get3A_252 = tpu.vector_load %arg15[%get3A_251] {strides = array<i32>} : memref<128xf32, #tpu.memory_space<vmem>>, vector<16xf32>,
        %get3A_253 = vector.shape_cast %get3A_252 : vector<16xf32> to vector<16xf32>
        %mul3A_254 = arith.mulf %max3A_250, %get3A_253 : vector<16xf32>
        %add3A_255 = arith.addf %add3A_237, %mul3A_254 : vector<16xf32>
        %get3A_256 = arith.index_cast %scan3A_129 : i32 to index
        %get3A_257 = arith.constant 112 : index
        %get3A_258 = tpu.vector_load %arg12[%get3A_256, %get3A_257] {strides = array<i32>} : memref<80x128xf32, #tpu.memory_space<vmem>>, vector<1x16xf32>,
        %get3A_259 = vector.shape_cast %get3A_258 : vector<1x16xf32> to vector<16xf32>
        %get3A_260 = arith.index_cast %scan3A_129 : i32 to index
        %get3A_261 = arith.constant 112 : index
        %get3A_262 = tpu.vector_load %arg13[%get3A_260, %get3A_261] {strides = array<i32>} : memref<80x128xf32, #tpu.memory_space<vmem>>, vector<1x16xf32>,
        %get3A_263 = vector.shape_cast %get3A_262 : vector<1x16xf32> to vector<16xf32>
        %add3A_264 = arith.addf %get3A_259, %get3A_263 : vector<16xf32>
        %mul3A_265 = arith.constant 2.000000e-01 : f32
        %mul3A_266 = vector.broadcast %mul3A_265 : f32 to vector<16xf32>
        %mul3A_267 = arith.mulf %add3A_264, %mul3A_266 : vector<16xf32>
        %max3A_268 = arith.maximumf %add3A_264, %mul3A_267 : vector<16xf32>
        %get3A_269 = arith.constant 112 : index
        %get3A_270 = tpu.vector_load %arg15[%get3A_269] {strides = array<i32>} : memref<128xf32, #tpu.memory_space<vmem>>, vector<16xf32>,
        %get3A_271 = vector.shape_cast %get3A_270 : vector<16xf32> to vector<16xf32>
        %mul3A_272 = arith.mulf %max3A_268, %get3A_271 : vector<16xf32>
        %add3A_273 = arith.addf %add3A_255, %mul3A_272 : vector<16xf32>
        %xor3A = arith.constant 1 : i32
        %xor3A_274 = vector.broadcast %xor3A : i32 to vector<16xi32>
        %xor3A_275 = arith.xori %iota3A, %xor3A_274 : vector<16xi32>
        %broadcast_in_dim3A_276 = vector.shape_cast %xor3A_275 : vector<16xi32> to vector<16x1xi32>
        %gather3A = vector.shape_cast %broadcast_in_dim3A_276 : vector<16x1xi32> to vector<16xi32>
        %gather3A_277 = tpu.dynamic_gather %add3A_273[%gather3A] in [0] : vector<16xf32>, vector<16xi32> -> vector<16xf32>
        %add3A_278 = arith.addf %add3A_273, %gather3A_277 : vector<16xf32>
        %xor3A_279 = arith.constant 2 : i32
        %xor3A_280 = vector.broadcast %xor3A_279 : i32 to vector<16xi32>
        %xor3A_281 = arith.xori %iota3A, %xor3A_280 : vector<16xi32>
        %broadcast_in_dim3A_282 = vector.shape_cast %xor3A_281 : vector<16xi32> to vector<16x1xi32>
        %gather3A_283 = vector.shape_cast %broadcast_in_dim3A_282 : vector<16x1xi32> to vector<16xi32>
        %gather3A_284 = tpu.dynamic_gather %add3A_278[%gather3A_283] in [0] : vector<16xf32>, vector<16xi32> -> vector<16xf32>
        %add3A_285 = arith.addf %add3A_278, %gather3A_284 : vector<16xf32>
        %xor3A_286 = arith.constant 4 : i32
        %xor3A_287 = vector.broadcast %xor3A_286 : i32 to vector<16xi32>
        %xor3A_288 = arith.xori %iota3A, %xor3A_287 : vector<16xi32>
        %broadcast_in_dim3A_289 = vector.shape_cast %xor3A_288 : vector<16xi32> to vector<16x1xi32>
        %gather3A_290 = vector.shape_cast %broadcast_in_dim3A_289 : vector<16x1xi32> to vector<16xi32>
        %gather3A_291 = tpu.dynamic_gather %add3A_285[%gather3A_290] in [0] : vector<16xf32>, vector<16xi32> -> vector<16xf32>
        %add3A_292 = arith.addf %add3A_285, %gather3A_291 : vector<16xf32>
        %xor3A_293 = arith.constant 8 : i32
        %xor3A_294 = vector.broadcast %xor3A_293 : i32 to vector<16xi32>
        %xor3A_295 = arith.xori %iota3A, %xor3A_294 : vector<16xi32>
        %broadcast_in_dim3A_296 = vector.shape_cast %xor3A_295 : vector<16xi32> to vector<16x1xi32>
        %gather3A_297 = vector.shape_cast %broadcast_in_dim3A_296 : vector<16x1xi32> to vector<16xi32>
        %gather3A_298 = tpu.dynamic_gather %add3A_292[%gather3A_297] in [0] : vector<16xf32>, vector<16xi32> -> vector<16xf32>
        %add3A_299 = arith.addf %add3A_292, %gather3A_298 : vector<16xf32>
        %exp3A = math.exp %add3A_299 : vector<16xf32>
        %get3A_300 = arith.index_cast %scan3A_129 : i32 to index
        %get3A_301 = arith.constant 0 : index
        %get3A_302 = tpu.vector_load %arg12[%get3A_300, %get3A_301] {strides = array<i32>} : memref<80x128xf32, #tpu.memory_space<vmem>>, vector<1x16xf32>,
        %get3A_303 = vector.shape_cast %get3A_302 : vector<1x16xf32> to vector<16xf32>
        %mul3A_304 = arith.mulf %exp3A, %get3A_303 : vector<16xf32>
        %swap3A_305 = arith.index_cast %scan3A_129 : i32 to index
        %swap3A_306 = arith.constant 0 : index
        %swap3A_307 = tpu.vector_load %arg14[%swap3A_305, %swap3A_306] {strides = array<i32>} : memref<80x144xf32, #tpu.memory_space<vmem>>, vector<1x16xf32>,
        %swap3A_308 = vector.shape_cast %swap3A_307 : vector<1x16xf32> to vector<16xf32>
        %swap3A_309 = vector.shape_cast %mul3A_304 : vector<16xf32> to vector<1x16xf32>
        tpu.vector_store %arg14[%swap3A_305, %swap3A_306], %swap3A_309 {strides = array<i32>} : memref<80x144xf32, #tpu.memory_space<vmem>>, vector<1x16xf32>,
        %get3A_310 = arith.index_cast %scan3A_129 : i32 to index
        %get3A_311 = arith.constant 16 : index
        %get3A_312 = tpu.vector_load %arg12[%get3A_310, %get3A_311] {strides = array<i32>} : memref<80x128xf32, #tpu.memory_space<vmem>>, vector<1x16xf32>,
        %get3A_313 = vector.shape_cast %get3A_312 : vector<1x16xf32> to vector<16xf32>
        %mul3A_314 = arith.mulf %exp3A, %get3A_313 : vector<16xf32>
        %swap3A_315 = arith.index_cast %scan3A_129 : i32 to index
        %swap3A_316 = arith.constant 16 : index
        %swap3A_317 = tpu.vector_load %arg14[%swap3A_315, %swap3A_316] {strides = array<i32>} : memref<80x144xf32, #tpu.memory_space<vmem>>, vector<1x16xf32>,
        %swap3A_318 = vector.shape_cast %swap3A_317 : vector<1x16xf32> to vector<16xf32>
        %swap3A_319 = vector.shape_cast %mul3A_314 : vector<16xf32> to vector<1x16xf32>
        tpu.vector_store %arg14[%swap3A_315, %swap3A_316], %swap3A_319 {strides = array<i32>} : memref<80x144xf32, #tpu.memory_space<vmem>>, vector<1x16xf32>,
        %get3A_320 = arith.index_cast %scan3A_129 : i32 to index
        %get3A_321 = arith.constant 32 : index
        %get3A_322 = tpu.vector_load %arg12[%get3A_320, %get3A_321] {strides = array<i32>} : memref<80x128xf32, #tpu.memory_space<vmem>>, vector<1x16xf32>,
        %get3A_323 = vector.shape_cast %get3A_322 : vector<1x16xf32> to vector<16xf32>
        %mul3A_324 = arith.mulf %exp3A, %get3A_323 : vector<16xf32>
        %swap3A_325 = arith.index_cast %scan3A_129 : i32 to index
        %swap3A_326 = arith.constant 32 : index
        %swap3A_327 = tpu.vector_load %arg14[%swap3A_325, %swap3A_326] {strides = array<i32>} : memref<80x144xf32, #tpu.memory_space<vmem>>, vector<1x16xf32>,
        %swap3A_328 = vector.shape_cast %swap3A_327 : vector<1x16xf32> to vector<16xf32>
        %swap3A_329 = vector.shape_cast %mul3A_324 : vector<16xf32> to vector<1x16xf32>
        tpu.vector_store %arg14[%swap3A_325, %swap3A_326], %swap3A_329 {strides = array<i32>} : memref<80x144xf32, #tpu.memory_space<vmem>>, vector<1x16xf32>,
        %get3A_330 = arith.index_cast %scan3A_129 : i32 to index
        %get3A_331 = arith.constant 48 : index
        %get3A_332 = tpu.vector_load %arg12[%get3A_330, %get3A_331] {strides = array<i32>} : memref<80x128xf32, #tpu.memory_space<vmem>>, vector<1x16xf32>,
        %get3A_333 = vector.shape_cast %get3A_332 : vector<1x16xf32> to vector<16xf32>
        %mul3A_334 = arith.mulf %exp3A, %get3A_333 : vector<16xf32>
        %swap3A_335 = arith.index_cast %scan3A_129 : i32 to index
        %swap3A_336 = arith.constant 48 : index
        %swap3A_337 = tpu.vector_load %arg14[%swap3A_335, %swap3A_336] {strides = array<i32>} : memref<80x144xf32, #tpu.memory_space<vmem>>, vector<1x16xf32>,
        %swap3A_338 = vector.shape_cast %swap3A_337 : vector<1x16xf32> to vector<16xf32>
        %swap3A_339 = vector.shape_cast %mul3A_334 : vector<16xf32> to vector<1x16xf32>
        tpu.vector_store %arg14[%swap3A_335, %swap3A_336], %swap3A_339 {strides = array<i32>} : memref<80x144xf32, #tpu.memory_space<vmem>>, vector<1x16xf32>,
        %get3A_340 = arith.index_cast %scan3A_129 : i32 to index
        %get3A_341 = arith.constant 64 : index
        %get3A_342 = tpu.vector_load %arg12[%get3A_340, %get3A_341] {strides = array<i32>} : memref<80x128xf32, #tpu.memory_space<vmem>>, vector<1x16xf32>,
        %get3A_343 = vector.shape_cast %get3A_342 : vector<1x16xf32> to vector<16xf32>
        %mul3A_344 = arith.mulf %exp3A, %get3A_343 : vector<16xf32>
        %swap3A_345 = arith.index_cast %scan3A_129 : i32 to index
        %swap3A_346 = arith.constant 64 : index
        %swap3A_347 = tpu.vector_load %arg14[%swap3A_345, %swap3A_346] {strides = array<i32>} : memref<80x144xf32, #tpu.memory_space<vmem>>, vector<1x16xf32>,
        %swap3A_348 = vector.shape_cast %swap3A_347 : vector<1x16xf32> to vector<16xf32>
        %swap3A_349 = vector.shape_cast %mul3A_344 : vector<16xf32> to vector<1x16xf32>
        tpu.vector_store %arg14[%swap3A_345, %swap3A_346], %swap3A_349 {strides = array<i32>} : memref<80x144xf32, #tpu.memory_space<vmem>>, vector<1x16xf32>,
        %get3A_350 = arith.index_cast %scan3A_129 : i32 to index
        %get3A_351 = arith.constant 80 : index
        %get3A_352 = tpu.vector_load %arg12[%get3A_350, %get3A_351] {strides = array<i32>} : memref<80x128xf32, #tpu.memory_space<vmem>>, vector<1x16xf32>,
        %get3A_353 = vector.shape_cast %get3A_352 : vector<1x16xf32> to vector<16xf32>
        %mul3A_354 = arith.mulf %exp3A, %get3A_353 : vector<16xf32>
        %swap3A_355 = arith.index_cast %scan3A_129 : i32 to index
        %swap3A_356 = arith.constant 80 : index
        %swap3A_357 = tpu.vector_load %arg14[%swap3A_355, %swap3A_356] {strides = array<i32>} : memref<80x144xf32, #tpu.memory_space<vmem>>, vector<1x16xf32>,
        %swap3A_358 = vector.shape_cast %swap3A_357 : vector<1x16xf32> to vector<16xf32>
        %swap3A_359 = vector.shape_cast %mul3A_354 : vector<16xf32> to vector<1x16xf32>
        tpu.vector_store %arg14[%swap3A_355, %swap3A_356], %swap3A_359 {strides = array<i32>} : memref<80x144xf32, #tpu.memory_space<vmem>>, vector<1x16xf32>,
        %get3A_360 = arith.index_cast %scan3A_129 : i32 to index
        %get3A_361 = arith.constant 96 : index
        %get3A_362 = tpu.vector_load %arg12[%get3A_360, %get3A_361] {strides = array<i32>} : memref<80x128xf32, #tpu.memory_space<vmem>>, vector<1x16xf32>,
        %get3A_363 = vector.shape_cast %get3A_362 : vector<1x16xf32> to vector<16xf32>
        %mul3A_364 = arith.mulf %exp3A, %get3A_363 : vector<16xf32>
        %swap3A_365 = arith.index_cast %scan3A_129 : i32 to index
        %swap3A_366 = arith.constant 96 : index
        %swap3A_367 = tpu.vector_load %arg14[%swap3A_365, %swap3A_366] {strides = array<i32>} : memref<80x144xf32, #tpu.memory_space<vmem>>, vector<1x16xf32>,
        %swap3A_368 = vector.shape_cast %swap3A_367 : vector<1x16xf32> to vector<16xf32>
        %swap3A_369 = vector.shape_cast %mul3A_364 : vector<16xf32> to vector<1x16xf32>
        tpu.vector_store %arg14[%swap3A_365, %swap3A_366], %swap3A_369 {strides = array<i32>} : memref<80x144xf32, #tpu.memory_space<vmem>>, vector<1x16xf32>,
        %get3A_370 = arith.index_cast %scan3A_129 : i32 to index
        %get3A_371 = arith.constant 112 : index
        %get3A_372 = tpu.vector_load %arg12[%get3A_370, %get3A_371] {strides = array<i32>} : memref<80x128xf32, #tpu.memory_space<vmem>>, vector<1x16xf32>,
        %get3A_373 = vector.shape_cast %get3A_372 : vector<1x16xf32> to vector<16xf32>
        %mul3A_374 = arith.mulf %exp3A, %get3A_373 : vector<16xf32>
        %swap3A_375 = arith.index_cast %scan3A_129 : i32 to index
        %swap3A_376 = arith.constant 112 : index
        %swap3A_377 = tpu.vector_load %arg14[%swap3A_375, %swap3A_376] {strides = array<i32>} : memref<80x144xf32, #tpu.memory_space<vmem>>, vector<1x16xf32>,
        %swap3A_378 = vector.shape_cast %swap3A_377 : vector<1x16xf32> to vector<16xf32>
        %swap3A_379 = vector.shape_cast %mul3A_374 : vector<16xf32> to vector<1x16xf32>
        tpu.vector_store %arg14[%swap3A_375, %swap3A_376], %swap3A_379 {strides = array<i32>} : memref<80x144xf32, #tpu.memory_space<vmem>>, vector<1x16xf32>,
        %eq3A = arith.constant 0 : i32
        %eq3A_380 = vector.broadcast %eq3A : i32 to vector<16xi32>
        %eq3A_381 = arith.cmpi eq, %iota3A, %eq3A_380 : vector<16xi32>
        %jit3A_382 = arith.constant 0.000000e+00 : f32
        %broadcast_in_dim3A_383 = vector.broadcast %jit3A_382 : f32 to vector<16xf32>
        %select_n3A_384 = arith.select %eq3A_381, %exp3A, %broadcast_in_dim3A_383 : vector<16xi1>, vector<16xf32>
        %swap3A_385 = arith.index_cast %scan3A_129 : i32 to index
        %swap3A_386 = arith.constant 128 : index
        %swap3A_387 = tpu.vector_load %arg14[%swap3A_385, %swap3A_386] {strides = array<i32>} : memref<80x144xf32, #tpu.memory_space<vmem>>, vector<1x16xf32>,
        %swap3A_388 = vector.shape_cast %swap3A_387 : vector<1x16xf32> to vector<16xf32>
        %swap3A_389 = vector.shape_cast %select_n3A_384 : vector<16xf32> to vector<1x16xf32>
        tpu.vector_store %arg14[%swap3A_385, %swap3A_386], %swap3A_389 {strides = array<i32>} : memref<80x144xf32, #tpu.memory_space<vmem>>, vector<1x16xf32>,
      }
      %scan3A_128 = arith.constant 80 : i32
      "tpu.region"() ({
        %run_scoped3A = tpu.sem_alloc : memref<!tpu.dma_semaphore, #tpu.memory_space<semaphore_mem>>
        %dma_start3A_129 = arith.constant 0 : i32
        %dma_start3A_130 = arith.constant 0 : i32
        %dma_start3A_131 = tpu.memref_slice %arg16[%dma_start3A_129, %dma_start3A_130] : memref<5120x144xf32, #tpu.memory_space<vmem_shared>> -> memref<5120x144xf32, #tpu.memory_space<vmem_shared>>
        tpu.enqueue_indirect_dma source(%arg14 : memref<80x144xf32, #tpu.memory_space<vmem>>) target(%dma_start3A_131 : memref<5120x144xf32, #tpu.memory_space<vmem_shared>>) offsets(%arg11 : memref<80xi32, #tpu.memory_space<vmem>>) semaphore(%run_scoped3A : memref<!tpu.dma_semaphore, #tpu.memory_space<semaphore_mem>>) {add = true}
        %dma_wait3A_132 = arith.constant 0 : i32
        %dma_wait3A_133 = arith.constant 0 : i32
        %dma_wait3A_134 = tpu.memref_slice %arg16[%dma_wait3A_132, %dma_wait3A_133] : memref<5120x144xf32, #tpu.memory_space<vmem_shared>> -> memref<5120x144xf32, #tpu.memory_space<vmem_shared>>
        tpu.wait_indirect_dma semaphore(%run_scoped3A : memref<!tpu.dma_semaphore, #tpu.memory_space<semaphore_mem>>) src(%arg14 : memref<80x144xf32, #tpu.memory_space<vmem>>) dst(%dma_wait3A_134 : memref<5120x144xf32, #tpu.memory_space<vmem_shared>>)
        tpu.yield
      }) : () -> ()
    }
    %scan3A_7 = arith.constant 250 : i32
    %barrier3A_8 = arith.constant 0 : index
    tpu.barrier barrier_id(%barrier3A_8)
    "tpu.region"() ({
      %run_scoped3A = tpu.sem_alloc : memref<!tpu.dma_semaphore, #tpu.memory_space<semaphore_mem>>
      %dma_start3A = arith.constant 0 : i32
      %dma_start3A_9 = tpu.memref_slice %arg8[%arg0, %multiple_of3A, %dma_start3A] : memref<2x5120x144xf32, #tpu.memory_space<hbm>> -> memref<1x320x144xf32, #tpu.memory_space<hbm>>
      %dma_start3A_10 = tpu.memref_squeeze %dma_start3A_9 : memref<1x320x144xf32, #tpu.memory_space<hbm>> -> memref<320x144xf32, #tpu.memory_space<hbm>>
      %dma_start3A_11 = arith.constant 0 : i32
      %dma_start3A_12 = tpu.memref_slice %arg16[%multiple_of3A, %dma_start3A_11] : memref<5120x144xf32, #tpu.memory_space<vmem_shared>> -> memref<320x144xf32, #tpu.memory_space<vmem_shared>>
      tpu.enqueue_dma source(%dma_start3A_12 : memref<320x144xf32, #tpu.memory_space<vmem_shared>>) target(%dma_start3A_10 : memref<320x144xf32, #tpu.memory_space<hbm>>) target_semaphore(%run_scoped3A : memref<!tpu.dma_semaphore, #tpu.memory_space<semaphore_mem>>)
      %dma_wait3A = arith.constant 0 : i32
      %dma_wait3A_13 = tpu.memref_slice %arg8[%arg0, %multiple_of3A, %dma_wait3A] : memref<2x5120x144xf32, #tpu.memory_space<hbm>> -> memref<1x320x144xf32, #tpu.memory_space<hbm>>
      %dma_wait3A_14 = tpu.memref_squeeze %dma_wait3A_13 : memref<1x320x144xf32, #tpu.memory_space<hbm>> -> memref<320x144xf32, #tpu.memory_space<hbm>>
      %dma_wait3A_15 = arith.constant 0 : i32
      %dma_wait3A_16 = tpu.memref_slice %arg16[%multiple_of3A, %dma_wait3A_15] : memref<5120x144xf32, #tpu.memory_space<vmem_shared>> -> memref<320x144xf32, #tpu.memory_space<vmem_shared>>
      tpu.wait_dma2 semaphore(%run_scoped3A : memref<!tpu.dma_semaphore, #tpu.memory_space<semaphore_mem>>) src(%dma_wait3A_16 : memref<320x144xf32, #tpu.memory_space<vmem_shared>>) dst(%dma_wait3A_14 : memref<320x144xf32, #tpu.memory_space<hbm>>)
      tpu.yield
    }) : () -> ()
    return
  }
}

#map = affine_map<(d0, d1) -> (0, 0)>
#map1 = affine_map<(d0, d1) -> (0)>
#map2 = affine_map<(d0, d1) -> (0, 0, 0)>
module attributes {stable_mosaic.version = 14 : i64} {
  func.func @_sc_edge_body(%arg0: i32, %arg1: i32, %arg2: memref<10000x128xf32, #tpu.memory_space<hbm>>, %arg3: memref<10000x128xf32, #tpu.memory_space<hbm>>, %arg4: memref<128xf32, #tpu.memory_space<hbm>>, %arg5: memref<16x250x80xi32, #tpu.memory_space<hbm>>, %arg6: memref<16x250x80xi32, #tpu.memory_space<hbm>>, %arg7: memref<5120x144xf32, #tpu.memory_space<hbm>>, %arg8: memref<2x5120x144xf32, #tpu.memory_space<hbm>>, %arg9: memref<250x80xi32, #tpu.memory_space<vmem>>, %arg10: memref<250x80xi32, #tpu.memory_space<vmem>>, %arg11: memref<80xi32, #tpu.memory_space<vmem>>, %arg12: memref<80x128xf32, #tpu.memory_space<vmem>>, %arg13: memref<80x128xf32, #tpu.memory_space<vmem>>, %arg14: memref<80x144xf32, #tpu.memory_space<vmem>>, %arg15: memref<128xf32, #tpu.memory_space<vmem>>, %arg16: memref<5120x144xf32, #tpu.memory_space<vmem_shared>>, %arg17: memref<!tpu.dma_semaphore, #tpu.memory_space<semaphore_mem>>, %arg18: memref<!tpu.dma_semaphore, #tpu.memory_space<semaphore_mem>>) attributes {dimension_semantics = [#tpu.dimension_semantics<core_parallel>, #tpu.dimension_semantics<subcore_parallel>], iteration_bounds = array<i64: 2, 16>, scalar_prefetch = 0 : i64, scratch_operands = 10 : i64, tpu.core_type = #tpu.core_type<sc_vector_subcore>, window_params = [{transform_indices = #map}, {transform_indices = #map}, {transform_indices = #map1}, {transform_indices = #map2}, {transform_indices = #map2}, {transform_indices = #map}, {transform_indices = #map2}]} {
    "tpu.region"() ({
      %run_scoped3A = tpu.sem_alloc : memref<!tpu.dma_semaphore, #tpu.memory_space<semaphore_mem>>
      %dma_start3A = arith.constant 0 : i32
      %dma_start3A_9 = arith.constant 0 : i32
      %dma_start3A_10 = tpu.memref_slice %arg5[%arg1, %dma_start3A, %dma_start3A_9] : memref<16x250x80xi32, #tpu.memory_space<hbm>> -> memref<1x250x80xi32, #tpu.memory_space<hbm>>
      %dma_start3A_11 = tpu.memref_squeeze %dma_start3A_10 : memref<1x250x80xi32, #tpu.memory_space<hbm>> -> memref<250x80xi32, #tpu.memory_space<hbm>>
      %dma_start3A_12 = arith.constant 0 : i32
      %dma_start3A_13 = arith.constant 0 : i32
      %dma_start3A_14 = tpu.memref_slice %arg5[%arg1, %dma_start3A_12, %dma_start3A_13] : memref<16x250x80xi32, #tpu.memory_space<hbm>> -> memref<1x250x80xi32, #tpu.memory_space<hbm>>
      %dma_start3A_15 = tpu.memref_squeeze %dma_start3A_14 : memref<1x250x80xi32, #tpu.memory_space<hbm>> -> memref<250x80xi32, #tpu.memory_space<hbm>>
      tpu.enqueue_dma source(%dma_start3A_15 : memref<250x80xi32, #tpu.memory_space<hbm>>) target(%arg9 : memref<250x80xi32, #tpu.memory_space<vmem>>) target_semaphore(%run_scoped3A : memref<!tpu.dma_semaphore, #tpu.memory_space<semaphore_mem>>)
      %dma_wait3A = arith.constant 0 : i32
      %dma_wait3A_16 = arith.constant 0 : i32
      %dma_wait3A_17 = tpu.memref_slice %arg5[%arg1, %dma_wait3A, %dma_wait3A_16] : memref<16x250x80xi32, #tpu.memory_space<hbm>> -> memref<1x250x80xi32, #tpu.memory_space<hbm>>
      %dma_wait3A_18 = tpu.memref_squeeze %dma_wait3A_17 : memref<1x250x80xi32, #tpu.memory_space<hbm>> -> memref<250x80xi32, #tpu.memory_space<hbm>>
      %dma_wait3A_19 = arith.constant 0 : i32
      %dma_wait3A_20 = arith.constant 0 : i32
      %dma_wait3A_21 = tpu.memref_slice %arg5[%arg1, %dma_wait3A_19, %dma_wait3A_20] : memref<16x250x80xi32, #tpu.memory_space<hbm>> -> memref<1x250x80xi32, #tpu.memory_space<hbm>>
      %dma_wait3A_22 = tpu.memref_squeeze %dma_wait3A_21 : memref<1x250x80xi32, #tpu.memory_space<hbm>> -> memref<250x80xi32, #tpu.memory_space<hbm>>
      tpu.wait_dma2 semaphore(%run_scoped3A : memref<!tpu.dma_semaphore, #tpu.memory_space<semaphore_mem>>) src(%dma_wait3A_22 : memref<250x80xi32, #tpu.memory_space<hbm>>) dst(%arg9 : memref<250x80xi32, #tpu.memory_space<vmem>>)
      tpu.yield
    }) : () -> ()
    "tpu.region"() ({
      %run_scoped3A = tpu.sem_alloc : memref<!tpu.dma_semaphore, #tpu.memory_space<semaphore_mem>>
      %dma_start3A = arith.constant 0 : i32
      %dma_start3A_9 = arith.constant 0 : i32
      %dma_start3A_10 = tpu.memref_slice %arg6[%arg1, %dma_start3A, %dma_start3A_9] : memref<16x250x80xi32, #tpu.memory_space<hbm>> -> memref<1x250x80xi32, #tpu.memory_space<hbm>>
      %dma_start3A_11 = tpu.memref_squeeze %dma_start3A_10 : memref<1x250x80xi32, #tpu.memory_space<hbm>> -> memref<250x80xi32, #tpu.memory_space<hbm>>
      %dma_start3A_12 = arith.constant 0 : i32
      %dma_start3A_13 = arith.constant 0 : i32
      %dma_start3A_14 = tpu.memref_slice %arg6[%arg1, %dma_start3A_12, %dma_start3A_13] : memref<16x250x80xi32, #tpu.memory_space<hbm>> -> memref<1x250x80xi32, #tpu.memory_space<hbm>>
      %dma_start3A_15 = tpu.memref_squeeze %dma_start3A_14 : memref<1x250x80xi32, #tpu.memory_space<hbm>> -> memref<250x80xi32, #tpu.memory_space<hbm>>
      tpu.enqueue_dma source(%dma_start3A_15 : memref<250x80xi32, #tpu.memory_space<hbm>>) target(%arg10 : memref<250x80xi32, #tpu.memory_space<vmem>>) target_semaphore(%run_scoped3A : memref<!tpu.dma_semaphore, #tpu.memory_space<semaphore_mem>>)
      %dma_wait3A = arith.constant 0 : i32
      %dma_wait3A_16 = arith.constant 0 : i32
      %dma_wait3A_17 = tpu.memref_slice %arg6[%arg1, %dma_wait3A, %dma_wait3A_16] : memref<16x250x80xi32, #tpu.memory_space<hbm>> -> memref<1x250x80xi32, #tpu.memory_space<hbm>>
      %dma_wait3A_18 = tpu.memref_squeeze %dma_wait3A_17 : memref<1x250x80xi32, #tpu.memory_space<hbm>> -> memref<250x80xi32, #tpu.memory_space<hbm>>
      %dma_wait3A_19 = arith.constant 0 : i32
      %dma_wait3A_20 = arith.constant 0 : i32
      %dma_wait3A_21 = tpu.memref_slice %arg6[%arg1, %dma_wait3A_19, %dma_wait3A_20] : memref<16x250x80xi32, #tpu.memory_space<hbm>> -> memref<1x250x80xi32, #tpu.memory_space<hbm>>
      %dma_wait3A_22 = tpu.memref_squeeze %dma_wait3A_21 : memref<1x250x80xi32, #tpu.memory_space<hbm>> -> memref<250x80xi32, #tpu.memory_space<hbm>>
      tpu.wait_dma2 semaphore(%run_scoped3A : memref<!tpu.dma_semaphore, #tpu.memory_space<semaphore_mem>>) src(%dma_wait3A_22 : memref<250x80xi32, #tpu.memory_space<hbm>>) dst(%arg10 : memref<250x80xi32, #tpu.memory_space<vmem>>)
      tpu.yield
    }) : () -> ()
    "tpu.region"() ({
      %run_scoped3A = tpu.sem_alloc : memref<!tpu.dma_semaphore, #tpu.memory_space<semaphore_mem>>
      tpu.enqueue_dma source(%arg4 : memref<128xf32, #tpu.memory_space<hbm>>) target(%arg15 : memref<128xf32, #tpu.memory_space<vmem>>) target_semaphore(%run_scoped3A : memref<!tpu.dma_semaphore, #tpu.memory_space<semaphore_mem>>)
      tpu.wait_dma2 semaphore(%run_scoped3A : memref<!tpu.dma_semaphore, #tpu.memory_space<semaphore_mem>>) src(%arg4 : memref<128xf32, #tpu.memory_space<hbm>>) dst(%arg15 : memref<128xf32, #tpu.memory_space<vmem>>)
      tpu.yield
    }) : () -> ()
    %mul3A = arith.constant 320 : i32
    %mul3A_0 = arith.muli %arg1, %mul3A : i32
    %multiple_of3A = tpu.assume_multiple %mul3A_0, 8 : i32
    "tpu.region"() ({
      %run_scoped3A = tpu.sem_alloc : memref<!tpu.dma_semaphore, #tpu.memory_space<semaphore_mem>>
      %dma_start3A = arith.constant 0 : i32
      %dma_start3A_9 = tpu.memref_slice %arg16[%multiple_of3A, %dma_start3A] : memref<5120x144xf32, #tpu.memory_space<vmem_shared>> -> memref<320x144xf32, #tpu.memory_space<vmem_shared>>
      %dma_start3A_10 = arith.constant 0 : i32
      %dma_start3A_11 = tpu.memref_slice %arg7[%multiple_of3A, %dma_start3A_10] : memref<5120x144xf32, #tpu.memory_space<hbm>> -> memref<320x144xf32, #tpu.memory_space<hbm>>
      tpu.enqueue_dma source(%dma_start3A_11 : memref<320x144xf32, #tpu.memory_space<hbm>>) target(%dma_start3A_9 : memref<320x144xf32, #tpu.memory_space<vmem_shared>>) target_semaphore(%run_scoped3A : memref<!tpu.dma_semaphore, #tpu.memory_space<semaphore_mem>>)
      %dma_wait3A = arith.constant 0 : i32
      %dma_wait3A_12 = tpu.memref_slice %arg16[%multiple_of3A, %dma_wait3A] : memref<5120x144xf32, #tpu.memory_space<vmem_shared>> -> memref<320x144xf32, #tpu.memory_space<vmem_shared>>
      %dma_wait3A_13 = arith.constant 0 : i32
      %dma_wait3A_14 = tpu.memref_slice %arg7[%multiple_of3A, %dma_wait3A_13] : memref<5120x144xf32, #tpu.memory_space<hbm>> -> memref<320x144xf32, #tpu.memory_space<hbm>>
      tpu.wait_dma2 semaphore(%run_scoped3A : memref<!tpu.dma_semaphore, #tpu.memory_space<semaphore_mem>>) src(%dma_wait3A_14 : memref<320x144xf32, #tpu.memory_space<hbm>>) dst(%dma_wait3A_12 : memref<320x144xf32, #tpu.memory_space<vmem_shared>>)
      tpu.yield
    }) : () -> ()
    %barrier3A = arith.constant 0 : index
    tpu.barrier barrier_id(%barrier3A)
    %iota3A = tpu.iota {dimensions = array<i32: 0>} : vector<16xi32>
    %mul3A_1 = arith.constant 5000 : i32
    %mul3A_2 = arith.muli %arg0, %mul3A_1 : i32
    %scan3A = arith.constant 0 : i32
    %scan3A_3 = arith.constant 0 : i32
    %scan3A_4 = arith.constant 250 : i32
    %scan3A_5 = arith.addi %scan3A_3, %scan3A_4 : i32
    %scan3A_6 = arith.constant 1 : i32
    scf.for %scan3A_9 = %scan3A_3 to %scan3A_5 step %scan3A_6  : i32 {
      %dma_start3A = arith.constant 0 : i32
      %dma_start3A_10 = tpu.memref_slice %arg9[%scan3A_9, %dma_start3A] : memref<250x80xi32, #tpu.memory_space<vmem>> -> memref<1x80xi32, #tpu.memory_space<vmem>>
      %dma_start3A_11 = tpu.memref_squeeze %dma_start3A_10 : memref<1x80xi32, #tpu.memory_space<vmem>> -> memref<80xi32, #tpu.memory_space<vmem>>
      %dma_start3A_12 = arith.constant 0 : i32
      %dma_start3A_13 = arith.constant 0 : i32
      %dma_start3A_14 = tpu.memref_slice %arg2[%dma_start3A_12, %dma_start3A_13] : memref<10000x128xf32, #tpu.memory_space<hbm>> -> memref<10000x128xf32, #tpu.memory_space<hbm>>
      tpu.enqueue_indirect_dma source(%dma_start3A_14 : memref<10000x128xf32, #tpu.memory_space<hbm>>) target(%arg12 : memref<80x128xf32, #tpu.memory_space<vmem>>) offsets(%dma_start3A_11 : memref<80xi32, #tpu.memory_space<vmem>>) semaphore(%arg17 : memref<!tpu.dma_semaphore, #tpu.memory_space<semaphore_mem>>)
      %dma_start3A_15 = arith.constant 0 : i32
      %dma_start3A_16 = tpu.memref_slice %arg10[%scan3A_9, %dma_start3A_15] : memref<250x80xi32, #tpu.memory_space<vmem>> -> memref<1x80xi32, #tpu.memory_space<vmem>>
      %dma_start3A_17 = tpu.memref_squeeze %dma_start3A_16 : memref<1x80xi32, #tpu.memory_space<vmem>> -> memref<80xi32, #tpu.memory_space<vmem>>
      %dma_start3A_18 = arith.constant 0 : i32
      %dma_start3A_19 = arith.constant 0 : i32
      %dma_start3A_20 = tpu.memref_slice %arg3[%dma_start3A_18, %dma_start3A_19] : memref<10000x128xf32, #tpu.memory_space<hbm>> -> memref<10000x128xf32, #tpu.memory_space<hbm>>
      tpu.enqueue_indirect_dma source(%dma_start3A_20 : memref<10000x128xf32, #tpu.memory_space<hbm>>) target(%arg13 : memref<80x128xf32, #tpu.memory_space<vmem>>) offsets(%dma_start3A_17 : memref<80xi32, #tpu.memory_space<vmem>>) semaphore(%arg18 : memref<!tpu.dma_semaphore, #tpu.memory_space<semaphore_mem>>)
      %get3A = arith.index_cast %scan3A_9 : i32 to index
      %get3A_21 = arith.constant 0 : index
      %get3A_22 = tpu.vector_load %arg10[%get3A, %get3A_21] {strides = array<i32>} : memref<250x80xi32, #tpu.memory_space<vmem>>, vector<1x16xi32>,
      %get3A_23 = vector.shape_cast %get3A_22 : vector<1x16xi32> to vector<16xi32>
      %sub3A = vector.broadcast %mul3A_2 : i32 to vector<16xi32>
      %sub3A_24 = arith.subi %get3A_23, %sub3A : vector<16xi32>
      %ge3A = arith.constant 0 : i32
      %ge3A_25 = vector.broadcast %ge3A : i32 to vector<16xi32>
      %ge3A_26 = arith.cmpi sge, %sub3A_24, %ge3A_25 : vector<16xi32>
      %lt3A = arith.constant 5000 : i32
      %lt3A_27 = vector.broadcast %lt3A : i32 to vector<16xi32>
      %lt3A_28 = arith.cmpi slt, %sub3A_24, %lt3A_27 : vector<16xi32>
      %and3A = arith.andi %ge3A_26, %lt3A_28 : vector<16xi1>
      %jit3A = arith.constant 5000 : i32
      %broadcast_in_dim3A = vector.broadcast %jit3A : i32 to vector<16xi32>
      %select_n3A = arith.select %and3A, %sub3A_24, %broadcast_in_dim3A : vector<16xi1>, vector<16xi32>
      %swap3A = arith.constant 0 : index
      %swap3A_29 = tpu.vector_load %arg11[%swap3A] {strides = array<i32>} : memref<80xi32, #tpu.memory_space<vmem>>, vector<16xi32>,
      %swap3A_30 = vector.shape_cast %swap3A_29 : vector<16xi32> to vector<16xi32>
      %swap3A_31 = vector.shape_cast %select_n3A : vector<16xi32> to vector<16xi32>
      tpu.vector_store %arg11[%swap3A], %swap3A_31 {strides = array<i32>} : memref<80xi32, #tpu.memory_space<vmem>>, vector<16xi32>,
      %get3A_32 = arith.index_cast %scan3A_9 : i32 to index
      %get3A_33 = arith.constant 16 : index
      %get3A_34 = tpu.vector_load %arg10[%get3A_32, %get3A_33] {strides = array<i32>} : memref<250x80xi32, #tpu.memory_space<vmem>>, vector<1x16xi32>,
      %get3A_35 = vector.shape_cast %get3A_34 : vector<1x16xi32> to vector<16xi32>
      %sub3A_36 = vector.broadcast %mul3A_2 : i32 to vector<16xi32>
      %sub3A_37 = arith.subi %get3A_35, %sub3A_36 : vector<16xi32>
      %ge3A_38 = arith.constant 0 : i32
      %ge3A_39 = vector.broadcast %ge3A_38 : i32 to vector<16xi32>
      %ge3A_40 = arith.cmpi sge, %sub3A_37, %ge3A_39 : vector<16xi32>
      %lt3A_41 = arith.constant 5000 : i32
      %lt3A_42 = vector.broadcast %lt3A_41 : i32 to vector<16xi32>
      %lt3A_43 = arith.cmpi slt, %sub3A_37, %lt3A_42 : vector<16xi32>
      %and3A_44 = arith.andi %ge3A_40, %lt3A_43 : vector<16xi1>
      %jit3A_45 = arith.constant 5000 : i32
      %broadcast_in_dim3A_46 = vector.broadcast %jit3A_45 : i32 to vector<16xi32>
      %select_n3A_47 = arith.select %and3A_44, %sub3A_37, %broadcast_in_dim3A_46 : vector<16xi1>, vector<16xi32>
      %swap3A_48 = arith.constant 16 : index
      %swap3A_49 = tpu.vector_load %arg11[%swap3A_48] {strides = array<i32>} : memref<80xi32, #tpu.memory_space<vmem>>, vector<16xi32>,
      %swap3A_50 = vector.shape_cast %swap3A_49 : vector<16xi32> to vector<16xi32>
      %swap3A_51 = vector.shape_cast %select_n3A_47 : vector<16xi32> to vector<16xi32>
      tpu.vector_store %arg11[%swap3A_48], %swap3A_51 {strides = array<i32>} : memref<80xi32, #tpu.memory_space<vmem>>, vector<16xi32>,
      %get3A_52 = arith.index_cast %scan3A_9 : i32 to index
      %get3A_53 = arith.constant 32 : index
      %get3A_54 = tpu.vector_load %arg10[%get3A_52, %get3A_53] {strides = array<i32>} : memref<250x80xi32, #tpu.memory_space<vmem>>, vector<1x16xi32>,
      %get3A_55 = vector.shape_cast %get3A_54 : vector<1x16xi32> to vector<16xi32>
      %sub3A_56 = vector.broadcast %mul3A_2 : i32 to vector<16xi32>
      %sub3A_57 = arith.subi %get3A_55, %sub3A_56 : vector<16xi32>
      %ge3A_58 = arith.constant 0 : i32
      %ge3A_59 = vector.broadcast %ge3A_58 : i32 to vector<16xi32>
      %ge3A_60 = arith.cmpi sge, %sub3A_57, %ge3A_59 : vector<16xi32>
      %lt3A_61 = arith.constant 5000 : i32
      %lt3A_62 = vector.broadcast %lt3A_61 : i32 to vector<16xi32>
      %lt3A_63 = arith.cmpi slt, %sub3A_57, %lt3A_62 : vector<16xi32>
      %and3A_64 = arith.andi %ge3A_60, %lt3A_63 : vector<16xi1>
      %jit3A_65 = arith.constant 5000 : i32
      %broadcast_in_dim3A_66 = vector.broadcast %jit3A_65 : i32 to vector<16xi32>
      %select_n3A_67 = arith.select %and3A_64, %sub3A_57, %broadcast_in_dim3A_66 : vector<16xi1>, vector<16xi32>
      %swap3A_68 = arith.constant 32 : index
      %swap3A_69 = tpu.vector_load %arg11[%swap3A_68] {strides = array<i32>} : memref<80xi32, #tpu.memory_space<vmem>>, vector<16xi32>,
      %swap3A_70 = vector.shape_cast %swap3A_69 : vector<16xi32> to vector<16xi32>
      %swap3A_71 = vector.shape_cast %select_n3A_67 : vector<16xi32> to vector<16xi32>
      tpu.vector_store %arg11[%swap3A_68], %swap3A_71 {strides = array<i32>} : memref<80xi32, #tpu.memory_space<vmem>>, vector<16xi32>,
      %get3A_72 = arith.index_cast %scan3A_9 : i32 to index
      %get3A_73 = arith.constant 48 : index
      %get3A_74 = tpu.vector_load %arg10[%get3A_72, %get3A_73] {strides = array<i32>} : memref<250x80xi32, #tpu.memory_space<vmem>>, vector<1x16xi32>,
      %get3A_75 = vector.shape_cast %get3A_74 : vector<1x16xi32> to vector<16xi32>
      %sub3A_76 = vector.broadcast %mul3A_2 : i32 to vector<16xi32>
      %sub3A_77 = arith.subi %get3A_75, %sub3A_76 : vector<16xi32>
      %ge3A_78 = arith.constant 0 : i32
      %ge3A_79 = vector.broadcast %ge3A_78 : i32 to vector<16xi32>
      %ge3A_80 = arith.cmpi sge, %sub3A_77, %ge3A_79 : vector<16xi32>
      %lt3A_81 = arith.constant 5000 : i32
      %lt3A_82 = vector.broadcast %lt3A_81 : i32 to vector<16xi32>
      %lt3A_83 = arith.cmpi slt, %sub3A_77, %lt3A_82 : vector<16xi32>
      %and3A_84 = arith.andi %ge3A_80, %lt3A_83 : vector<16xi1>
      %jit3A_85 = arith.constant 5000 : i32
      %broadcast_in_dim3A_86 = vector.broadcast %jit3A_85 : i32 to vector<16xi32>
      %select_n3A_87 = arith.select %and3A_84, %sub3A_77, %broadcast_in_dim3A_86 : vector<16xi1>, vector<16xi32>
      %swap3A_88 = arith.constant 48 : index
      %swap3A_89 = tpu.vector_load %arg11[%swap3A_88] {strides = array<i32>} : memref<80xi32, #tpu.memory_space<vmem>>, vector<16xi32>,
      %swap3A_90 = vector.shape_cast %swap3A_89 : vector<16xi32> to vector<16xi32>
      %swap3A_91 = vector.shape_cast %select_n3A_87 : vector<16xi32> to vector<16xi32>
      tpu.vector_store %arg11[%swap3A_88], %swap3A_91 {strides = array<i32>} : memref<80xi32, #tpu.memory_space<vmem>>, vector<16xi32>,
      %get3A_92 = arith.index_cast %scan3A_9 : i32 to index
      %get3A_93 = arith.constant 64 : index
      %get3A_94 = tpu.vector_load %arg10[%get3A_92, %get3A_93] {strides = array<i32>} : memref<250x80xi32, #tpu.memory_space<vmem>>, vector<1x16xi32>,
      %get3A_95 = vector.shape_cast %get3A_94 : vector<1x16xi32> to vector<16xi32>
      %sub3A_96 = vector.broadcast %mul3A_2 : i32 to vector<16xi32>
      %sub3A_97 = arith.subi %get3A_95, %sub3A_96 : vector<16xi32>
      %ge3A_98 = arith.constant 0 : i32
      %ge3A_99 = vector.broadcast %ge3A_98 : i32 to vector<16xi32>
      %ge3A_100 = arith.cmpi sge, %sub3A_97, %ge3A_99 : vector<16xi32>
      %lt3A_101 = arith.constant 5000 : i32
      %lt3A_102 = vector.broadcast %lt3A_101 : i32 to vector<16xi32>
      %lt3A_103 = arith.cmpi slt, %sub3A_97, %lt3A_102 : vector<16xi32>
      %and3A_104 = arith.andi %ge3A_100, %lt3A_103 : vector<16xi1>
      %jit3A_105 = arith.constant 5000 : i32
      %broadcast_in_dim3A_106 = vector.broadcast %jit3A_105 : i32 to vector<16xi32>
      %select_n3A_107 = arith.select %and3A_104, %sub3A_97, %broadcast_in_dim3A_106 : vector<16xi1>, vector<16xi32>
      %swap3A_108 = arith.constant 64 : index
      %swap3A_109 = tpu.vector_load %arg11[%swap3A_108] {strides = array<i32>} : memref<80xi32, #tpu.memory_space<vmem>>, vector<16xi32>,
      %swap3A_110 = vector.shape_cast %swap3A_109 : vector<16xi32> to vector<16xi32>
      %swap3A_111 = vector.shape_cast %select_n3A_107 : vector<16xi32> to vector<16xi32>
      tpu.vector_store %arg11[%swap3A_108], %swap3A_111 {strides = array<i32>} : memref<80xi32, #tpu.memory_space<vmem>>, vector<16xi32>,
      %dma_wait3A = arith.constant 0 : i32
      %dma_wait3A_112 = tpu.memref_slice %arg9[%scan3A_9, %dma_wait3A] : memref<250x80xi32, #tpu.memory_space<vmem>> -> memref<1x80xi32, #tpu.memory_space<vmem>>
      %dma_wait3A_113 = tpu.memref_squeeze %dma_wait3A_112 : memref<1x80xi32, #tpu.memory_space<vmem>> -> memref<80xi32, #tpu.memory_space<vmem>>
      %dma_wait3A_114 = arith.constant 0 : i32
      %dma_wait3A_115 = arith.constant 0 : i32
      %dma_wait3A_116 = tpu.memref_slice %arg2[%dma_wait3A_114, %dma_wait3A_115] : memref<10000x128xf32, #tpu.memory_space<hbm>> -> memref<10000x128xf32, #tpu.memory_space<hbm>>
      tpu.wait_indirect_dma semaphore(%arg17 : memref<!tpu.dma_semaphore, #tpu.memory_space<semaphore_mem>>) src(%dma_wait3A_116 : memref<10000x128xf32, #tpu.memory_space<hbm>>) dst(%arg12 : memref<80x128xf32, #tpu.memory_space<vmem>>)
      %dma_wait3A_117 = arith.constant 0 : i32
      %dma_wait3A_118 = tpu.memref_slice %arg10[%scan3A_9, %dma_wait3A_117] : memref<250x80xi32, #tpu.memory_space<vmem>> -> memref<1x80xi32, #tpu.memory_space<vmem>>
      %dma_wait3A_119 = tpu.memref_squeeze %dma_wait3A_118 : memref<1x80xi32, #tpu.memory_space<vmem>> -> memref<80xi32, #tpu.memory_space<vmem>>
      %dma_wait3A_120 = arith.constant 0 : i32
      %dma_wait3A_121 = arith.constant 0 : i32
      %dma_wait3A_122 = tpu.memref_slice %arg3[%dma_wait3A_120, %dma_wait3A_121] : memref<10000x128xf32, #tpu.memory_space<hbm>> -> memref<10000x128xf32, #tpu.memory_space<hbm>>
      tpu.wait_indirect_dma semaphore(%arg18 : memref<!tpu.dma_semaphore, #tpu.memory_space<semaphore_mem>>) src(%dma_wait3A_122 : memref<10000x128xf32, #tpu.memory_space<hbm>>) dst(%arg13 : memref<80x128xf32, #tpu.memory_space<vmem>>)
      %scan3A_123 = arith.constant 0 : i32
      %scan3A_124 = arith.constant 0 : i32
      %scan3A_125 = arith.constant 80 : i32
      %scan3A_126 = arith.addi %scan3A_124, %scan3A_125 : i32
      %scan3A_127 = arith.constant 1 : i32
      scf.for %scan3A_129 = %scan3A_124 to %scan3A_126 step %scan3A_127  : i32 {
        %broadcast_in_dim3A_130 = arith.constant 0.000000e+00 : f32
        %broadcast_in_dim3A_131 = vector.broadcast %broadcast_in_dim3A_130 : f32 to vector<16xf32>
        %get3A_132 = arith.index_cast %scan3A_129 : i32 to index
        %get3A_133 = arith.constant 0 : index
        %get3A_134 = tpu.vector_load %arg12[%get3A_132, %get3A_133] {strides = array<i32>} : memref<80x128xf32, #tpu.memory_space<vmem>>, vector<1x16xf32>,
        %get3A_135 = vector.shape_cast %get3A_134 : vector<1x16xf32> to vector<16xf32>
        %get3A_136 = arith.index_cast %scan3A_129 : i32 to index
        %get3A_137 = arith.constant 0 : index
        %get3A_138 = tpu.vector_load %arg13[%get3A_136, %get3A_137] {strides = array<i32>} : memref<80x128xf32, #tpu.memory_space<vmem>>, vector<1x16xf32>,
        %get3A_139 = vector.shape_cast %get3A_138 : vector<1x16xf32> to vector<16xf32>
        %add3A = arith.addf %get3A_135, %get3A_139 : vector<16xf32>
        %mul3A_140 = arith.constant 2.000000e-01 : f32
        %mul3A_141 = vector.broadcast %mul3A_140 : f32 to vector<16xf32>
        %mul3A_142 = arith.mulf %add3A, %mul3A_141 : vector<16xf32>
        %max3A = arith.maximumf %add3A, %mul3A_142 : vector<16xf32>
        %get3A_143 = arith.constant 0 : index
        %get3A_144 = tpu.vector_load %arg15[%get3A_143] {strides = array<i32>} : memref<128xf32, #tpu.memory_space<vmem>>, vector<16xf32>,
        %get3A_145 = vector.shape_cast %get3A_144 : vector<16xf32> to vector<16xf32>
        %mul3A_146 = arith.mulf %max3A, %get3A_145 : vector<16xf32>
        %add3A_147 = arith.addf %broadcast_in_dim3A_131, %mul3A_146 : vector<16xf32>
        %get3A_148 = arith.index_cast %scan3A_129 : i32 to index
        %get3A_149 = arith.constant 16 : index
        %get3A_150 = tpu.vector_load %arg12[%get3A_148, %get3A_149] {strides = array<i32>} : memref<80x128xf32, #tpu.memory_space<vmem>>, vector<1x16xf32>,
        %get3A_151 = vector.shape_cast %get3A_150 : vector<1x16xf32> to vector<16xf32>
        %get3A_152 = arith.index_cast %scan3A_129 : i32 to index
        %get3A_153 = arith.constant 16 : index
        %get3A_154 = tpu.vector_load %arg13[%get3A_152, %get3A_153] {strides = array<i32>} : memref<80x128xf32, #tpu.memory_space<vmem>>, vector<1x16xf32>,
        %get3A_155 = vector.shape_cast %get3A_154 : vector<1x16xf32> to vector<16xf32>
        %add3A_156 = arith.addf %get3A_151, %get3A_155 : vector<16xf32>
        %mul3A_157 = arith.constant 2.000000e-01 : f32
        %mul3A_158 = vector.broadcast %mul3A_157 : f32 to vector<16xf32>
        %mul3A_159 = arith.mulf %add3A_156, %mul3A_158 : vector<16xf32>
        %max3A_160 = arith.maximumf %add3A_156, %mul3A_159 : vector<16xf32>
        %get3A_161 = arith.constant 16 : index
        %get3A_162 = tpu.vector_load %arg15[%get3A_161] {strides = array<i32>} : memref<128xf32, #tpu.memory_space<vmem>>, vector<16xf32>,
        %get3A_163 = vector.shape_cast %get3A_162 : vector<16xf32> to vector<16xf32>
        %mul3A_164 = arith.mulf %max3A_160, %get3A_163 : vector<16xf32>
        %add3A_165 = arith.addf %add3A_147, %mul3A_164 : vector<16xf32>
        %get3A_166 = arith.index_cast %scan3A_129 : i32 to index
        %get3A_167 = arith.constant 32 : index
        %get3A_168 = tpu.vector_load %arg12[%get3A_166, %get3A_167] {strides = array<i32>} : memref<80x128xf32, #tpu.memory_space<vmem>>, vector<1x16xf32>,
        %get3A_169 = vector.shape_cast %get3A_168 : vector<1x16xf32> to vector<16xf32>
        %get3A_170 = arith.index_cast %scan3A_129 : i32 to index
        %get3A_171 = arith.constant 32 : index
        %get3A_172 = tpu.vector_load %arg13[%get3A_170, %get3A_171] {strides = array<i32>} : memref<80x128xf32, #tpu.memory_space<vmem>>, vector<1x16xf32>,
        %get3A_173 = vector.shape_cast %get3A_172 : vector<1x16xf32> to vector<16xf32>
        %add3A_174 = arith.addf %get3A_169, %get3A_173 : vector<16xf32>
        %mul3A_175 = arith.constant 2.000000e-01 : f32
        %mul3A_176 = vector.broadcast %mul3A_175 : f32 to vector<16xf32>
        %mul3A_177 = arith.mulf %add3A_174, %mul3A_176 : vector<16xf32>
        %max3A_178 = arith.maximumf %add3A_174, %mul3A_177 : vector<16xf32>
        %get3A_179 = arith.constant 32 : index
        %get3A_180 = tpu.vector_load %arg15[%get3A_179] {strides = array<i32>} : memref<128xf32, #tpu.memory_space<vmem>>, vector<16xf32>,
        %get3A_181 = vector.shape_cast %get3A_180 : vector<16xf32> to vector<16xf32>
        %mul3A_182 = arith.mulf %max3A_178, %get3A_181 : vector<16xf32>
        %add3A_183 = arith.addf %add3A_165, %mul3A_182 : vector<16xf32>
        %get3A_184 = arith.index_cast %scan3A_129 : i32 to index
        %get3A_185 = arith.constant 48 : index
        %get3A_186 = tpu.vector_load %arg12[%get3A_184, %get3A_185] {strides = array<i32>} : memref<80x128xf32, #tpu.memory_space<vmem>>, vector<1x16xf32>,
        %get3A_187 = vector.shape_cast %get3A_186 : vector<1x16xf32> to vector<16xf32>
        %get3A_188 = arith.index_cast %scan3A_129 : i32 to index
        %get3A_189 = arith.constant 48 : index
        %get3A_190 = tpu.vector_load %arg13[%get3A_188, %get3A_189] {strides = array<i32>} : memref<80x128xf32, #tpu.memory_space<vmem>>, vector<1x16xf32>,
        %get3A_191 = vector.shape_cast %get3A_190 : vector<1x16xf32> to vector<16xf32>
        %add3A_192 = arith.addf %get3A_187, %get3A_191 : vector<16xf32>
        %mul3A_193 = arith.constant 2.000000e-01 : f32
        %mul3A_194 = vector.broadcast %mul3A_193 : f32 to vector<16xf32>
        %mul3A_195 = arith.mulf %add3A_192, %mul3A_194 : vector<16xf32>
        %max3A_196 = arith.maximumf %add3A_192, %mul3A_195 : vector<16xf32>
        %get3A_197 = arith.constant 48 : index
        %get3A_198 = tpu.vector_load %arg15[%get3A_197] {strides = array<i32>} : memref<128xf32, #tpu.memory_space<vmem>>, vector<16xf32>,
        %get3A_199 = vector.shape_cast %get3A_198 : vector<16xf32> to vector<16xf32>
        %mul3A_200 = arith.mulf %max3A_196, %get3A_199 : vector<16xf32>
        %add3A_201 = arith.addf %add3A_183, %mul3A_200 : vector<16xf32>
        %get3A_202 = arith.index_cast %scan3A_129 : i32 to index
        %get3A_203 = arith.constant 64 : index
        %get3A_204 = tpu.vector_load %arg12[%get3A_202, %get3A_203] {strides = array<i32>} : memref<80x128xf32, #tpu.memory_space<vmem>>, vector<1x16xf32>,
        %get3A_205 = vector.shape_cast %get3A_204 : vector<1x16xf32> to vector<16xf32>
        %get3A_206 = arith.index_cast %scan3A_129 : i32 to index
        %get3A_207 = arith.constant 64 : index
        %get3A_208 = tpu.vector_load %arg13[%get3A_206, %get3A_207] {strides = array<i32>} : memref<80x128xf32, #tpu.memory_space<vmem>>, vector<1x16xf32>,
        %get3A_209 = vector.shape_cast %get3A_208 : vector<1x16xf32> to vector<16xf32>
        %add3A_210 = arith.addf %get3A_205, %get3A_209 : vector<16xf32>
        %mul3A_211 = arith.constant 2.000000e-01 : f32
        %mul3A_212 = vector.broadcast %mul3A_211 : f32 to vector<16xf32>
        %mul3A_213 = arith.mulf %add3A_210, %mul3A_212 : vector<16xf32>
        %max3A_214 = arith.maximumf %add3A_210, %mul3A_213 : vector<16xf32>
        %get3A_215 = arith.constant 64 : index
        %get3A_216 = tpu.vector_load %arg15[%get3A_215] {strides = array<i32>} : memref<128xf32, #tpu.memory_space<vmem>>, vector<16xf32>,
        %get3A_217 = vector.shape_cast %get3A_216 : vector<16xf32> to vector<16xf32>
        %mul3A_218 = arith.mulf %max3A_214, %get3A_217 : vector<16xf32>
        %add3A_219 = arith.addf %add3A_201, %mul3A_218 : vector<16xf32>
        %get3A_220 = arith.index_cast %scan3A_129 : i32 to index
        %get3A_221 = arith.constant 80 : index
        %get3A_222 = tpu.vector_load %arg12[%get3A_220, %get3A_221] {strides = array<i32>} : memref<80x128xf32, #tpu.memory_space<vmem>>, vector<1x16xf32>,
        %get3A_223 = vector.shape_cast %get3A_222 : vector<1x16xf32> to vector<16xf32>
        %get3A_224 = arith.index_cast %scan3A_129 : i32 to index
        %get3A_225 = arith.constant 80 : index
        %get3A_226 = tpu.vector_load %arg13[%get3A_224, %get3A_225] {strides = array<i32>} : memref<80x128xf32, #tpu.memory_space<vmem>>, vector<1x16xf32>,
        %get3A_227 = vector.shape_cast %get3A_226 : vector<1x16xf32> to vector<16xf32>
        %add3A_228 = arith.addf %get3A_223, %get3A_227 : vector<16xf32>
        %mul3A_229 = arith.constant 2.000000e-01 : f32
        %mul3A_230 = vector.broadcast %mul3A_229 : f32 to vector<16xf32>
        %mul3A_231 = arith.mulf %add3A_228, %mul3A_230 : vector<16xf32>
        %max3A_232 = arith.maximumf %add3A_228, %mul3A_231 : vector<16xf32>
        %get3A_233 = arith.constant 80 : index
        %get3A_234 = tpu.vector_load %arg15[%get3A_233] {strides = array<i32>} : memref<128xf32, #tpu.memory_space<vmem>>, vector<16xf32>,
        %get3A_235 = vector.shape_cast %get3A_234 : vector<16xf32> to vector<16xf32>
        %mul3A_236 = arith.mulf %max3A_232, %get3A_235 : vector<16xf32>
        %add3A_237 = arith.addf %add3A_219, %mul3A_236 : vector<16xf32>
        %get3A_238 = arith.index_cast %scan3A_129 : i32 to index
        %get3A_239 = arith.constant 96 : index
        %get3A_240 = tpu.vector_load %arg12[%get3A_238, %get3A_239] {strides = array<i32>} : memref<80x128xf32, #tpu.memory_space<vmem>>, vector<1x16xf32>,
        %get3A_241 = vector.shape_cast %get3A_240 : vector<1x16xf32> to vector<16xf32>
        %get3A_242 = arith.index_cast %scan3A_129 : i32 to index
        %get3A_243 = arith.constant 96 : index
        %get3A_244 = tpu.vector_load %arg13[%get3A_242, %get3A_243] {strides = array<i32>} : memref<80x128xf32, #tpu.memory_space<vmem>>, vector<1x16xf32>,
        %get3A_245 = vector.shape_cast %get3A_244 : vector<1x16xf32> to vector<16xf32>
        %add3A_246 = arith.addf %get3A_241, %get3A_245 : vector<16xf32>
        %mul3A_247 = arith.constant 2.000000e-01 : f32
        %mul3A_248 = vector.broadcast %mul3A_247 : f32 to vector<16xf32>
        %mul3A_249 = arith.mulf %add3A_246, %mul3A_248 : vector<16xf32>
        %max3A_250 = arith.maximumf %add3A_246, %mul3A_249 : vector<16xf32>
        %get3A_251 = arith.constant 96 : index
        %get3A_252 = tpu.vector_load %arg15[%get3A_251] {strides = array<i32>} : memref<128xf32, #tpu.memory_space<vmem>>, vector<16xf32>,
        %get3A_253 = vector.shape_cast %get3A_252 : vector<16xf32> to vector<16xf32>
        %mul3A_254 = arith.mulf %max3A_250, %get3A_253 : vector<16xf32>
        %add3A_255 = arith.addf %add3A_237, %mul3A_254 : vector<16xf32>
        %get3A_256 = arith.index_cast %scan3A_129 : i32 to index
        %get3A_257 = arith.constant 112 : index
        %get3A_258 = tpu.vector_load %arg12[%get3A_256, %get3A_257] {strides = array<i32>} : memref<80x128xf32, #tpu.memory_space<vmem>>, vector<1x16xf32>,
        %get3A_259 = vector.shape_cast %get3A_258 : vector<1x16xf32> to vector<16xf32>
        %get3A_260 = arith.index_cast %scan3A_129 : i32 to index
        %get3A_261 = arith.constant 112 : index
        %get3A_262 = tpu.vector_load %arg13[%get3A_260, %get3A_261] {strides = array<i32>} : memref<80x128xf32, #tpu.memory_space<vmem>>, vector<1x16xf32>,
        %get3A_263 = vector.shape_cast %get3A_262 : vector<1x16xf32> to vector<16xf32>
        %add3A_264 = arith.addf %get3A_259, %get3A_263 : vector<16xf32>
        %mul3A_265 = arith.constant 2.000000e-01 : f32
        %mul3A_266 = vector.broadcast %mul3A_265 : f32 to vector<16xf32>
        %mul3A_267 = arith.mulf %add3A_264, %mul3A_266 : vector<16xf32>
        %max3A_268 = arith.maximumf %add3A_264, %mul3A_267 : vector<16xf32>
        %get3A_269 = arith.constant 112 : index
        %get3A_270 = tpu.vector_load %arg15[%get3A_269] {strides = array<i32>} : memref<128xf32, #tpu.memory_space<vmem>>, vector<16xf32>,
        %get3A_271 = vector.shape_cast %get3A_270 : vector<16xf32> to vector<16xf32>
        %mul3A_272 = arith.mulf %max3A_268, %get3A_271 : vector<16xf32>
        %add3A_273 = arith.addf %add3A_255, %mul3A_272 : vector<16xf32>
        %xor3A = arith.constant 1 : i32
        %xor3A_274 = vector.broadcast %xor3A : i32 to vector<16xi32>
        %xor3A_275 = arith.xori %iota3A, %xor3A_274 : vector<16xi32>
        %broadcast_in_dim3A_276 = vector.shape_cast %xor3A_275 : vector<16xi32> to vector<16x1xi32>
        %gather3A = vector.shape_cast %broadcast_in_dim3A_276 : vector<16x1xi32> to vector<16xi32>
        %gather3A_277 = tpu.dynamic_gather %add3A_273[%gather3A] in [0] : vector<16xf32>, vector<16xi32> -> vector<16xf32>
        %add3A_278 = arith.addf %add3A_273, %gather3A_277 : vector<16xf32>
        %xor3A_279 = arith.constant 2 : i32
        %xor3A_280 = vector.broadcast %xor3A_279 : i32 to vector<16xi32>
        %xor3A_281 = arith.xori %iota3A, %xor3A_280 : vector<16xi32>
        %broadcast_in_dim3A_282 = vector.shape_cast %xor3A_281 : vector<16xi32> to vector<16x1xi32>
        %gather3A_283 = vector.shape_cast %broadcast_in_dim3A_282 : vector<16x1xi32> to vector<16xi32>
        %gather3A_284 = tpu.dynamic_gather %add3A_278[%gather3A_283] in [0] : vector<16xf32>, vector<16xi32> -> vector<16xf32>
        %add3A_285 = arith.addf %add3A_278, %gather3A_284 : vector<16xf32>
        %xor3A_286 = arith.constant 4 : i32
        %xor3A_287 = vector.broadcast %xor3A_286 : i32 to vector<16xi32>
        %xor3A_288 = arith.xori %iota3A, %xor3A_287 : vector<16xi32>
        %broadcast_in_dim3A_289 = vector.shape_cast %xor3A_288 : vector<16xi32> to vector<16x1xi32>
        %gather3A_290 = vector.shape_cast %broadcast_in_dim3A_289 : vector<16x1xi32> to vector<16xi32>
        %gather3A_291 = tpu.dynamic_gather %add3A_285[%gather3A_290] in [0] : vector<16xf32>, vector<16xi32> -> vector<16xf32>
        %add3A_292 = arith.addf %add3A_285, %gather3A_291 : vector<16xf32>
        %xor3A_293 = arith.constant 8 : i32
        %xor3A_294 = vector.broadcast %xor3A_293 : i32 to vector<16xi32>
        %xor3A_295 = arith.xori %iota3A, %xor3A_294 : vector<16xi32>
        %broadcast_in_dim3A_296 = vector.shape_cast %xor3A_295 : vector<16xi32> to vector<16x1xi32>
        %gather3A_297 = vector.shape_cast %broadcast_in_dim3A_296 : vector<16x1xi32> to vector<16xi32>
        %gather3A_298 = tpu.dynamic_gather %add3A_292[%gather3A_297] in [0] : vector<16xf32>, vector<16xi32> -> vector<16xf32>
        %add3A_299 = arith.addf %add3A_292, %gather3A_298 : vector<16xf32>
        %exp3A = math.exp %add3A_299 : vector<16xf32>
        %get3A_300 = arith.index_cast %scan3A_129 : i32 to index
        %get3A_301 = arith.constant 0 : index
        %get3A_302 = tpu.vector_load %arg12[%get3A_300, %get3A_301] {strides = array<i32>} : memref<80x128xf32, #tpu.memory_space<vmem>>, vector<1x16xf32>,
        %get3A_303 = vector.shape_cast %get3A_302 : vector<1x16xf32> to vector<16xf32>
        %mul3A_304 = arith.mulf %exp3A, %get3A_303 : vector<16xf32>
        %swap3A_305 = arith.index_cast %scan3A_129 : i32 to index
        %swap3A_306 = arith.constant 0 : index
        %swap3A_307 = tpu.vector_load %arg14[%swap3A_305, %swap3A_306] {strides = array<i32>} : memref<80x144xf32, #tpu.memory_space<vmem>>, vector<1x16xf32>,
        %swap3A_308 = vector.shape_cast %swap3A_307 : vector<1x16xf32> to vector<16xf32>
        %swap3A_309 = vector.shape_cast %mul3A_304 : vector<16xf32> to vector<1x16xf32>
        tpu.vector_store %arg14[%swap3A_305, %swap3A_306], %swap3A_309 {strides = array<i32>} : memref<80x144xf32, #tpu.memory_space<vmem>>, vector<1x16xf32>,
        %get3A_310 = arith.index_cast %scan3A_129 : i32 to index
        %get3A_311 = arith.constant 16 : index
        %get3A_312 = tpu.vector_load %arg12[%get3A_310, %get3A_311] {strides = array<i32>} : memref<80x128xf32, #tpu.memory_space<vmem>>, vector<1x16xf32>,
        %get3A_313 = vector.shape_cast %get3A_312 : vector<1x16xf32> to vector<16xf32>
        %mul3A_314 = arith.mulf %exp3A, %get3A_313 : vector<16xf32>
        %swap3A_315 = arith.index_cast %scan3A_129 : i32 to index
        %swap3A_316 = arith.constant 16 : index
        %swap3A_317 = tpu.vector_load %arg14[%swap3A_315, %swap3A_316] {strides = array<i32>} : memref<80x144xf32, #tpu.memory_space<vmem>>, vector<1x16xf32>,
        %swap3A_318 = vector.shape_cast %swap3A_317 : vector<1x16xf32> to vector<16xf32>
        %swap3A_319 = vector.shape_cast %mul3A_314 : vector<16xf32> to vector<1x16xf32>
        tpu.vector_store %arg14[%swap3A_315, %swap3A_316], %swap3A_319 {strides = array<i32>} : memref<80x144xf32, #tpu.memory_space<vmem>>, vector<1x16xf32>,
        %get3A_320 = arith.index_cast %scan3A_129 : i32 to index
        %get3A_321 = arith.constant 32 : index
        %get3A_322 = tpu.vector_load %arg12[%get3A_320, %get3A_321] {strides = array<i32>} : memref<80x128xf32, #tpu.memory_space<vmem>>, vector<1x16xf32>,
        %get3A_323 = vector.shape_cast %get3A_322 : vector<1x16xf32> to vector<16xf32>
        %mul3A_324 = arith.mulf %exp3A, %get3A_323 : vector<16xf32>
        %swap3A_325 = arith.index_cast %scan3A_129 : i32 to index
        %swap3A_326 = arith.constant 32 : index
        %swap3A_327 = tpu.vector_load %arg14[%swap3A_325, %swap3A_326] {strides = array<i32>} : memref<80x144xf32, #tpu.memory_space<vmem>>, vector<1x16xf32>,
        %swap3A_328 = vector.shape_cast %swap3A_327 : vector<1x16xf32> to vector<16xf32>
        %swap3A_329 = vector.shape_cast %mul3A_324 : vector<16xf32> to vector<1x16xf32>
        tpu.vector_store %arg14[%swap3A_325, %swap3A_326], %swap3A_329 {strides = array<i32>} : memref<80x144xf32, #tpu.memory_space<vmem>>, vector<1x16xf32>,
        %get3A_330 = arith.index_cast %scan3A_129 : i32 to index
        %get3A_331 = arith.constant 48 : index
        %get3A_332 = tpu.vector_load %arg12[%get3A_330, %get3A_331] {strides = array<i32>} : memref<80x128xf32, #tpu.memory_space<vmem>>, vector<1x16xf32>,
        %get3A_333 = vector.shape_cast %get3A_332 : vector<1x16xf32> to vector<16xf32>
        %mul3A_334 = arith.mulf %exp3A, %get3A_333 : vector<16xf32>
        %swap3A_335 = arith.index_cast %scan3A_129 : i32 to index
        %swap3A_336 = arith.constant 48 : index
        %swap3A_337 = tpu.vector_load %arg14[%swap3A_335, %swap3A_336] {strides = array<i32>} : memref<80x144xf32, #tpu.memory_space<vmem>>, vector<1x16xf32>,
        %swap3A_338 = vector.shape_cast %swap3A_337 : vector<1x16xf32> to vector<16xf32>
        %swap3A_339 = vector.shape_cast %mul3A_334 : vector<16xf32> to vector<1x16xf32>
        tpu.vector_store %arg14[%swap3A_335, %swap3A_336], %swap3A_339 {strides = array<i32>} : memref<80x144xf32, #tpu.memory_space<vmem>>, vector<1x16xf32>,
        %get3A_340 = arith.index_cast %scan3A_129 : i32 to index
        %get3A_341 = arith.constant 64 : index
        %get3A_342 = tpu.vector_load %arg12[%get3A_340, %get3A_341] {strides = array<i32>} : memref<80x128xf32, #tpu.memory_space<vmem>>, vector<1x16xf32>,
        %get3A_343 = vector.shape_cast %get3A_342 : vector<1x16xf32> to vector<16xf32>
        %mul3A_344 = arith.mulf %exp3A, %get3A_343 : vector<16xf32>
        %swap3A_345 = arith.index_cast %scan3A_129 : i32 to index
        %swap3A_346 = arith.constant 64 : index
        %swap3A_347 = tpu.vector_load %arg14[%swap3A_345, %swap3A_346] {strides = array<i32>} : memref<80x144xf32, #tpu.memory_space<vmem>>, vector<1x16xf32>,
        %swap3A_348 = vector.shape_cast %swap3A_347 : vector<1x16xf32> to vector<16xf32>
        %swap3A_349 = vector.shape_cast %mul3A_344 : vector<16xf32> to vector<1x16xf32>
        tpu.vector_store %arg14[%swap3A_345, %swap3A_346], %swap3A_349 {strides = array<i32>} : memref<80x144xf32, #tpu.memory_space<vmem>>, vector<1x16xf32>,
        %get3A_350 = arith.index_cast %scan3A_129 : i32 to index
        %get3A_351 = arith.constant 80 : index
        %get3A_352 = tpu.vector_load %arg12[%get3A_350, %get3A_351] {strides = array<i32>} : memref<80x128xf32, #tpu.memory_space<vmem>>, vector<1x16xf32>,
        %get3A_353 = vector.shape_cast %get3A_352 : vector<1x16xf32> to vector<16xf32>
        %mul3A_354 = arith.mulf %exp3A, %get3A_353 : vector<16xf32>
        %swap3A_355 = arith.index_cast %scan3A_129 : i32 to index
        %swap3A_356 = arith.constant 80 : index
        %swap3A_357 = tpu.vector_load %arg14[%swap3A_355, %swap3A_356] {strides = array<i32>} : memref<80x144xf32, #tpu.memory_space<vmem>>, vector<1x16xf32>,
        %swap3A_358 = vector.shape_cast %swap3A_357 : vector<1x16xf32> to vector<16xf32>
        %swap3A_359 = vector.shape_cast %mul3A_354 : vector<16xf32> to vector<1x16xf32>
        tpu.vector_store %arg14[%swap3A_355, %swap3A_356], %swap3A_359 {strides = array<i32>} : memref<80x144xf32, #tpu.memory_space<vmem>>, vector<1x16xf32>,
        %get3A_360 = arith.index_cast %scan3A_129 : i32 to index
        %get3A_361 = arith.constant 96 : index
        %get3A_362 = tpu.vector_load %arg12[%get3A_360, %get3A_361] {strides = array<i32>} : memref<80x128xf32, #tpu.memory_space<vmem>>, vector<1x16xf32>,
        %get3A_363 = vector.shape_cast %get3A_362 : vector<1x16xf32> to vector<16xf32>
        %mul3A_364 = arith.mulf %exp3A, %get3A_363 : vector<16xf32>
        %swap3A_365 = arith.index_cast %scan3A_129 : i32 to index
        %swap3A_366 = arith.constant 96 : index
        %swap3A_367 = tpu.vector_load %arg14[%swap3A_365, %swap3A_366] {strides = array<i32>} : memref<80x144xf32, #tpu.memory_space<vmem>>, vector<1x16xf32>,
        %swap3A_368 = vector.shape_cast %swap3A_367 : vector<1x16xf32> to vector<16xf32>
        %swap3A_369 = vector.shape_cast %mul3A_364 : vector<16xf32> to vector<1x16xf32>
        tpu.vector_store %arg14[%swap3A_365, %swap3A_366], %swap3A_369 {strides = array<i32>} : memref<80x144xf32, #tpu.memory_space<vmem>>, vector<1x16xf32>,
        %get3A_370 = arith.index_cast %scan3A_129 : i32 to index
        %get3A_371 = arith.constant 112 : index
        %get3A_372 = tpu.vector_load %arg12[%get3A_370, %get3A_371] {strides = array<i32>} : memref<80x128xf32, #tpu.memory_space<vmem>>, vector<1x16xf32>,
        %get3A_373 = vector.shape_cast %get3A_372 : vector<1x16xf32> to vector<16xf32>
        %mul3A_374 = arith.mulf %exp3A, %get3A_373 : vector<16xf32>
        %swap3A_375 = arith.index_cast %scan3A_129 : i32 to index
        %swap3A_376 = arith.constant 112 : index
        %swap3A_377 = tpu.vector_load %arg14[%swap3A_375, %swap3A_376] {strides = array<i32>} : memref<80x144xf32, #tpu.memory_space<vmem>>, vector<1x16xf32>,
        %swap3A_378 = vector.shape_cast %swap3A_377 : vector<1x16xf32> to vector<16xf32>
        %swap3A_379 = vector.shape_cast %mul3A_374 : vector<16xf32> to vector<1x16xf32>
        tpu.vector_store %arg14[%swap3A_375, %swap3A_376], %swap3A_379 {strides = array<i32>} : memref<80x144xf32, #tpu.memory_space<vmem>>, vector<1x16xf32>,
        %eq3A = arith.constant 0 : i32
        %eq3A_380 = vector.broadcast %eq3A : i32 to vector<16xi32>
        %eq3A_381 = arith.cmpi eq, %iota3A, %eq3A_380 : vector<16xi32>
        %jit3A_382 = arith.constant 0.000000e+00 : f32
        %broadcast_in_dim3A_383 = vector.broadcast %jit3A_382 : f32 to vector<16xf32>
        %select_n3A_384 = arith.select %eq3A_381, %exp3A, %broadcast_in_dim3A_383 : vector<16xi1>, vector<16xf32>
        %swap3A_385 = arith.index_cast %scan3A_129 : i32 to index
        %swap3A_386 = arith.constant 128 : index
        %swap3A_387 = tpu.vector_load %arg14[%swap3A_385, %swap3A_386] {strides = array<i32>} : memref<80x144xf32, #tpu.memory_space<vmem>>, vector<1x16xf32>,
        %swap3A_388 = vector.shape_cast %swap3A_387 : vector<1x16xf32> to vector<16xf32>
        %swap3A_389 = vector.shape_cast %select_n3A_384 : vector<16xf32> to vector<1x16xf32>
        tpu.vector_store %arg14[%swap3A_385, %swap3A_386], %swap3A_389 {strides = array<i32>} : memref<80x144xf32, #tpu.memory_space<vmem>>, vector<1x16xf32>,
      }
      %scan3A_128 = arith.constant 80 : i32
      "tpu.region"() ({
        %run_scoped3A = tpu.sem_alloc : memref<!tpu.dma_semaphore, #tpu.memory_space<semaphore_mem>>
        %dma_start3A_129 = arith.constant 0 : i32
        %dma_start3A_130 = arith.constant 0 : i32
        %dma_start3A_131 = tpu.memref_slice %arg16[%dma_start3A_129, %dma_start3A_130] : memref<5120x144xf32, #tpu.memory_space<vmem_shared>> -> memref<5120x144xf32, #tpu.memory_space<vmem_shared>>
        tpu.enqueue_indirect_dma source(%arg14 : memref<80x144xf32, #tpu.memory_space<vmem>>) target(%dma_start3A_131 : memref<5120x144xf32, #tpu.memory_space<vmem_shared>>) offsets(%arg11 : memref<80xi32, #tpu.memory_space<vmem>>) semaphore(%run_scoped3A : memref<!tpu.dma_semaphore, #tpu.memory_space<semaphore_mem>>) {add = true}
        %dma_wait3A_132 = arith.constant 0 : i32
        %dma_wait3A_133 = arith.constant 0 : i32
        %dma_wait3A_134 = tpu.memref_slice %arg16[%dma_wait3A_132, %dma_wait3A_133] : memref<5120x144xf32, #tpu.memory_space<vmem_shared>> -> memref<5120x144xf32, #tpu.memory_space<vmem_shared>>
        tpu.wait_indirect_dma semaphore(%run_scoped3A : memref<!tpu.dma_semaphore, #tpu.memory_space<semaphore_mem>>) src(%arg14 : memref<80x144xf32, #tpu.memory_space<vmem>>) dst(%dma_wait3A_134 : memref<5120x144xf32, #tpu.memory_space<vmem_shared>>)
        tpu.yield
      }) : () -> ()
    }
    %scan3A_7 = arith.constant 250 : i32
    %barrier3A_8 = arith.constant 0 : index
    tpu.barrier barrier_id(%barrier3A_8)
    "tpu.region"() ({
      %run_scoped3A = tpu.sem_alloc : memref<!tpu.dma_semaphore, #tpu.memory_space<semaphore_mem>>
      %dma_start3A = arith.constant 0 : i32
      %dma_start3A_9 = tpu.memref_slice %arg8[%arg0, %multiple_of3A, %dma_start3A] : memref<2x5120x144xf32, #tpu.memory_space<hbm>> -> memref<1x320x144xf32, #tpu.memory_space<hbm>>
      %dma_start3A_10 = tpu.memref_squeeze %dma_start3A_9 : memref<1x320x144xf32, #tpu.memory_space<hbm>> -> memref<320x144xf32, #tpu.memory_space<hbm>>
      %dma_start3A_11 = arith.constant 0 : i32
      %dma_start3A_12 = tpu.memref_slice %arg16[%multiple_of3A, %dma_start3A_11] : memref<5120x144xf32, #tpu.memory_space<vmem_shared>> -> memref<320x144xf32, #tpu.memory_space<vmem_shared>>
      tpu.enqueue_dma source(%dma_start3A_12 : memref<320x144xf32, #tpu.memory_space<vmem_shared>>) target(%dma_start3A_10 : memref<320x144xf32, #tpu.memory_space<hbm>>) target_semaphore(%run_scoped3A : memref<!tpu.dma_semaphore, #tpu.memory_space<semaphore_mem>>)
      %dma_wait3A = arith.constant 0 : i32
      %dma_wait3A_13 = tpu.memref_slice %arg8[%arg0, %multiple_of3A, %dma_wait3A] : memref<2x5120x144xf32, #tpu.memory_space<hbm>> -> memref<1x320x144xf32, #tpu.memory_space<hbm>>
      %dma_wait3A_14 = tpu.memref_squeeze %dma_wait3A_13 : memref<1x320x144xf32, #tpu.memory_space<hbm>> -> memref<320x144xf32, #tpu.memory_space<hbm>>
      %dma_wait3A_15 = arith.constant 0 : i32
      %dma_wait3A_16 = tpu.memref_slice %arg16[%multiple_of3A, %dma_wait3A_15] : memref<5120x144xf32, #tpu.memory_space<vmem_shared>> -> memref<320x144xf32, #tpu.memory_space<vmem_shared>>
      tpu.wait_dma2 semaphore(%run_scoped3A : memref<!tpu.dma_semaphore, #tpu.memory_space<semaphore_mem>>) src(%dma_wait3A_16 : memref<320x144xf32, #tpu.memory_space<vmem_shared>>) dst(%dma_wait3A_14 : memref<320x144xf32, #tpu.memory_space<hbm>>)
      tpu.yield
    }) : () -> ()
    return
  }
}

module attributes {stable_mosaic.version = 14 : i64} {
  func.func @_mm2_body(%arg0: i32, %arg1: memref<2000x128xf32, #tpu.memory_space<vmem>>, %arg2: memref<128x128xf32, #tpu.memory_space<vmem>>, %arg3: memref<128x128xf32, #tpu.memory_space<vmem>>, %arg4: memref<2000x128xf32, #tpu.memory_space<vmem>>, %arg5: memref<2000x128xf32, #tpu.memory_space<vmem>>) attributes {dimension_semantics = [#tpu.dimension_semantics<arbitrary>], iteration_bounds = array<i64: 5>, scalar_prefetch = 0 : i64, scratch_operands = 0 : i64, tpu.core_type = #tpu.core_type<tc>, window_params = [{transform_indices = @transform_0, window_bounds = array<i64: 2000, 128>}, {pipeline_mode = #tpu.pipeline_mode<synchronous>, transform_indices = @transform_1, window_bounds = array<i64: 128, 128>}, {pipeline_mode = #tpu.pipeline_mode<synchronous>, transform_indices = @transform_2, window_bounds = array<i64: 128, 128>}, {transform_indices = @transform_3, window_bounds = array<i64: 2000, 128>}, {transform_indices = @transform_4, window_bounds = array<i64: 2000, 128>}]} {
    %get3A = arith.constant 0 : index
    %get3A_0 = arith.constant 0 : index
    %get3A_1 = vector.load %arg1[%get3A, %get3A_0] : memref<2000x128xf32, #tpu.memory_space<vmem>>, vector<2000x128xf32>
    %get3A_2 = arith.constant 0 : index
    %get3A_3 = arith.constant 0 : index
    %get3A_4 = vector.load %arg2[%get3A_2, %get3A_3] : memref<128x128xf32, #tpu.memory_space<vmem>>, vector<128x128xf32>
    %dot_general3A = arith.constant dense<0.000000e+00> : vector<2000x128xf32>
    %dot_general3A_5 = tpu.matmul %get3A_1, %get3A_4, %dot_general3A {dimension_numbers = #tpu.dot_dimension_numbers<[1], [0], [0], [1], [0, 0, 1, 1], [], []>, transpose_lhs_hint = false} : vector<2000x128xf32>, vector<128x128xf32>, vector<2000x128xf32> -> vector<2000x128xf32>
    %swap3A = arith.constant 0 : index
    %swap3A_6 = arith.constant 0 : index
    %swap3A_7 = vector.load %arg4[%swap3A, %swap3A_6] : memref<2000x128xf32, #tpu.memory_space<vmem>>, vector<2000x128xf32>
    tpu.vector_store %arg4[%swap3A, %swap3A_6], %dot_general3A_5 {strides = array<i32>} : memref<2000x128xf32, #tpu.memory_space<vmem>>, vector<2000x128xf32>,
    %get3A_8 = arith.constant 0 : index
    %get3A_9 = arith.constant 0 : index
    %get3A_10 = vector.load %arg3[%get3A_8, %get3A_9] : memref<128x128xf32, #tpu.memory_space<vmem>>, vector<128x128xf32>
    %dot_general3A_11 = arith.constant dense<0.000000e+00> : vector<2000x128xf32>
    %dot_general3A_12 = tpu.matmul %get3A_1, %get3A_10, %dot_general3A_11 {dimension_numbers = #tpu.dot_dimension_numbers<[1], [0], [0], [1], [0, 0, 1, 1], [], []>, transpose_lhs_hint = false} : vector<2000x128xf32>, vector<128x128xf32>, vector<2000x128xf32> -> vector<2000x128xf32>
    %swap3A_13 = arith.constant 0 : index
    %swap3A_14 = arith.constant 0 : index
    %swap3A_15 = vector.load %arg5[%swap3A_13, %swap3A_14] : memref<2000x128xf32, #tpu.memory_space<vmem>>, vector<2000x128xf32>
    tpu.vector_store %arg5[%swap3A_13, %swap3A_14], %dot_general3A_12 {strides = array<i32>} : memref<2000x128xf32, #tpu.memory_space<vmem>>, vector<2000x128xf32>,
    return
  }
  func.func @transform_0(%arg0: i32) -> (i32, i32) {
    %c0_i32 = arith.constant 0 : i32
    %c0_i32_0 = arith.constant 0 : i32
    return %arg0, %c0_i32 : i32, i32
  }
  func.func @transform_1(%arg0: i32) -> (i32, i32) {
    %c0_i32 = arith.constant 0 : i32
    %c0_i32_0 = arith.constant 0 : i32
    %c0_i32_1 = arith.constant 0 : i32
    return %c0_i32, %c0_i32_0 : i32, i32
  }
  func.func @transform_2(%arg0: i32) -> (i32, i32) {
    %c0_i32 = arith.constant 0 : i32
    %c0_i32_0 = arith.constant 0 : i32
    %c0_i32_1 = arith.constant 0 : i32
    return %c0_i32, %c0_i32_0 : i32, i32
  }
  func.func @transform_3(%arg0: i32) -> (i32, i32) {
    %c0_i32 = arith.constant 0 : i32
    %c0_i32_0 = arith.constant 0 : i32
    return %arg0, %c0_i32 : i32, i32
  }
  func.func @transform_4(%arg0: i32) -> (i32, i32) {
    %c0_i32 = arith.constant 0 : i32
    %c0_i32_0 = arith.constant 0 : i32
    return %arg0, %c0_i32 : i32, i32
  }
}

module attributes {stable_mosaic.version = 14 : i64} {
  func.func @_combine_mm2_body(%arg0: i32, %arg1: memref<1x1000x144xf32, #tpu.memory_space<vmem>>, %arg2: memref<1000x128xf32, #tpu.memory_space<vmem>>, %arg3: memref<1000x128xf32, #tpu.memory_space<vmem>>, %arg4: memref<128x1xf32, #tpu.memory_space<vmem>>, %arg5: memref<1x128xf32, #tpu.memory_space<vmem>>, %arg6: memref<1x128xf32, #tpu.memory_space<vmem>>, %arg7: memref<1x128xf32, #tpu.memory_space<vmem>>, %arg8: memref<128x128xf32, #tpu.memory_space<vmem>>, %arg9: memref<128x128xf32, #tpu.memory_space<vmem>>, %arg10: memref<1000x128xf32, #tpu.memory_space<vmem>>, %arg11: memref<1000x128xf32, #tpu.memory_space<vmem>>) attributes {dimension_semantics = [#tpu.dimension_semantics<arbitrary>], iteration_bounds = array<i64: 10>, scalar_prefetch = 0 : i64, scratch_operands = 0 : i64, tpu.core_type = #tpu.core_type<tc>, window_params = [{transform_indices = @transform_0, window_bounds = array<i64: 1, 1000, 144>}, {transform_indices = @transform_1, window_bounds = array<i64: 1000, 128>}, {transform_indices = @transform_2, window_bounds = array<i64: 1000, 128>}, {pipeline_mode = #tpu.pipeline_mode<synchronous>, transform_indices = @transform_3, window_bounds = array<i64: 128, 1>}, {pipeline_mode = #tpu.pipeline_mode<synchronous>, transform_indices = @transform_4, window_bounds = array<i64: 1, 128>}, {pipeline_mode = #tpu.pipeline_mode<synchronous>, transform_indices = @transform_5, window_bounds = array<i64: 1, 128>}, {pipeline_mode = #tpu.pipeline_mode<synchronous>, transform_indices = @transform_6, window_bounds = array<i64: 1, 128>}, {pipeline_mode = #tpu.pipeline_mode<synchronous>, transform_indices = @transform_7, window_bounds = array<i64: 128, 128>}, {pipeline_mode = #tpu.pipeline_mode<synchronous>, transform_indices = @transform_8, window_bounds = array<i64: 128, 128>}, {transform_indices = @transform_9, window_bounds = array<i64: 1000, 128>}, {transform_indices = @transform_10, window_bounds = array<i64: 1000, 128>}]} {
    %get3A = arith.constant 0 : index
    %get3A_0 = arith.constant 0 : index
    %get3A_1 = arith.constant 0 : index
    %get3A_2 = vector.load %arg1[%get3A, %get3A_0, %get3A_1] : memref<1x1000x144xf32, #tpu.memory_space<vmem>>, vector<1x1000x144xf32>
    %get3A_3 = vector.shape_cast %get3A_2 : vector<1x1000x144xf32> to vector<1000x144xf32>
    %slice3A = vector.extract_strided_slice %get3A_3 {offsets = [0, 0], sizes = [1000, 128], strides = [1, 1]} : vector<1000x144xf32> to vector<1000x128xf32>
    %slice3A_4 = vector.extract_strided_slice %get3A_3 {offsets = [0, 128], sizes = [1000, 16], strides = [1, 1]} : vector<1000x144xf32> to vector<1000x16xf32>
    %reduce_sum3A = arith.constant dense<0.000000e+00> : vector<1000xf32>
    %reduce_sum3A_5 = vector.multi_reduction <add>, %slice3A_4, %reduce_sum3A [1] : vector<1000x16xf32> to vector<1000xf32>
    %broadcast_in_dim3A = vector.shape_cast %reduce_sum3A_5 : vector<1000xf32> to vector<1000x1xf32>
    %get3A_6 = arith.constant 0 : index
    %get3A_7 = arith.constant 0 : index
    %get3A_8 = vector.load %arg2[%get3A_6, %get3A_7] : memref<1000x128xf32, #tpu.memory_space<vmem>>, vector<1000x128xf32>
    %get3A_9 = arith.constant 0 : index
    %get3A_10 = arith.constant 0 : index
    %get3A_11 = vector.load %arg3[%get3A_9, %get3A_10] : memref<1000x128xf32, #tpu.memory_space<vmem>>, vector<1000x128xf32>
    %add3A = arith.addf %get3A_8, %get3A_11 : vector<1000x128xf32>
    %mul3A = arith.constant 2.000000e-01 : f32
    %mul3A_12 = vector.broadcast %mul3A : f32 to vector<1000x128xf32>
    %mul3A_13 = arith.mulf %add3A, %mul3A_12 : vector<1000x128xf32>
    %max3A = arith.maximumf %add3A, %mul3A_13 : vector<1000x128xf32>
    %get3A_14 = arith.constant 0 : index
    %get3A_15 = arith.constant 0 : index
    %get3A_16 = vector.load %arg4[%get3A_14, %get3A_15] : memref<128x1xf32, #tpu.memory_space<vmem>>, vector<128x1xf32>
    %dot_general3A = arith.constant dense<0.000000e+00> : vector<1000x1xf32>
    %dot_general3A_17 = tpu.matmul %max3A, %get3A_16, %dot_general3A {dimension_numbers = #tpu.dot_dimension_numbers<[1], [0], [0], [1], [0, 0, 1, 1], [], []>, transpose_lhs_hint = false} : vector<1000x128xf32>, vector<128x1xf32>, vector<1000x1xf32> -> vector<1000x1xf32>
    %exp3A = math.exp %dot_general3A_17 : vector<1000x1xf32>
    %mul3A_18 = vector.broadcast %exp3A : vector<1000x1xf32> to vector<1000x128xf32>
    %mul3A_19 = arith.mulf %mul3A_18, %get3A_8 : vector<1000x128xf32>
    %add3A_20 = arith.addf %slice3A, %mul3A_19 : vector<1000x128xf32>
    %add3A_21 = arith.addf %broadcast_in_dim3A, %exp3A : vector<1000x1xf32>
    %div3A = vector.broadcast %add3A_21 : vector<1000x1xf32> to vector<1000x128xf32>
    %div3A_22 = arith.divf %add3A_20, %div3A : vector<1000x128xf32>
    %get3A_23 = arith.constant 0 : index
    %get3A_24 = arith.constant 0 : index
    %get3A_25 = vector.load %arg5[%get3A_23, %get3A_24] : memref<1x128xf32, #tpu.memory_space<vmem>>, vector<1x128xf32>
    %add3A_26 = vector.broadcast %get3A_25 : vector<1x128xf32> to vector<1000x128xf32>
    %add3A_27 = arith.addf %div3A_22, %add3A_26 : vector<1000x128xf32>
    %mul3A_28 = arith.constant 0.00999999977 : f32
    %mul3A_29 = vector.broadcast %mul3A_28 : f32 to vector<1000x128xf32>
    %mul3A_30 = arith.mulf %add3A_27, %mul3A_29 : vector<1000x128xf32>
    %max3A_31 = arith.maximumf %add3A_27, %mul3A_30 : vector<1000x128xf32>
    %get3A_32 = arith.constant 0 : index
    %get3A_33 = arith.constant 0 : index
    %get3A_34 = vector.load %arg6[%get3A_32, %get3A_33] : memref<1x128xf32, #tpu.memory_space<vmem>>, vector<1x128xf32>
    %get3A_35 = arith.constant 0 : index
    %get3A_36 = arith.constant 0 : index
    %get3A_37 = vector.load %arg7[%get3A_35, %get3A_36] : memref<1x128xf32, #tpu.memory_space<vmem>>, vector<1x128xf32>
    %reduce_sum3A_38 = arith.constant dense<0.000000e+00> : vector<1000xf32>
    %reduce_sum3A_39 = vector.multi_reduction <add>, %max3A_31, %reduce_sum3A_38 [1] : vector<1000x128xf32> to vector<1000xf32>
    %broadcast_in_dim3A_40 = vector.shape_cast %reduce_sum3A_39 : vector<1000xf32> to vector<1000x1xf32>
    %div3A_41 = arith.constant 1.280000e+02 : f32
    %div3A_42 = vector.broadcast %div3A_41 : f32 to vector<1000x1xf32>
    %div3A_43 = arith.divf %broadcast_in_dim3A_40, %div3A_42 : vector<1000x1xf32>
    %sub3A = vector.broadcast %div3A_43 : vector<1000x1xf32> to vector<1000x128xf32>
    %sub3A_44 = arith.subf %max3A_31, %sub3A : vector<1000x128xf32>
    %integer_pow3A = arith.mulf %sub3A_44, %sub3A_44 : vector<1000x128xf32>
    %reduce_sum3A_45 = arith.constant dense<0.000000e+00> : vector<1000xf32>
    %reduce_sum3A_46 = vector.multi_reduction <add>, %integer_pow3A, %reduce_sum3A_45 [1] : vector<1000x128xf32> to vector<1000xf32>
    %broadcast_in_dim3A_47 = vector.shape_cast %reduce_sum3A_46 : vector<1000xf32> to vector<1000x1xf32>
    %div3A_48 = arith.constant 1.280000e+02 : f32
    %div3A_49 = vector.broadcast %div3A_48 : f32 to vector<1000x1xf32>
    %div3A_50 = arith.divf %broadcast_in_dim3A_47, %div3A_49 : vector<1000x1xf32>
    %sub3A_51 = vector.broadcast %div3A_43 : vector<1000x1xf32> to vector<1000x128xf32>
    %sub3A_52 = arith.subf %max3A_31, %sub3A_51 : vector<1000x128xf32>
    %mul3A_53 = vector.broadcast %get3A_34 : vector<1x128xf32> to vector<1000x128xf32>
    %mul3A_54 = arith.mulf %mul3A_53, %sub3A_52 : vector<1000x128xf32>
    %add3A_55 = arith.constant 9.99999974E-6 : f32
    %add3A_56 = vector.broadcast %add3A_55 : f32 to vector<1000x1xf32>
    %add3A_57 = arith.addf %div3A_50, %add3A_56 : vector<1000x1xf32>
    %sqrt3A = math.sqrt %add3A_57 : vector<1000x1xf32>
    %div3A_58 = vector.broadcast %sqrt3A : vector<1000x1xf32> to vector<1000x128xf32>
    %div3A_59 = arith.divf %mul3A_54, %div3A_58 : vector<1000x128xf32>
    %add3A_60 = vector.broadcast %get3A_37 : vector<1x128xf32> to vector<1000x128xf32>
    %add3A_61 = arith.addf %div3A_59, %add3A_60 : vector<1000x128xf32>
    %get3A_62 = arith.constant 0 : index
    %get3A_63 = arith.constant 0 : index
    %get3A_64 = vector.load %arg8[%get3A_62, %get3A_63] : memref<128x128xf32, #tpu.memory_space<vmem>>, vector<128x128xf32>
    %dot_general3A_65 = arith.constant dense<0.000000e+00> : vector<1000x128xf32>
    %dot_general3A_66 = tpu.matmul %add3A_61, %get3A_64, %dot_general3A_65 {dimension_numbers = #tpu.dot_dimension_numbers<[1], [0], [0], [1], [0, 0, 1, 1], [], []>, transpose_lhs_hint = false} : vector<1000x128xf32>, vector<128x128xf32>, vector<1000x128xf32> -> vector<1000x128xf32>
    %swap3A = arith.constant 0 : index
    %swap3A_67 = arith.constant 0 : index
    %swap3A_68 = vector.load %arg10[%swap3A, %swap3A_67] : memref<1000x128xf32, #tpu.memory_space<vmem>>, vector<1000x128xf32>
    tpu.vector_store %arg10[%swap3A, %swap3A_67], %dot_general3A_66 {strides = array<i32>} : memref<1000x128xf32, #tpu.memory_space<vmem>>, vector<1000x128xf32>,
    %get3A_69 = arith.constant 0 : index
    %get3A_70 = arith.constant 0 : index
    %get3A_71 = vector.load %arg9[%get3A_69, %get3A_70] : memref<128x128xf32, #tpu.memory_space<vmem>>, vector<128x128xf32>
    %dot_general3A_72 = arith.constant dense<0.000000e+00> : vector<1000x128xf32>
    %dot_general3A_73 = tpu.matmul %add3A_61, %get3A_71, %dot_general3A_72 {dimension_numbers = #tpu.dot_dimension_numbers<[1], [0], [0], [1], [0, 0, 1, 1], [], []>, transpose_lhs_hint = false} : vector<1000x128xf32>, vector<128x128xf32>, vector<1000x128xf32> -> vector<1000x128xf32>
    %swap3A_74 = arith.constant 0 : index
    %swap3A_75 = arith.constant 0 : index
    %swap3A_76 = vector.load %arg11[%swap3A_74, %swap3A_75] : memref<1000x128xf32, #tpu.memory_space<vmem>>, vector<1000x128xf32>
    tpu.vector_store %arg11[%swap3A_74, %swap3A_75], %dot_general3A_73 {strides = array<i32>} : memref<1000x128xf32, #tpu.memory_space<vmem>>, vector<1000x128xf32>,
    return
  }
  func.func @transform_0(%arg0: i32) -> (i32, i32, i32) {
    %jit3A = arith.constant 5 : i32
    %div3A = arith.divsi %arg0, %jit3A : i32
    %sign3A = arith.constant 0 : i32
    %sign3A_0 = arith.cmpi sgt, %arg0, %sign3A : i32
    %sign3A_1 = arith.extui %sign3A_0 : i1 to i32
    %sign3A_2 = arith.constant 0 : i32
    %sign3A_3 = arith.cmpi slt, %arg0, %sign3A_2 : i32
    %sign3A_4 = arith.extui %sign3A_3 : i1 to i32
    %sign3A_5 = arith.subi %sign3A_1, %sign3A_4 : i32
    %sign3A_6 = arith.constant 0 : i32
    %sign3A_7 = arith.cmpi sgt, %jit3A, %sign3A_6 : i32
    %sign3A_8 = arith.extui %sign3A_7 : i1 to i32
    %sign3A_9 = arith.constant 0 : i32
    %sign3A_10 = arith.cmpi slt, %jit3A, %sign3A_9 : i32
    %sign3A_11 = arith.extui %sign3A_10 : i1 to i32
    %sign3A_12 = arith.subi %sign3A_8, %sign3A_11 : i32
    %ne3A = arith.cmpi ne, %sign3A_5, %sign3A_12 : i32
    %rem3A = arith.remsi %arg0, %jit3A : i32
    %ne3A_13 = arith.constant 0 : i32
    %ne3A_14 = arith.cmpi ne, %rem3A, %ne3A_13 : i32
    %and3A = arith.andi %ne3A, %ne3A_14 : i1
    %sub3A = arith.constant 1 : i32
    %sub3A_15 = arith.subi %div3A, %sub3A : i32
    %select_n3A = arith.select %and3A, %sub3A_15, %div3A : i32
    %jit3A_16 = arith.constant 5 : i32
    %eq3A = arith.constant 0 : i32
    %eq3A_17 = arith.cmpi eq, %jit3A_16, %eq3A : i32
    %jit3A_18 = arith.constant 1 : i32
    %select_n3A_19 = arith.select %eq3A_17, %jit3A_18, %jit3A_16 : i32
    %rem3A_20 = arith.remsi %arg0, %select_n3A_19 : i32
    %ne3A_21 = arith.constant 0 : i32
    %ne3A_22 = arith.cmpi ne, %rem3A_20, %ne3A_21 : i32
    %lt3A = arith.constant 0 : i32
    %lt3A_23 = arith.cmpi slt, %rem3A_20, %lt3A : i32
    %lt3A_24 = arith.constant 0 : i32
    %lt3A_25 = arith.cmpi slt, %select_n3A_19, %lt3A_24 : i32
    %ne3A_26 = arith.xori %lt3A_23, %lt3A_25 : i1
    %and3A_27 = arith.andi %ne3A_26, %ne3A_22 : i1
    %add3A = arith.addi %rem3A_20, %select_n3A_19 : i32
    %select_n3A_28 = arith.select %and3A_27, %add3A, %rem3A_20 : i32
    %c0_i32 = arith.constant 0 : i32
    %c0_i32_29 = arith.constant 0 : i32
    return %select_n3A, %select_n3A_28, %c0_i32 : i32, i32, i32
  }
  func.func @transform_1(%arg0: i32) -> (i32, i32) {
    %c0_i32 = arith.constant 0 : i32
    %c0_i32_0 = arith.constant 0 : i32
    return %arg0, %c0_i32 : i32, i32
  }
  func.func @transform_2(%arg0: i32) -> (i32, i32) {
    %c0_i32 = arith.constant 0 : i32
    %c0_i32_0 = arith.constant 0 : i32
    return %arg0, %c0_i32 : i32, i32
  }
  func.func @transform_3(%arg0: i32) -> (i32, i32) {
    %c0_i32 = arith.constant 0 : i32
    %c0_i32_0 = arith.constant 0 : i32
    %c0_i32_1 = arith.constant 0 : i32
    return %c0_i32, %c0_i32_0 : i32, i32
  }
  func.func @transform_4(%arg0: i32) -> (i32, i32) {
    %c0_i32 = arith.constant 0 : i32
    %c0_i32_0 = arith.constant 0 : i32
    %c0_i32_1 = arith.constant 0 : i32
    return %c0_i32, %c0_i32_0 : i32, i32
  }
  func.func @transform_5(%arg0: i32) -> (i32, i32) {
    %c0_i32 = arith.constant 0 : i32
    %c0_i32_0 = arith.constant 0 : i32
    %c0_i32_1 = arith.constant 0 : i32
    return %c0_i32, %c0_i32_0 : i32, i32
  }
  func.func @transform_6(%arg0: i32) -> (i32, i32) {
    %c0_i32 = arith.constant 0 : i32
    %c0_i32_0 = arith.constant 0 : i32
    %c0_i32_1 = arith.constant 0 : i32
    return %c0_i32, %c0_i32_0 : i32, i32
  }
  func.func @transform_7(%arg0: i32) -> (i32, i32) {
    %c0_i32 = arith.constant 0 : i32
    %c0_i32_0 = arith.constant 0 : i32
    %c0_i32_1 = arith.constant 0 : i32
    return %c0_i32, %c0_i32_0 : i32, i32
  }
  func.func @transform_8(%arg0: i32) -> (i32, i32) {
    %c0_i32 = arith.constant 0 : i32
    %c0_i32_0 = arith.constant 0 : i32
    %c0_i32_1 = arith.constant 0 : i32
    return %c0_i32, %c0_i32_0 : i32, i32
  }
  func.func @transform_9(%arg0: i32) -> (i32, i32) {
    %c0_i32 = arith.constant 0 : i32
    %c0_i32_0 = arith.constant 0 : i32
    return %arg0, %c0_i32 : i32, i32
  }
  func.func @transform_10(%arg0: i32) -> (i32, i32) {
    %c0_i32 = arith.constant 0 : i32
    %c0_i32_0 = arith.constant 0 : i32
    return %arg0, %c0_i32 : i32, i32
  }
}

module attributes {stable_mosaic.version = 14 : i64} {
  func.func @_final_body(%arg0: i32, %arg1: memref<1x1000x144xf32, #tpu.memory_space<vmem>>, %arg2: memref<1000x128xf32, #tpu.memory_space<vmem>>, %arg3: memref<1000x128xf32, #tpu.memory_space<vmem>>, %arg4: memref<128x1xf32, #tpu.memory_space<vmem>>, %arg5: memref<1x128xf32, #tpu.memory_space<vmem>>, %arg6: memref<1x128xf32, #tpu.memory_space<vmem>>, %arg7: memref<1x128xf32, #tpu.memory_space<vmem>>, %arg8: memref<1x1x1000xi32, #tpu.memory_space<vmem>>, %arg9: memref<64x32xf32, #tpu.memory_space<vmem>>, %arg10: memref<32x128xf32, #tpu.memory_space<vmem>>, %arg11: memref<1x128xf32, #tpu.memory_space<vmem>>, %arg12: memref<128x128xf32, #tpu.memory_space<vmem>>, %arg13: memref<1x128xf32, #tpu.memory_space<vmem>>, %arg14: memref<1x128xf32, #tpu.memory_space<vmem>>, %arg15: memref<1x128xf32, #tpu.memory_space<vmem>>, %arg16: memref<128x128xf32, #tpu.memory_space<vmem>>, %arg17: memref<1x128xf32, #tpu.memory_space<vmem>>, %arg18: memref<1x128xf32, #tpu.memory_space<vmem>>, %arg19: memref<1x128xf32, #tpu.memory_space<vmem>>, %arg20: memref<128x128xf32, #tpu.memory_space<vmem>>, %arg21: memref<1x128xf32, #tpu.memory_space<vmem>>, %arg22: memref<128x128xf32, #tpu.memory_space<vmem>>, %arg23: memref<1x128xf32, #tpu.memory_space<vmem>>, %arg24: memref<128x128xf32, #tpu.memory_space<vmem>>, %arg25: memref<1x128xf32, #tpu.memory_space<vmem>>, %arg26: memref<128x1xf32, #tpu.memory_space<vmem>>, %arg27: memref<1x1xf32, #tpu.memory_space<vmem>>, %arg28: memref<64x1xf32, #tpu.memory_space<vmem>>, %arg29: memref<64x128xf32, #tpu.memory_space<vmem>>) attributes {dimension_semantics = [#tpu.dimension_semantics<arbitrary>], iteration_bounds = array<i64: 10>, scalar_prefetch = 0 : i64, scratch_operands = 1 : i64, tpu.core_type = #tpu.core_type<tc>, window_params = [{transform_indices = @transform_0, window_bounds = array<i64: 1, 1000, 144>}, {transform_indices = @transform_1, window_bounds = array<i64: 1000, 128>}, {transform_indices = @transform_2, window_bounds = array<i64: 1000, 128>}, {pipeline_mode = #tpu.pipeline_mode<synchronous>, transform_indices = @transform_3, window_bounds = array<i64: 128, 1>}, {pipeline_mode = #tpu.pipeline_mode<synchronous>, transform_indices = @transform_4, window_bounds = array<i64: 1, 128>}, {pipeline_mode = #tpu.pipeline_mode<synchronous>, transform_indices = @transform_5, window_bounds = array<i64: 1, 128>}, {pipeline_mode = #tpu.pipeline_mode<synchronous>, transform_indices = @transform_6, window_bounds = array<i64: 1, 128>}, {transform_indices = @transform_7, window_bounds = array<i64: 1, 1, 1000>}, {pipeline_mode = #tpu.pipeline_mode<synchronous>, transform_indices = @transform_8, window_bounds = array<i64: 64, 32>}, {pipeline_mode = #tpu.pipeline_mode<synchronous>, transform_indices = @transform_9, window_bounds = array<i64: 32, 128>}, {pipeline_mode = #tpu.pipeline_mode<synchronous>, transform_indices = @transform_10, window_bounds = array<i64: 1, 128>}, {pipeline_mode = #tpu.pipeline_mode<synchronous>, transform_indices = @transform_11, window_bounds = array<i64: 128, 128>}, {pipeline_mode = #tpu.pipeline_mode<synchronous>, transform_indices = @transform_12, window_bounds = array<i64: 1, 128>}, {pipeline_mode = #tpu.pipeline_mode<synchronous>, transform_indices = @transform_13, window_bounds = array<i64: 1, 128>}, {pipeline_mode = #tpu.pipeline_mode<synchronous>, transform_indices = @transform_14, window_bounds = array<i64: 1, 128>}, {pipeline_mode = #tpu.pipeline_mode<synchronous>, transform_indices = @transform_15, window_bounds = array<i64: 128, 128>}, {pipeline_mode = #tpu.pipeline_mode<synchronous>, transform_indices = @transform_16, window_bounds = array<i64: 1, 128>}, {pipeline_mode = #tpu.pipeline_mode<synchronous>, transform_indices = @transform_17, window_bounds = array<i64: 1, 128>}, {pipeline_mode = #tpu.pipeline_mode<synchronous>, transform_indices = @transform_18, window_bounds = array<i64: 1, 128>}, {pipeline_mode = #tpu.pipeline_mode<synchronous>, transform_indices = @transform_19, window_bounds = array<i64: 128, 128>}, {pipeline_mode = #tpu.pipeline_mode<synchronous>, transform_indices = @transform_20, window_bounds = array<i64: 1, 128>}, {pipeline_mode = #tpu.pipeline_mode<synchronous>, transform_indices = @transform_21, window_bounds = array<i64: 128, 128>}, {pipeline_mode = #tpu.pipeline_mode<synchronous>, transform_indices = @transform_22, window_bounds = array<i64: 1, 128>}, {pipeline_mode = #tpu.pipeline_mode<synchronous>, transform_indices = @transform_23, window_bounds = array<i64: 128, 128>}, {pipeline_mode = #tpu.pipeline_mode<synchronous>, transform_indices = @transform_24, window_bounds = array<i64: 1, 128>}, {pipeline_mode = #tpu.pipeline_mode<synchronous>, transform_indices = @transform_25, window_bounds = array<i64: 128, 1>}, {pipeline_mode = #tpu.pipeline_mode<synchronous>, transform_indices = @transform_26, window_bounds = array<i64: 1, 1>}, {pipeline_mode = #tpu.pipeline_mode<synchronous>, transform_indices = @transform_27, window_bounds = array<i64: 64, 1>}]} {
    %get3A = arith.constant 0 : index
    %get3A_0 = arith.constant 0 : index
    %get3A_1 = arith.constant 0 : index
    %get3A_2 = vector.load %arg1[%get3A, %get3A_0, %get3A_1] : memref<1x1000x144xf32, #tpu.memory_space<vmem>>, vector<1x1000x144xf32>
    %get3A_3 = vector.shape_cast %get3A_2 : vector<1x1000x144xf32> to vector<1000x144xf32>
    %slice3A = vector.extract_strided_slice %get3A_3 {offsets = [0, 0], sizes = [1000, 128], strides = [1, 1]} : vector<1000x144xf32> to vector<1000x128xf32>
    %slice3A_4 = vector.extract_strided_slice %get3A_3 {offsets = [0, 128], sizes = [1000, 16], strides = [1, 1]} : vector<1000x144xf32> to vector<1000x16xf32>
    %reduce_sum3A = arith.constant dense<0.000000e+00> : vector<1000xf32>
    %reduce_sum3A_5 = vector.multi_reduction <add>, %slice3A_4, %reduce_sum3A [1] : vector<1000x16xf32> to vector<1000xf32>
    %broadcast_in_dim3A = vector.shape_cast %reduce_sum3A_5 : vector<1000xf32> to vector<1000x1xf32>
    %get3A_6 = arith.constant 0 : index
    %get3A_7 = arith.constant 0 : index
    %get3A_8 = vector.load %arg2[%get3A_6, %get3A_7] : memref<1000x128xf32, #tpu.memory_space<vmem>>, vector<1000x128xf32>
    %get3A_9 = arith.constant 0 : index
    %get3A_10 = arith.constant 0 : index
    %get3A_11 = vector.load %arg3[%get3A_9, %get3A_10] : memref<1000x128xf32, #tpu.memory_space<vmem>>, vector<1000x128xf32>
    %add3A = arith.addf %get3A_8, %get3A_11 : vector<1000x128xf32>
    %mul3A = arith.constant 2.000000e-01 : f32
    %mul3A_12 = vector.broadcast %mul3A : f32 to vector<1000x128xf32>
    %mul3A_13 = arith.mulf %add3A, %mul3A_12 : vector<1000x128xf32>
    %max3A = arith.maximumf %add3A, %mul3A_13 : vector<1000x128xf32>
    %get3A_14 = arith.constant 0 : index
    %get3A_15 = arith.constant 0 : index
    %get3A_16 = vector.load %arg4[%get3A_14, %get3A_15] : memref<128x1xf32, #tpu.memory_space<vmem>>, vector<128x1xf32>
    %dot_general3A = arith.constant dense<0.000000e+00> : vector<1000x1xf32>
    %dot_general3A_17 = tpu.matmul %max3A, %get3A_16, %dot_general3A {dimension_numbers = #tpu.dot_dimension_numbers<[1], [0], [0], [1], [0, 0, 1, 1], [], []>, transpose_lhs_hint = false} : vector<1000x128xf32>, vector<128x1xf32>, vector<1000x1xf32> -> vector<1000x1xf32>
    %exp3A = math.exp %dot_general3A_17 : vector<1000x1xf32>
    %mul3A_18 = vector.broadcast %exp3A : vector<1000x1xf32> to vector<1000x128xf32>
    %mul3A_19 = arith.mulf %mul3A_18, %get3A_8 : vector<1000x128xf32>
    %add3A_20 = arith.addf %slice3A, %mul3A_19 : vector<1000x128xf32>
    %add3A_21 = arith.addf %broadcast_in_dim3A, %exp3A : vector<1000x1xf32>
    %div3A = vector.broadcast %add3A_21 : vector<1000x1xf32> to vector<1000x128xf32>
    %div3A_22 = arith.divf %add3A_20, %div3A : vector<1000x128xf32>
    %get3A_23 = arith.constant 0 : index
    %get3A_24 = arith.constant 0 : index
    %get3A_25 = vector.load %arg5[%get3A_23, %get3A_24] : memref<1x128xf32, #tpu.memory_space<vmem>>, vector<1x128xf32>
    %add3A_26 = vector.broadcast %get3A_25 : vector<1x128xf32> to vector<1000x128xf32>
    %add3A_27 = arith.addf %div3A_22, %add3A_26 : vector<1000x128xf32>
    %mul3A_28 = arith.constant 0.00999999977 : f32
    %mul3A_29 = vector.broadcast %mul3A_28 : f32 to vector<1000x128xf32>
    %mul3A_30 = arith.mulf %add3A_27, %mul3A_29 : vector<1000x128xf32>
    %max3A_31 = arith.maximumf %add3A_27, %mul3A_30 : vector<1000x128xf32>
    %get3A_32 = arith.constant 0 : index
    %get3A_33 = arith.constant 0 : index
    %get3A_34 = vector.load %arg6[%get3A_32, %get3A_33] : memref<1x128xf32, #tpu.memory_space<vmem>>, vector<1x128xf32>
    %get3A_35 = arith.constant 0 : index
    %get3A_36 = arith.constant 0 : index
    %get3A_37 = vector.load %arg7[%get3A_35, %get3A_36] : memref<1x128xf32, #tpu.memory_space<vmem>>, vector<1x128xf32>
    %reduce_sum3A_38 = arith.constant dense<0.000000e+00> : vector<1000xf32>
    %reduce_sum3A_39 = vector.multi_reduction <add>, %max3A_31, %reduce_sum3A_38 [1] : vector<1000x128xf32> to vector<1000xf32>
    %broadcast_in_dim3A_40 = vector.shape_cast %reduce_sum3A_39 : vector<1000xf32> to vector<1000x1xf32>
    %div3A_41 = arith.constant 1.280000e+02 : f32
    %div3A_42 = vector.broadcast %div3A_41 : f32 to vector<1000x1xf32>
    %div3A_43 = arith.divf %broadcast_in_dim3A_40, %div3A_42 : vector<1000x1xf32>
    %sub3A = vector.broadcast %div3A_43 : vector<1000x1xf32> to vector<1000x128xf32>
    %sub3A_44 = arith.subf %max3A_31, %sub3A : vector<1000x128xf32>
    %integer_pow3A = arith.mulf %sub3A_44, %sub3A_44 : vector<1000x128xf32>
    %reduce_sum3A_45 = arith.constant dense<0.000000e+00> : vector<1000xf32>
    %reduce_sum3A_46 = vector.multi_reduction <add>, %integer_pow3A, %reduce_sum3A_45 [1] : vector<1000x128xf32> to vector<1000xf32>
    %broadcast_in_dim3A_47 = vector.shape_cast %reduce_sum3A_46 : vector<1000xf32> to vector<1000x1xf32>
    %div3A_48 = arith.constant 1.280000e+02 : f32
    %div3A_49 = vector.broadcast %div3A_48 : f32 to vector<1000x1xf32>
    %div3A_50 = arith.divf %broadcast_in_dim3A_47, %div3A_49 : vector<1000x1xf32>
    %sub3A_51 = vector.broadcast %div3A_43 : vector<1000x1xf32> to vector<1000x128xf32>
    %sub3A_52 = arith.subf %max3A_31, %sub3A_51 : vector<1000x128xf32>
    %mul3A_53 = vector.broadcast %get3A_34 : vector<1x128xf32> to vector<1000x128xf32>
    %mul3A_54 = arith.mulf %mul3A_53, %sub3A_52 : vector<1000x128xf32>
    %add3A_55 = arith.constant 9.99999974E-6 : f32
    %add3A_56 = vector.broadcast %add3A_55 : f32 to vector<1000x1xf32>
    %add3A_57 = arith.addf %div3A_50, %add3A_56 : vector<1000x1xf32>
    %sqrt3A = math.sqrt %add3A_57 : vector<1000x1xf32>
    %div3A_58 = vector.broadcast %sqrt3A : vector<1000x1xf32> to vector<1000x128xf32>
    %div3A_59 = arith.divf %mul3A_54, %div3A_58 : vector<1000x128xf32>
    %add3A_60 = vector.broadcast %get3A_37 : vector<1x128xf32> to vector<1000x128xf32>
    %add3A_61 = arith.addf %div3A_59, %add3A_60 : vector<1000x128xf32>
    %get3A_62 = arith.constant 0 : index
    %get3A_63 = arith.constant 0 : index
    %get3A_64 = arith.constant 0 : index
    %get3A_65 = vector.load %arg8[%get3A_62, %get3A_63, %get3A_64] : memref<1x1x1000xi32, #tpu.memory_space<vmem>>, vector<1x1x1000xi32>
    %get3A_66 = vector.shape_cast %get3A_65 : vector<1x1x1000xi32> to vector<1000xi32>
    %broadcast_in_dim3A_67 = vector.shape_cast %get3A_66 : vector<1000xi32> to vector<1000x1xi32>
    %iota3A = tpu.iota {dimensions = array<i32: 1>} : vector<1x64xi32>
    %eq3A = vector.broadcast %broadcast_in_dim3A_67 : vector<1000x1xi32> to vector<1000x64xi32>
    %eq3A_68 = vector.broadcast %iota3A : vector<1x64xi32> to vector<1000x64xi32>
    %eq3A_69 = arith.cmpi eq, %eq3A, %eq3A_68 : vector<1000x64xi32>
    %convert_element_type3A = arith.extui %eq3A_69 : vector<1000x64xi1> to vector<1000x64xi32>
    %convert_element_type3A_70 = arith.sitofp %convert_element_type3A : vector<1000x64xi32> to vector<1000x64xf32>
    %dot_general3A_71 = arith.constant dense<0.000000e+00> : vector<64x128xf32>
    %dot_general3A_72 = tpu.matmul %convert_element_type3A_70, %add3A_61, %dot_general3A_71 {dimension_numbers = #tpu.dot_dimension_numbers<[0], [0], [1], [1], [0, 1, 1, 1], [], []>, transpose_lhs_hint = false} : vector<1000x64xf32>, vector<1000x128xf32>, vector<64x128xf32> -> vector<64x128xf32>
    %eq3A_73 = arith.constant 0 : i32
    %eq3A_74 = arith.cmpi eq, %arg0, %eq3A_73 : i32
    %convert_element_type3A_75 = arith.extui %eq3A_74 : i1 to i32
    %cond3A = arith.constant 0 : i32
    %cond3A_76 = arith.cmpi ne, %convert_element_type3A_75, %cond3A : i32
    scf.if %cond3A_76 {
      %broadcast_in_dim3A_88 = arith.constant 0.000000e+00 : f32
      %broadcast_in_dim3A_89 = vector.broadcast %broadcast_in_dim3A_88 : f32 to vector<64x128xf32>
      %swap3A_90 = arith.constant 0 : index
      %swap3A_91 = arith.constant 0 : index
      %swap3A_92 = vector.load %arg29[%swap3A_90, %swap3A_91] : memref<64x128xf32, #tpu.memory_space<vmem>>, vector<64x128xf32>
      tpu.vector_store %arg29[%swap3A_90, %swap3A_91], %broadcast_in_dim3A_89 {strides = array<i32>} : memref<64x128xf32, #tpu.memory_space<vmem>>, vector<64x128xf32>,
    } else {
    }
    %get3A_77 = arith.constant 0 : index
    %get3A_78 = arith.constant 0 : index
    %get3A_79 = vector.load %arg29[%get3A_77, %get3A_78] : memref<64x128xf32, #tpu.memory_space<vmem>>, vector<64x128xf32>
    %add3A_80 = arith.addf %get3A_79, %dot_general3A_72 : vector<64x128xf32>
    %swap3A = arith.constant 0 : index
    %swap3A_81 = arith.constant 0 : index
    %swap3A_82 = vector.load %arg29[%swap3A, %swap3A_81] : memref<64x128xf32, #tpu.memory_space<vmem>>, vector<64x128xf32>
    tpu.vector_store %arg29[%swap3A, %swap3A_81], %add3A_80 {strides = array<i32>} : memref<64x128xf32, #tpu.memory_space<vmem>>, vector<64x128xf32>,
    %eq3A_83 = arith.constant 9 : i32
    %eq3A_84 = arith.cmpi eq, %arg0, %eq3A_83 : i32
    %convert_element_type3A_85 = arith.extui %eq3A_84 : i1 to i32
    %cond3A_86 = arith.constant 0 : i32
    %cond3A_87 = arith.cmpi ne, %convert_element_type3A_85, %cond3A_86 : i32
    scf.if %cond3A_87 {
      %get3A_88 = arith.constant 0 : index
      %get3A_89 = arith.constant 0 : index
      %get3A_90 = vector.load %arg9[%get3A_88, %get3A_89] : memref<64x32xf32, #tpu.memory_space<vmem>>, vector<64x32xf32>
      %get3A_91 = arith.constant 0 : index
      %get3A_92 = arith.constant 0 : index
      %get3A_93 = vector.load %arg10[%get3A_91, %get3A_92] : memref<32x128xf32, #tpu.memory_space<vmem>>, vector<32x128xf32>
      %dot_general3A_94 = arith.constant dense<0.000000e+00> : vector<64x128xf32>
      %dot_general3A_95 = tpu.matmul %get3A_90, %get3A_93, %dot_general3A_94 {dimension_numbers = #tpu.dot_dimension_numbers<[1], [0], [0], [1], [0, 0, 1, 1], [], []>, transpose_lhs_hint = false} : vector<64x32xf32>, vector<32x128xf32>, vector<64x128xf32> -> vector<64x128xf32>
      %get3A_96 = arith.constant 0 : index
      %get3A_97 = arith.constant 0 : index
      %get3A_98 = vector.load %arg11[%get3A_96, %get3A_97] : memref<1x128xf32, #tpu.memory_space<vmem>>, vector<1x128xf32>
      %add3A_99 = vector.broadcast %get3A_98 : vector<1x128xf32> to vector<64x128xf32>
      %add3A_100 = arith.addf %dot_general3A_95, %add3A_99 : vector<64x128xf32>
      %get3A_101 = arith.constant 0 : index
      %get3A_102 = arith.constant 0 : index
      %get3A_103 = vector.load %arg12[%get3A_101, %get3A_102] : memref<128x128xf32, #tpu.memory_space<vmem>>, vector<128x128xf32>
      %dot_general3A_104 = arith.constant dense<0.000000e+00> : vector<64x128xf32>
      %dot_general3A_105 = tpu.matmul %add3A_100, %get3A_103, %dot_general3A_104 {dimension_numbers = #tpu.dot_dimension_numbers<[1], [0], [0], [1], [0, 0, 1, 1], [], []>, transpose_lhs_hint = false} : vector<64x128xf32>, vector<128x128xf32>, vector<64x128xf32> -> vector<64x128xf32>
      %get3A_106 = arith.constant 0 : index
      %get3A_107 = arith.constant 0 : index
      %get3A_108 = vector.load %arg13[%get3A_106, %get3A_107] : memref<1x128xf32, #tpu.memory_space<vmem>>, vector<1x128xf32>
      %add3A_109 = vector.broadcast %get3A_108 : vector<1x128xf32> to vector<64x128xf32>
      %add3A_110 = arith.addf %dot_general3A_105, %add3A_109 : vector<64x128xf32>
      %mul3A_111 = arith.constant 0.00999999977 : f32
      %mul3A_112 = vector.broadcast %mul3A_111 : f32 to vector<64x128xf32>
      %mul3A_113 = arith.mulf %add3A_110, %mul3A_112 : vector<64x128xf32>
      %max3A_114 = arith.maximumf %add3A_110, %mul3A_113 : vector<64x128xf32>
      %get3A_115 = arith.constant 0 : index
      %get3A_116 = arith.constant 0 : index
      %get3A_117 = vector.load %arg14[%get3A_115, %get3A_116] : memref<1x128xf32, #tpu.memory_space<vmem>>, vector<1x128xf32>
      %get3A_118 = arith.constant 0 : index
      %get3A_119 = arith.constant 0 : index
      %get3A_120 = vector.load %arg15[%get3A_118, %get3A_119] : memref<1x128xf32, #tpu.memory_space<vmem>>, vector<1x128xf32>
      %reduce_sum3A_121 = arith.constant dense<0.000000e+00> : vector<64xf32>
      %reduce_sum3A_122 = vector.multi_reduction <add>, %max3A_114, %reduce_sum3A_121 [1] : vector<64x128xf32> to vector<64xf32>
      %broadcast_in_dim3A_123 = vector.shape_cast %reduce_sum3A_122 : vector<64xf32> to vector<64x1xf32>
      %div3A_124 = arith.constant 1.280000e+02 : f32
      %div3A_125 = vector.broadcast %div3A_124 : f32 to vector<64x1xf32>
      %div3A_126 = arith.divf %broadcast_in_dim3A_123, %div3A_125 : vector<64x1xf32>
      %sub3A_127 = vector.broadcast %div3A_126 : vector<64x1xf32> to vector<64x128xf32>
      %sub3A_128 = arith.subf %max3A_114, %sub3A_127 : vector<64x128xf32>
      %integer_pow3A_129 = arith.mulf %sub3A_128, %sub3A_128 : vector<64x128xf32>
      %reduce_sum3A_130 = arith.constant dense<0.000000e+00> : vector<64xf32>
      %reduce_sum3A_131 = vector.multi_reduction <add>, %integer_pow3A_129, %reduce_sum3A_130 [1] : vector<64x128xf32> to vector<64xf32>
      %broadcast_in_dim3A_132 = vector.shape_cast %reduce_sum3A_131 : vector<64xf32> to vector<64x1xf32>
      %div3A_133 = arith.constant 1.280000e+02 : f32
      %div3A_134 = vector.broadcast %div3A_133 : f32 to vector<64x1xf32>
      %div3A_135 = arith.divf %broadcast_in_dim3A_132, %div3A_134 : vector<64x1xf32>
      %sub3A_136 = vector.broadcast %div3A_126 : vector<64x1xf32> to vector<64x128xf32>
      %sub3A_137 = arith.subf %max3A_114, %sub3A_136 : vector<64x128xf32>
      %mul3A_138 = vector.broadcast %get3A_117 : vector<1x128xf32> to vector<64x128xf32>
      %mul3A_139 = arith.mulf %mul3A_138, %sub3A_137 : vector<64x128xf32>
      %add3A_140 = arith.constant 9.99999974E-6 : f32
      %add3A_141 = vector.broadcast %add3A_140 : f32 to vector<64x1xf32>
      %add3A_142 = arith.addf %div3A_135, %add3A_141 : vector<64x1xf32>
      %sqrt3A_143 = math.sqrt %add3A_142 : vector<64x1xf32>
      %div3A_144 = vector.broadcast %sqrt3A_143 : vector<64x1xf32> to vector<64x128xf32>
      %div3A_145 = arith.divf %mul3A_139, %div3A_144 : vector<64x128xf32>
      %add3A_146 = vector.broadcast %get3A_120 : vector<1x128xf32> to vector<64x128xf32>
      %add3A_147 = arith.addf %div3A_145, %add3A_146 : vector<64x128xf32>
      %get3A_148 = arith.constant 0 : index
      %get3A_149 = arith.constant 0 : index
      %get3A_150 = vector.load %arg16[%get3A_148, %get3A_149] : memref<128x128xf32, #tpu.memory_space<vmem>>, vector<128x128xf32>
      %dot_general3A_151 = arith.constant dense<0.000000e+00> : vector<64x128xf32>
      %dot_general3A_152 = tpu.matmul %add3A_147, %get3A_150, %dot_general3A_151 {dimension_numbers = #tpu.dot_dimension_numbers<[1], [0], [0], [1], [0, 0, 1, 1], [], []>, transpose_lhs_hint = false} : vector<64x128xf32>, vector<128x128xf32>, vector<64x128xf32> -> vector<64x128xf32>
      %get3A_153 = arith.constant 0 : index
      %get3A_154 = arith.constant 0 : index
      %get3A_155 = vector.load %arg17[%get3A_153, %get3A_154] : memref<1x128xf32, #tpu.memory_space<vmem>>, vector<1x128xf32>
      %add3A_156 = vector.broadcast %get3A_155 : vector<1x128xf32> to vector<64x128xf32>
      %add3A_157 = arith.addf %dot_general3A_152, %add3A_156 : vector<64x128xf32>
      %mul3A_158 = arith.constant 0.00999999977 : f32
      %mul3A_159 = vector.broadcast %mul3A_158 : f32 to vector<64x128xf32>
      %mul3A_160 = arith.mulf %add3A_157, %mul3A_159 : vector<64x128xf32>
      %max3A_161 = arith.maximumf %add3A_157, %mul3A_160 : vector<64x128xf32>
      %get3A_162 = arith.constant 0 : index
      %get3A_163 = arith.constant 0 : index
      %get3A_164 = vector.load %arg18[%get3A_162, %get3A_163] : memref<1x128xf32, #tpu.memory_space<vmem>>, vector<1x128xf32>
      %get3A_165 = arith.constant 0 : index
      %get3A_166 = arith.constant 0 : index
      %get3A_167 = vector.load %arg19[%get3A_165, %get3A_166] : memref<1x128xf32, #tpu.memory_space<vmem>>, vector<1x128xf32>
      %reduce_sum3A_168 = arith.constant dense<0.000000e+00> : vector<64xf32>
      %reduce_sum3A_169 = vector.multi_reduction <add>, %max3A_161, %reduce_sum3A_168 [1] : vector<64x128xf32> to vector<64xf32>
      %broadcast_in_dim3A_170 = vector.shape_cast %reduce_sum3A_169 : vector<64xf32> to vector<64x1xf32>
      %div3A_171 = arith.constant 1.280000e+02 : f32
      %div3A_172 = vector.broadcast %div3A_171 : f32 to vector<64x1xf32>
      %div3A_173 = arith.divf %broadcast_in_dim3A_170, %div3A_172 : vector<64x1xf32>
      %sub3A_174 = vector.broadcast %div3A_173 : vector<64x1xf32> to vector<64x128xf32>
      %sub3A_175 = arith.subf %max3A_161, %sub3A_174 : vector<64x128xf32>
      %integer_pow3A_176 = arith.mulf %sub3A_175, %sub3A_175 : vector<64x128xf32>
      %reduce_sum3A_177 = arith.constant dense<0.000000e+00> : vector<64xf32>
      %reduce_sum3A_178 = vector.multi_reduction <add>, %integer_pow3A_176, %reduce_sum3A_177 [1] : vector<64x128xf32> to vector<64xf32>
      %broadcast_in_dim3A_179 = vector.shape_cast %reduce_sum3A_178 : vector<64xf32> to vector<64x1xf32>
      %div3A_180 = arith.constant 1.280000e+02 : f32
      %div3A_181 = vector.broadcast %div3A_180 : f32 to vector<64x1xf32>
      %div3A_182 = arith.divf %broadcast_in_dim3A_179, %div3A_181 : vector<64x1xf32>
      %sub3A_183 = vector.broadcast %div3A_173 : vector<64x1xf32> to vector<64x128xf32>
      %sub3A_184 = arith.subf %max3A_161, %sub3A_183 : vector<64x128xf32>
      %mul3A_185 = vector.broadcast %get3A_164 : vector<1x128xf32> to vector<64x128xf32>
      %mul3A_186 = arith.mulf %mul3A_185, %sub3A_184 : vector<64x128xf32>
      %add3A_187 = arith.constant 9.99999974E-6 : f32
      %add3A_188 = vector.broadcast %add3A_187 : f32 to vector<64x1xf32>
      %add3A_189 = arith.addf %div3A_182, %add3A_188 : vector<64x1xf32>
      %sqrt3A_190 = math.sqrt %add3A_189 : vector<64x1xf32>
      %div3A_191 = vector.broadcast %sqrt3A_190 : vector<64x1xf32> to vector<64x128xf32>
      %div3A_192 = arith.divf %mul3A_186, %div3A_191 : vector<64x128xf32>
      %add3A_193 = vector.broadcast %get3A_167 : vector<1x128xf32> to vector<64x128xf32>
      %add3A_194 = arith.addf %div3A_192, %add3A_193 : vector<64x128xf32>
      %get3A_195 = arith.constant 0 : index
      %get3A_196 = arith.constant 0 : index
      %get3A_197 = vector.load %arg20[%get3A_195, %get3A_196] : memref<128x128xf32, #tpu.memory_space<vmem>>, vector<128x128xf32>
      %dot_general3A_198 = arith.constant dense<0.000000e+00> : vector<64x128xf32>
      %dot_general3A_199 = tpu.matmul %add3A_194, %get3A_197, %dot_general3A_198 {dimension_numbers = #tpu.dot_dimension_numbers<[1], [0], [0], [1], [0, 0, 1, 1], [], []>, transpose_lhs_hint = false} : vector<64x128xf32>, vector<128x128xf32>, vector<64x128xf32> -> vector<64x128xf32>
      %get3A_200 = arith.constant 0 : index
      %get3A_201 = arith.constant 0 : index
      %get3A_202 = vector.load %arg21[%get3A_200, %get3A_201] : memref<1x128xf32, #tpu.memory_space<vmem>>, vector<1x128xf32>
      %add3A_203 = vector.broadcast %get3A_202 : vector<1x128xf32> to vector<64x128xf32>
      %add3A_204 = arith.addf %dot_general3A_199, %add3A_203 : vector<64x128xf32>
      %get3A_205 = arith.constant 0 : index
      %get3A_206 = arith.constant 0 : index
      %get3A_207 = vector.load %arg29[%get3A_205, %get3A_206] : memref<64x128xf32, #tpu.memory_space<vmem>>, vector<64x128xf32>
      %add3A_208 = arith.addf %get3A_207, %add3A_204 : vector<64x128xf32>
      %get3A_209 = arith.constant 0 : index
      %get3A_210 = arith.constant 0 : index
      %get3A_211 = vector.load %arg22[%get3A_209, %get3A_210] : memref<128x128xf32, #tpu.memory_space<vmem>>, vector<128x128xf32>
      %dot_general3A_212 = arith.constant dense<0.000000e+00> : vector<64x128xf32>
      %dot_general3A_213 = tpu.matmul %add3A_208, %get3A_211, %dot_general3A_212 {dimension_numbers = #tpu.dot_dimension_numbers<[1], [0], [0], [1], [0, 0, 1, 1], [], []>, transpose_lhs_hint = false} : vector<64x128xf32>, vector<128x128xf32>, vector<64x128xf32> -> vector<64x128xf32>
      %get3A_214 = arith.constant 0 : index
      %get3A_215 = arith.constant 0 : index
      %get3A_216 = vector.load %arg23[%get3A_214, %get3A_215] : memref<1x128xf32, #tpu.memory_space<vmem>>, vector<1x128xf32>
      %add3A_217 = vector.broadcast %get3A_216 : vector<1x128xf32> to vector<64x128xf32>
      %add3A_218 = arith.addf %dot_general3A_213, %add3A_217 : vector<64x128xf32>
      %mul3A_219 = arith.constant 0.00999999977 : f32
      %mul3A_220 = vector.broadcast %mul3A_219 : f32 to vector<64x128xf32>
      %mul3A_221 = arith.mulf %add3A_218, %mul3A_220 : vector<64x128xf32>
      %max3A_222 = arith.maximumf %add3A_218, %mul3A_221 : vector<64x128xf32>
      %get3A_223 = arith.constant 0 : index
      %get3A_224 = arith.constant 0 : index
      %get3A_225 = vector.load %arg24[%get3A_223, %get3A_224] : memref<128x128xf32, #tpu.memory_space<vmem>>, vector<128x128xf32>
      %dot_general3A_226 = arith.constant dense<0.000000e+00> : vector<64x128xf32>
      %dot_general3A_227 = tpu.matmul %max3A_222, %get3A_225, %dot_general3A_226 {dimension_numbers = #tpu.dot_dimension_numbers<[1], [0], [0], [1], [0, 0, 1, 1], [], []>, transpose_lhs_hint = false} : vector<64x128xf32>, vector<128x128xf32>, vector<64x128xf32> -> vector<64x128xf32>
      %get3A_228 = arith.constant 0 : index
      %get3A_229 = arith.constant 0 : index
      %get3A_230 = vector.load %arg25[%get3A_228, %get3A_229] : memref<1x128xf32, #tpu.memory_space<vmem>>, vector<1x128xf32>
      %add3A_231 = vector.broadcast %get3A_230 : vector<1x128xf32> to vector<64x128xf32>
      %add3A_232 = arith.addf %dot_general3A_227, %add3A_231 : vector<64x128xf32>
      %mul3A_233 = arith.constant 0.00999999977 : f32
      %mul3A_234 = vector.broadcast %mul3A_233 : f32 to vector<64x128xf32>
      %mul3A_235 = arith.mulf %add3A_232, %mul3A_234 : vector<64x128xf32>
      %max3A_236 = arith.maximumf %add3A_232, %mul3A_235 : vector<64x128xf32>
      %get3A_237 = arith.constant 0 : index
      %get3A_238 = arith.constant 0 : index
      %get3A_239 = vector.load %arg26[%get3A_237, %get3A_238] : memref<128x1xf32, #tpu.memory_space<vmem>>, vector<128x1xf32>
      %dot_general3A_240 = arith.constant dense<0.000000e+00> : vector<64x1xf32>
      %dot_general3A_241 = tpu.matmul %max3A_236, %get3A_239, %dot_general3A_240 {dimension_numbers = #tpu.dot_dimension_numbers<[1], [0], [0], [1], [0, 0, 1, 1], [], []>, transpose_lhs_hint = false} : vector<64x128xf32>, vector<128x1xf32>, vector<64x1xf32> -> vector<64x1xf32>
      %get3A_242 = arith.constant 0 : index
      %get3A_243 = arith.constant 0 : index
      %get3A_244 = vector.load %arg27[%get3A_242, %get3A_243] : memref<1x1xf32, #tpu.memory_space<vmem>>, vector<1x1xf32>
      %add3A_245 = vector.broadcast %get3A_244 : vector<1x1xf32> to vector<64x1xf32>
      %add3A_246 = arith.addf %dot_general3A_241, %add3A_245 : vector<64x1xf32>
      %swap3A_247 = arith.constant 0 : index
      %swap3A_248 = arith.constant 0 : index
      %swap3A_249 = vector.load %arg28[%swap3A_247, %swap3A_248] : memref<64x1xf32, #tpu.memory_space<vmem>>, vector<64x1xf32>
      tpu.vector_store %arg28[%swap3A_247, %swap3A_248], %add3A_246 {strides = array<i32>} : memref<64x1xf32, #tpu.memory_space<vmem>>, vector<64x1xf32>,
    } else {
    }
    return
  }
  func.func @transform_0(%arg0: i32) -> (i32, i32, i32) {
    %jit3A = arith.constant 5 : i32
    %div3A = arith.divsi %arg0, %jit3A : i32
    %sign3A = arith.constant 0 : i32
    %sign3A_0 = arith.cmpi sgt, %arg0, %sign3A : i32
    %sign3A_1 = arith.extui %sign3A_0 : i1 to i32
    %sign3A_2 = arith.constant 0 : i32
    %sign3A_3 = arith.cmpi slt, %arg0, %sign3A_2 : i32
    %sign3A_4 = arith.extui %sign3A_3 : i1 to i32
    %sign3A_5 = arith.subi %sign3A_1, %sign3A_4 : i32
    %sign3A_6 = arith.constant 0 : i32
    %sign3A_7 = arith.cmpi sgt, %jit3A, %sign3A_6 : i32
    %sign3A_8 = arith.extui %sign3A_7 : i1 to i32
    %sign3A_9 = arith.constant 0 : i32
    %sign3A_10 = arith.cmpi slt, %jit3A, %sign3A_9 : i32
    %sign3A_11 = arith.extui %sign3A_10 : i1 to i32
    %sign3A_12 = arith.subi %sign3A_8, %sign3A_11 : i32
    %ne3A = arith.cmpi ne, %sign3A_5, %sign3A_12 : i32
    %rem3A = arith.remsi %arg0, %jit3A : i32
    %ne3A_13 = arith.constant 0 : i32
    %ne3A_14 = arith.cmpi ne, %rem3A, %ne3A_13 : i32
    %and3A = arith.andi %ne3A, %ne3A_14 : i1
    %sub3A = arith.constant 1 : i32
    %sub3A_15 = arith.subi %div3A, %sub3A : i32
    %select_n3A = arith.select %and3A, %sub3A_15, %div3A : i32
    %jit3A_16 = arith.constant 5 : i32
    %eq3A = arith.constant 0 : i32
    %eq3A_17 = arith.cmpi eq, %jit3A_16, %eq3A : i32
    %jit3A_18 = arith.constant 1 : i32
    %select_n3A_19 = arith.select %eq3A_17, %jit3A_18, %jit3A_16 : i32
    %rem3A_20 = arith.remsi %arg0, %select_n3A_19 : i32
    %ne3A_21 = arith.constant 0 : i32
    %ne3A_22 = arith.cmpi ne, %rem3A_20, %ne3A_21 : i32
    %lt3A = arith.constant 0 : i32
    %lt3A_23 = arith.cmpi slt, %rem3A_20, %lt3A : i32
    %lt3A_24 = arith.constant 0 : i32
    %lt3A_25 = arith.cmpi slt, %select_n3A_19, %lt3A_24 : i32
    %ne3A_26 = arith.xori %lt3A_23, %lt3A_25 : i1
    %and3A_27 = arith.andi %ne3A_26, %ne3A_22 : i1
    %add3A = arith.addi %rem3A_20, %select_n3A_19 : i32
    %select_n3A_28 = arith.select %and3A_27, %add3A, %rem3A_20 : i32
    %c0_i32 = arith.constant 0 : i32
    %c0_i32_29 = arith.constant 0 : i32
    return %select_n3A, %select_n3A_28, %c0_i32 : i32, i32, i32
  }
  func.func @transform_1(%arg0: i32) -> (i32, i32) {
    %c0_i32 = arith.constant 0 : i32
    %c0_i32_0 = arith.constant 0 : i32
    return %arg0, %c0_i32 : i32, i32
  }
  func.func @transform_2(%arg0: i32) -> (i32, i32) {
    %c0_i32 = arith.constant 0 : i32
    %c0_i32_0 = arith.constant 0 : i32
    return %arg0, %c0_i32 : i32, i32
  }
  func.func @transform_3(%arg0: i32) -> (i32, i32) {
    %c0_i32 = arith.constant 0 : i32
    %c0_i32_0 = arith.constant 0 : i32
    %c0_i32_1 = arith.constant 0 : i32
    return %c0_i32, %c0_i32_0 : i32, i32
  }
  func.func @transform_4(%arg0: i32) -> (i32, i32) {
    %c0_i32 = arith.constant 0 : i32
    %c0_i32_0 = arith.constant 0 : i32
    %c0_i32_1 = arith.constant 0 : i32
    return %c0_i32, %c0_i32_0 : i32, i32
  }
  func.func @transform_5(%arg0: i32) -> (i32, i32) {
    %c0_i32 = arith.constant 0 : i32
    %c0_i32_0 = arith.constant 0 : i32
    %c0_i32_1 = arith.constant 0 : i32
    return %c0_i32, %c0_i32_0 : i32, i32
  }
  func.func @transform_6(%arg0: i32) -> (i32, i32) {
    %c0_i32 = arith.constant 0 : i32
    %c0_i32_0 = arith.constant 0 : i32
    %c0_i32_1 = arith.constant 0 : i32
    return %c0_i32, %c0_i32_0 : i32, i32
  }
  func.func @transform_7(%arg0: i32) -> (i32, i32, i32) {
    %c0_i32 = arith.constant 0 : i32
    %c0_i32_0 = arith.constant 0 : i32
    %c0_i32_1 = arith.constant 0 : i32
    return %arg0, %c0_i32, %c0_i32_0 : i32, i32, i32
  }
  func.func @transform_8(%arg0: i32) -> (i32, i32) {
    %c0_i32 = arith.constant 0 : i32
    %c0_i32_0 = arith.constant 0 : i32
    %c0_i32_1 = arith.constant 0 : i32
    return %c0_i32, %c0_i32_0 : i32, i32
  }
  func.func @transform_9(%arg0: i32) -> (i32, i32) {
    %c0_i32 = arith.constant 0 : i32
    %c0_i32_0 = arith.constant 0 : i32
    %c0_i32_1 = arith.constant 0 : i32
    return %c0_i32, %c0_i32_0 : i32, i32
  }
  func.func @transform_10(%arg0: i32) -> (i32, i32) {
    %c0_i32 = arith.constant 0 : i32
    %c0_i32_0 = arith.constant 0 : i32
    %c0_i32_1 = arith.constant 0 : i32
    return %c0_i32, %c0_i32_0 : i32, i32
  }
  func.func @transform_11(%arg0: i32) -> (i32, i32) {
    %c0_i32 = arith.constant 0 : i32
    %c0_i32_0 = arith.constant 0 : i32
    %c0_i32_1 = arith.constant 0 : i32
    return %c0_i32, %c0_i32_0 : i32, i32
  }
  func.func @transform_12(%arg0: i32) -> (i32, i32) {
    %c0_i32 = arith.constant 0 : i32
    %c0_i32_0 = arith.constant 0 : i32
    %c0_i32_1 = arith.constant 0 : i32
    return %c0_i32, %c0_i32_0 : i32, i32
  }
  func.func @transform_13(%arg0: i32) -> (i32, i32) {
    %c0_i32 = arith.constant 0 : i32
    %c0_i32_0 = arith.constant 0 : i32
    %c0_i32_1 = arith.constant 0 : i32
    return %c0_i32, %c0_i32_0 : i32, i32
  }
  func.func @transform_14(%arg0: i32) -> (i32, i32) {
    %c0_i32 = arith.constant 0 : i32
    %c0_i32_0 = arith.constant 0 : i32
    %c0_i32_1 = arith.constant 0 : i32
    return %c0_i32, %c0_i32_0 : i32, i32
  }
  func.func @transform_15(%arg0: i32) -> (i32, i32) {
    %c0_i32 = arith.constant 0 : i32
    %c0_i32_0 = arith.constant 0 : i32
    %c0_i32_1 = arith.constant 0 : i32
    return %c0_i32, %c0_i32_0 : i32, i32
  }
  func.func @transform_16(%arg0: i32) -> (i32, i32) {
    %c0_i32 = arith.constant 0 : i32
    %c0_i32_0 = arith.constant 0 : i32
    %c0_i32_1 = arith.constant 0 : i32
    return %c0_i32, %c0_i32_0 : i32, i32
  }
  func.func @transform_17(%arg0: i32) -> (i32, i32) {
    %c0_i32 = arith.constant 0 : i32
    %c0_i32_0 = arith.constant 0 : i32
    %c0_i32_1 = arith.constant 0 : i32
    return %c0_i32, %c0_i32_0 : i32, i32
  }
  func.func @transform_18(%arg0: i32) -> (i32, i32) {
    %c0_i32 = arith.constant 0 : i32
    %c0_i32_0 = arith.constant 0 : i32
    %c0_i32_1 = arith.constant 0 : i32
    return %c0_i32, %c0_i32_0 : i32, i32
  }
  func.func @transform_19(%arg0: i32) -> (i32, i32) {
    %c0_i32 = arith.constant 0 : i32
    %c0_i32_0 = arith.constant 0 : i32
    %c0_i32_1 = arith.constant 0 : i32
    return %c0_i32, %c0_i32_0 : i32, i32
  }
  func.func @transform_20(%arg0: i32) -> (i32, i32) {
    %c0_i32 = arith.constant 0 : i32
    %c0_i32_0 = arith.constant 0 : i32
    %c0_i32_1 = arith.constant 0 : i32
    return %c0_i32, %c0_i32_0 : i32, i32
  }
  func.func @transform_21(%arg0: i32) -> (i32, i32) {
    %c0_i32 = arith.constant 0 : i32
    %c0_i32_0 = arith.constant 0 : i32
    %c0_i32_1 = arith.constant 0 : i32
    return %c0_i32, %c0_i32_0 : i32, i32
  }
  func.func @transform_22(%arg0: i32) -> (i32, i32) {
    %c0_i32 = arith.constant 0 : i32
    %c0_i32_0 = arith.constant 0 : i32
    %c0_i32_1 = arith.constant 0 : i32
    return %c0_i32, %c0_i32_0 : i32, i32
  }
  func.func @transform_23(%arg0: i32) -> (i32, i32) {
    %c0_i32 = arith.constant 0 : i32
    %c0_i32_0 = arith.constant 0 : i32
    %c0_i32_1 = arith.constant 0 : i32
    return %c0_i32, %c0_i32_0 : i32, i32
  }
  func.func @transform_24(%arg0: i32) -> (i32, i32) {
    %c0_i32 = arith.constant 0 : i32
    %c0_i32_0 = arith.constant 0 : i32
    %c0_i32_1 = arith.constant 0 : i32
    return %c0_i32, %c0_i32_0 : i32, i32
  }
  func.func @transform_25(%arg0: i32) -> (i32, i32) {
    %c0_i32 = arith.constant 0 : i32
    %c0_i32_0 = arith.constant 0 : i32
    %c0_i32_1 = arith.constant 0 : i32
    return %c0_i32, %c0_i32_0 : i32, i32
  }
  func.func @transform_26(%arg0: i32) -> (i32, i32) {
    %c0_i32 = arith.constant 0 : i32
    %c0_i32_0 = arith.constant 0 : i32
    %c0_i32_1 = arith.constant 0 : i32
    return %c0_i32, %c0_i32_0 : i32, i32
  }
  func.func @transform_27(%arg0: i32) -> (i32, i32) {
    %c0_i32 = arith.constant 0 : i32
    %c0_i32_0 = arith.constant 0 : i32
    %c0_i32_1 = arith.constant 0 : i32
    return %c0_i32, %c0_i32_0 : i32, i32
  }
}

</mosaic_0001>

<sc_bundles>
// kernel: kernel.10.cloned.1.call-start
scs
__scs_entry_jumppad:
0x0: {  	(pc) =	sbr.rel $0x88, $3  }
0x1: {  	(tag) =	ssettag $0x0;
	lr =	simm.s32 $0x1  }
0x2: {  	[smem:$0x3F7F] =	sst lr;
	_ =	strace $0xD0000000  }
0x3: {  	_ = 	snop  }
0x4: {  	_ = 	snop  }
0x5: {  	_ = 	snop  }
0x6: {  	_ = 	snop  }
0x7: {  	_ = 	snop  }
__scs_overlays_trampoline_lowered:
0x8: {  	[smem:$0x3F8E] =	sst s0  }
0x9: {  	[smem:$0x3F8F] =	sst s1  }
0xa: {  	[smem:$0x3F90] =	sst s2  }
0xb: {  	[smem:$0x3F91] =	sst s3  }
0xc: {  	[smem:$0x3F92] =	sst s4  }
0xd: {  	[smem:$0x3F93] =	sst s5  }
0xe: {  	[smem:$0x3F94] =	sst s6  }
0xf: {  	[smem:$0x3F95] =	sst s7  }
0x10: {  	[smem:$0x3F96] =	sst s8  }
0x11: {  	[smem:$0x3F97] =	sst s9;
	s0 =	simm.s32 @!p0 $0x0  }
0x12: {  	s1 =	sld [smem:$0x3F7D];
	s0 =	simm.s32 @p0 $0x1  }
0x13: {  	[smem:$0x3F98] =	sst s0;
	s0 =	simm.s32 @!p1 $0x0  }
0x14: {  	s2 =	sld [smem:$0x3F7C];
	s0 =	simm.s32 @p1 $0x1  }
0x15: {  	[smem:$0x3F99] =	sst s0;
	s0 =	simm.s32 @!p2 $0x0  }
0x16: {  	s3 =	sld [smem:$0x3FDB];
	s0 =	simm.s32 @p2 $0x1  }
0x17: {  	s4 =	simm.s32 $0x1BF5;
	[smem:$0x3F9B] =	sst s0  }
0x18: {  	s0 =	sld [smem:$0x3F7E];
	_ =	swait.ge [sflag:s4], $0x0  }
0x19: {  	s7 =	sld [smem:$0x3F7F]  }
0x1a: {  	s8 =	sadd.s32 $0xFFFFE003, lr  }
0x1b: {  	s9 =	sadd.s32 $0xFFFFFEF7, lr;
	s5 =	simm.s32 $0xFFFFFFFF;
	p2 =	slt.u32 s8, $0xFFFFF086  }
0x1c: {  	p1 =	slt.u32 s9, $0xF7A;
	s5 =	simm.s32 @!p2 $0x0  }
0x1d: {  	s5 =	simm.s32 @p1 $0x1;
	p0 =	seq.s32 s7, s2  }
0x1e: {  	s7 =	smul.u32 @!p0 $0xF7A, s2;
	p2 =	seq.s32 @!p0 s5, $0x0  }
0x1f: {  	s9 =	smul.u32 $0xF7A, s1;
	s8 =	simm.s32 @!p0 $0x1BF5;
	p2 =	por !p2, p0  }
0x20: {  	[sflag:s8] =	ssyncset.s32 @!p0 $0xFFFFF086;
	s6 =	sadd.s32 @!p0 s3, s7;
	s7 =	simm.s32 @!p0 $0x108  }
0x21: {  	s3 =	sadd.s32 s3, s9;
	s6 =	sadd.s32 @!p0 $0x88, s6;
	s7 =	simm.s32 @p2 $0x1082  }
0x22: {  	[simem:s7], [sflag:s8] =	dma.local @!p0 [hbm:s6], $0xF7A  }
0x23: {  	s9 =	sor.u32 $0xD0000000, s2;
	s6 =	simm.s32 $0x108;
	_ =	swait.ge @!p0 [sflag:s8], $0x0  }
0x24: {  	s3 =	sadd.s32 $0x88, s3;
	s6 =	simm.s32 @!p1 $0x1082;
	[sflag:s4] =	ssyncset.s32 $0xFFFFF086  }
0x25: {  	[simem:s6], [sflag:s4] =	dma.local [hbm:s3], $0xF7A  }
0x26: {  	[smem:$0x3F7F] =	sst s1;
	(tag) =	ssettag s2;
	_ =	strace s9  }
0x27: {  	s1 =	sld [smem:$0x3F8F]  }
0x28: {  	s2 =	sld [smem:$0x3F90]  }
0x29: {  	s4 =	sld [smem:$0x3F92]  }
0x2a: {  	p0 =	seq.s32 s5, $0x0;
	s5 =	sld [smem:$0x3F93]  }
0x2b: {  	s6 =	sld [smem:$0x3F94]  }
0x2c: {  	s7 =	sld [smem:$0x3F95]  }
0x2d: {  	s3 =	simm.s32 $0x108;
	s8 =	sld [smem:$0x3F96]  }
0x2e: {  	s3 =	simm.s32 @!p0 $0x1082;
	s9 =	sld [smem:$0x3F97]  }
0x2f: {  	lr =	sadd.s32 s0, s3;
	s0 =	sld [smem:$0x3F8E]  }
0x30: {  	s3 =	sld [smem:$0x3F91]  }
0x31: {  	[smem:$0x3F9A] =	sst s10  }
0x32: {  	s10 =	sld [smem:$0x3F98];
	_ =	sdelay $0x3  }
0x33: {  	p0 =	seq.s32 s10, $0x1;
	s10 =	sld [smem:$0x3F9A];
	_ =	sdelay $0x3  }
0x34: {  	[smem:$0x3F9A] =	sst s10  }
0x35: {  	s10 =	sld [smem:$0x3F99];
	_ =	sdelay $0x3  }
0x36: {  	p1 =	seq.s32 s10, $0x1;
	s10 =	sld [smem:$0x3F9A];
	_ =	sdelay $0x3  }
0x37: {  	[smem:$0x3F9A] =	sst s10  }
0x38: {  	s10 =	sld [smem:$0x3F9B]  }
0x39: {  	_ = 	snop;
	(pc) =	sbr.ind lr, $3  }
0x3a: {  	_ = 	snop  }
0x3b: {  	_ = 	snop  }
0x3c: {  	p2 =	seq.s32 s10, $0x1;
	s10 =	sld [smem:$0x3F9A]  }
0x3d: {  	_ =	shalt  }
0x3e: {  	_ =	shalt  }
0x3f: {  	_ =	shalt  }
0x40: {  	_ =	shalt  }
0x41: {  	_ =	shalt  }
0x42: {  	_ =	shalt  }
0x43: {  	_ =	shalt  }
0x44: {  	_ =	shalt  }
0x45: {  	_ =	shalt  }
0x46: {  	_ =	shalt  }
0x47: {  	_ =	shalt  }
0x48: {  	_ =	shalt  }
0x49: {  	_ =	shalt  }
0x4a: {  	_ =	shalt  }
0x4b: {  	_ =	shalt  }
0x4c: {  	_ =	shalt  }
0x4d: {  	_ =	shalt  }
0x4e: {  	_ =	shalt  }
0x4f: {  	_ =	shalt  }
0x50: {  	_ =	shalt  }
0x51: {  	_ =	shalt  }
0x52: {  	_ =	shalt  }
0x53: {  	_ =	shalt  }
0x54: {  	_ =	shalt  }
0x55: {  	_ =	shalt  }
0x56: {  	_ =	shalt  }
0x57: {  	_ =	shalt  }
0x58: {  	_ =	shalt  }
0x59: {  	_ =	shalt  }
0x5a: {  	_ =	shalt  }
0x5b: {  	_ =	shalt  }
0x5c: {  	_ =	shalt  }
0x5d: {  	_ =	shalt  }
0x5e: {  	_ =	shalt  }
0x5f: {  	_ =	shalt  }
0x60: {  	_ =	shalt  }
0x61: {  	_ =	shalt  }
0x62: {  	_ =	shalt  }
0x63: {  	_ =	shalt  }
0x64: {  	_ =	shalt  }
0x65: {  	_ =	shalt  }
0x66: {  	_ =	shalt  }
0x67: {  	_ =	shalt  }
0x68: {  	_ =	shalt  }
0x69: {  	_ =	shalt  }
0x6a: {  	_ =	shalt  }
0x6b: {  	_ =	shalt  }
0x6c: {  	_ =	shalt  }
0x6d: {  	_ =	shalt  }
0x6e: {  	_ =	shalt  }
0x6f: {  	_ =	shalt  }
0x70: {  	_ =	shalt  }
0x71: {  	_ =	shalt  }
0x72: {  	_ =	shalt  }
0x73: {  	_ =	shalt  }
0x74: {  	_ =	shalt  }
0x75: {  	_ =	shalt  }
0x76: {  	_ =	shalt  }
0x77: {  	_ =	shalt  }
0x78: {  	_ =	shalt  }
0x79: {  	_ =	shalt  }
0x7a: {  	_ =	shalt  }
0x7b: {  	_ =	shalt  }
0x7c: {  	_ =	shalt  }
0x7d: {  	_ =	shalt  }
0x7e: {  	_ =	shalt  }
0x7f: {  	_ =	shalt  }
0x80: {  	_ =	shalt  }
0x81: {  	_ =	shalt  }
0x82: {  	_ =	shalt  }
0x83: {  	_ =	shalt  }
0x84: {  	_ =	shalt  }
0x85: {  	_ =	shalt  }
0x86: {  	_ =	shalt  }
0x87: {  	_ =	shalt  }
.Lfunc_end0:
.L_simem_size_0:
called_computation.1_lowered:
.L_overlay_start_0:
0x88: {  	s2 =	sld [smem:$0x3FD9]  }
0x89: {  	s3 =	sld [smem:$0x3FFE];
	_ =	sdelay $0x1  }
0x8a: {  	s1 =	srdreg.scid  }
0x8b: {  	s0 =	sand.u32 $0x1, s1  }
0x8c: {  	s17 =	sshll.u32 s0, $0xA;
	s2 =	sadd.s32 s3, s2  }
0x8d: {  	s2 =	sadd.s32 s2, s17  }
0x8e: {  	[smem:$0x3FA6] =	sst s2  }
0x8f: {  	_ = 	snop  }
0x90: {  	s2 =	sld [smem:$0x3FBD];
	(tm) =	ssettm $0x1  }
0x91: {  	s18 =	sld [smem:$0x3FFB];
	_ =	sdelay $0x3  }
0x92: {  	_ =	strace s18  }
0x93: {  	s3 =	sld [smem:$0x3FFC];
	_ =	sdelay $0x3  }
0x94: {  	_ =	strace s3  }
0x95: {  	s3 =	sld [smem:$0x3FFD];
	_ =	sdelay $0x3  }
0x96: {  	_ =	strace s3  }
0x97: {  	_ =	strace $0x8FFFFFFF  }
0x98: {  	s19 =	sld [smem:$0x3FDB];
	_ =	sdelay $0x1  }
0x99: {  	s4 =	simm.s32 $_scs_section_size  }
0x9a: {  	s5 =	simm.s32 $_size__tile_overlayer_lowered;
	s6 =	simm.s32 $_tile_overlayer_lowered  }
0x9b: {  	s22 =	simm.s32 $0x1BFF;
	s21 =	sshll.u32 s6, $0x1;
	s3 =	sadd.s32 s4, s19  }
0x9c: {  	s7 =	simm.s32 $0x0;
	s20 =	sshll.u32 s5, $0x1;
	s5 =	sadd.s32 s21, s3  }
0x9d: {  	[timem:s7], [sflag:s22] =	dma.local [hbm:s5], s20  }
0x9e: {  	_ =	swait.ge [sflag:s22], s20  }
0x9f: {  	s4 =	ssub.s32 $0x0, s20;
	[sflag:s22] =	ssyncset.done $0x0  }
0xa0: {  	[sflag:s22] =	ssyncadd.s32 s4;
	_ =	sdelay $0x1  }
0xa1: {  	s23 =	simm.s32 $0x1B8B  }
0xa2: {  	_ =	swait.ge [sflag:s23], $0x1  }
0xa3: {  	[sflag:s23] =	ssyncset.done $0x0  }
0xa4: {  	s25 =	simm.s32 $0x1B8E;
	s24 =	sld [smem:$0x3FFE];
	[sflag:s23] =	ssyncadd.s32 $0xFFFFFFFF  }
0xa5: {  	s26 =	simm.s32 $execute0_lowered;
	[smem:$0x3FD2] =	sst s25  }
0xa6: {  	s5 =	sshll.u32 s26, $0x1;
	_ =	strace $0x80000049;
	[dreg:$0x1] =	wrdreg $0xFFFFFFFF  }
0xa7: {  	s28 =	simm.s32 $_size_execute0_lowered;
	s3 =	sadd.s32 s3, s5;
	[dreg:$0x0] =	wrdreg $0x0  }
0xa8: {  	s5 =	sshll.u32 s28, $0x1;
	[dreg:$0x2] =	wrdreg s3  }
0xa9: {  	[dreg:$0x3] =	wrdreg s5  }
0xaa: {  	[dreg:$0x4] =	wrdreg $0xC0  }
0xab: {  	_ =	task [dreg:s7], $0x5FFFF  }
0xac: {  	[dreg:$0x1] =	wrdreg $0xFFFFFFFF  }
0xad: {  	[dreg:$0x0] =	wrdreg $0x60  }
0xae: {  	[dreg:$0x2] =	wrdreg s24  }
0xaf: {  	[dreg:$0x3] =	wrdreg s2  }
0xb0: {  	[dreg:$0x4] =	wrdreg $0x11A100  }
0xb1: {  	[dreg:$0x5] =	wrdreg $0x9  }
0xb2: {  	_ =	task.clear_ibuf [dreg:s7], $0x6FFFF;
	_ =	strace $0x90000049  }
0xb3: {  	s29 =	simm.s32 $0x9;
	_ =	strace $0x8000004B  }
0xb4: {  	_ =	swait.ge [sflag:s29], $0x1  }
0xb5: {  	[sflag:s29] =	ssyncadd.s32 $0xFFFFFFFF  }
0xb6: {  	_ =	strace $0x9000004B  }
0xb7: {  	_ =	sfence  }
0xb8: {  	s30 =	sld [smem:$0x0];
	_ =	sdelay $0x2  }
0xb9: {  	s31 =	sshll.u32 s1, $0xD;
	s1 =	sshrl.u32 s1, $0x2  }
0xba: {  	s3 =	sand.u32 $0x4000, s31;
	s1 =	sadd.s32 s1, s30  }
0xbb: {  	s0 =	sor.u32 s3, s0;
	s1 =	sshll.u32 s1, $0x11  }
0xbc: {  	s0 =	sor.u32 s1, s0  }
0xbd: {  	s0 =	sadd.s32 $0x8F2B, s0  }
0xbe: {  	[sflag:s0] =	ssyncadd.remote.s32 $0x1  }
0xbf: {  	_ =	sfence.sel $0xFFFF  }
0xc0: {  	[dreg:$0x0] =	wrdreg $0xFFFFFFFF;
	(pc) =	sbr.abs _section_cstart, $3  }
0xc1: {  	[dreg:$0x1] =	wrdreg $0xFFFFFFFF  }
0xc2: {  	_ =	task.clear_ibuf [dreg:s7], $0x2FFFF;
	_ =	strace $0x9FFFFFFF  }
0xc3: {  	(tm) =	ssettm $0x7FFFFFFF  }
tec
execute0_lowered:
.L_overlay_start_1:
0x0: {  	(tag) =	ssettag $0x1  }
0x1: {  	s7 =	rddreg [dreg:$0x0]  }
0x2: {  	s2 =	rddreg [dreg:$0x1]  }
0x3: {  	s3 =	rddreg [dreg:$0x2]  }
0x4: {  	s0 =	rddreg [dreg:$0x3]  }
0x5: {  	s1 =	stileid.u32;
	s5 =	srdreg.scid  }
0x6: {  	s4 =	simm.s32 $0x0;
	s17 =	simm.s32 $0x50;
	s18 =	simm.s32 $0x9C90  }
0x7: {  	v0 =	vimm.s32 $0xEFCDAB89;
	v1 =	vimm.s32 $0x67452301;
	s19 =	simm.s32 $0xC490;
	s20 =	simm.s32 $0x1;
	s21 =	simm.s32 $0x2  }
0x8: {  	v2 =	vimm.s32 $0xDCFE98BA;
	v3 =	vimm.s32 $0x54761032;
	s23 =	simm.s32 $0xEC90;
	s24 =	simm.s32 $0x0;
	s8 =	smul.u32 $0x9C4, s1  }
0x9: {  	v4 =	vimm.s32 $0xBA98FEDC;
	v5 =	vimm.s32 $0x32107654;
	s9 =	smul.u32 $0xB400, s1;
	s10 =	sand.u32 $0x1, s5;
	[smem:$0x7FF] =	sst s4  }
0xa: {  	v6 =	vimm.s32 $0xFEDCBA98;
	v7 =	vimm.s32 $0x76543210;
	v0 =	vunpack.c.l.s4.s8 v0;
	s5 =	sadd.s32 $0x19C00, s7;
	s6 =	sadd.s32 $0x40E00, s7;
	s15 =	sshll.u32 s1, $0x6  }
0xb: {  	v1 =	vunpack.c.l.s4.s8 v1;
	v2 =	vunpack.c.l.s4.s8 v2;
	v3 =	vunpack.c.l.s4.s8 v3;
	s11 =	smul.u32 $0xB4000, s10;
	_ =	strace $0x8000004A;
	s12 =	ssub.s32 $0x2, s10  }
0xc: {  	v4 =	vunpack.c.l.s4.s8 v4;
	v5 =	vunpack.c.l.s4.s8 v5;
	v6 =	vunpack.c.l.s4.s8 v6;
	s22 =	smul.u32 $0x1388, s10;
	s15 =	sor.u32 $0x1C03, s15;
	s8 =	sadd.s32 s8, s7  }
0xd: {  	v7 =	vunpack.c.l.s4.s8 v7;
	v0 =	vunpack.c.0.s8.s32 v0;
	s13 =	sshrl.u32 s9, $0x3;
	s14 =	sshrl.u32 s12, $0x1;
	v1 =	vunpack.c.0.s8.s32 v1;
	s16 =	sadd.s32 s9, s3  }
0xe: {  	v2 =	vunpack.c.0.s8.s32 v2;
	v3 =	vunpack.c.0.s8.s32 v3;
	v4 =	vunpack.c.0.s8.s32 v4;
	s11 =	sadd.s32 s9, s11;
	s13 =	sadd.s32 s13, s7;
	s12 =	ssub.s32 s12, s14  }
0xf: {  	v5 =	vunpack.c.0.s8.s32 v5;
	v6 =	vunpack.c.0.s8.s32 v6;
	v7 =	vunpack.c.0.s8.s32 v7;
	s14 =	simm.s32 $0x11990;
	s16 =	sshrl.u32 s16, $0x3;
	s11 =	sshrl.u32 s11, $0x3  }
0x10: {  	s9 =	sadd.s32 $0x68000, s13;
	s13 =	simm.s32 $0x4E20;
	v0 =	vcombine.low v1, v0;
	v1 =	vcombine.low v3, v2;
	v3 =	vmov s22;
	s22 =	simm.s32 $0x9C40  }
0x11: {  	v2 =	vcombine.low v5, v4;
	v4 =	vand.u32 $0xF, v6;
	s11 =	sadd.s32 s11, s7;
	s7 =	sadd.s32 $0xFE00, s8;
	s8 =	sadd.s32 $0x6000, s8  }
0x12: {  	vm0 =	vmmov $0x1;
	v4 =	vcombine.low v4, v7;
	s10 =	sadd.s32 $0x7E800, s11;
	s11 =	smax.u32 s12, $0x1;
	s12 =	simm.s32 $0x3  }
.LBB2_1:
0x13: {  	[tilespmem:s4], [sflag:$0x3] =	stream.linear.gather [hbm4b:s7+s4], $0x4E20, $0x38;
	[tilespmem:$0x1CE10] =	vst v63  }
0x14: {  	_ =	swait.ge [sflag:s12], $0x4E20  }
0x15: {  	[sflag:s12] =	ssyncset.done $0x0  }
0x16: {  	[sflag:s12] =	ssyncadd.s32 $0xFFFFB1E0  }
0x17: {  	[tilespmem:s13], [sflag:$0x3] =	stream.linear.gather [hbm4b:s8+s4], $0x4E20, $0x38;
	[tilespmem:$0x1CE10] =	vst v63  }
0x18: {  	_ =	swait.ge [sflag:s12], $0x4E20  }
0x19: {  	[sflag:s12] =	ssyncset.done $0x0  }
0x1a: {  	[sflag:s12] =	ssyncadd.s32 $0xFFFFB1E0  }
0x1b: {  	[tilespmem:s14], [sflag:$0x3] =	stream.linear.gather [hbm4b:s2+s4], $0x80, $0x38;
	[tilespmem:$0x1CE10] =	vst v63  }
0x1c: {  	_ =	swait.ge [sflag:s12], $0x80  }
0x1d: {  	[sflag:s12] =	ssyncset.done $0x0  }
0x1e: {  	[sflag:s12] =	ssyncadd.s32 $0xFFFFFF80  }
0x1f: {  	[spmem:s16], [sflag:s15] =	dma.local [hbm:s9], $0x1680  }
0x20: {  	_ =	swait.ge [sflag:s12], $0x1680  }
0x21: {  	[sflag:s12] =	ssyncset.done $0x0  }
0x22: {  	[sflag:s12] =	ssyncadd.s32 $0xFFFFE980  }
0x23: {  	s25 =	simm.s32 $0x0;
	[bflag:$0x0] =	sbarrier.arrive $0xFFFF  }
.LBB2_2:
0x24: {  	s26 =	smul.u32 $0x50, s25;
	_ =	sdelay $0x1  }
0x25: {  	[tilespmem:s18], [sflag:$0x1] =	stream.indirect.gather [hbm4b:s5+s17], $0x80, s26, s17, $0xb8;
	[tilespmem:$0x1CE10] =	vst v63  }
0x26: {  	s28 =	sadd.s32 $0x4E20, s26  }
0x27: {  	[tilespmem:s19], [sflag:$0x2] =	stream.indirect.gather [hbm4b:s6+s17], $0x80, s28, s17, $0xb8;
	[tilespmem:$0x1CE10] =	vst v63  }
0x28: {  	v5 =	vld [tilespmem:s26+$0x4E20];
	_ =	sdelay $0x4  }
0x29: {  	v5 =	vsub.s32 v5, v3  }
0x2a: {  	v5 =	vmin.u32 v5, $0x1388  }
0x2b: {  	[tilespmem:$0x9C40] =	vst v5  }
0x2c: {  	v5 =	vld [tilespmem:s26+$0x4E30];
	_ =	sdelay $0x4  }
0x2d: {  	v5 =	vsub.s32 v5, v3  }
0x2e: {  	v5 =	vmin.u32 v5, $0x1388  }
0x2f: {  	[tilespmem:$0x9C50] =	vst v5  }
0x30: {  	v5 =	vld [tilespmem:s26+$0x4E40];
	_ =	sdelay $0x4  }
0x31: {  	v5 =	vsub.s32 v5, v3  }
0x32: {  	v5 =	vmin.u32 v5, $0x1388  }
0x33: {  	[tilespmem:$0x9C60] =	vst v5  }
0x34: {  	v5 =	vld [tilespmem:s26+$0x4E50];
	_ =	sdelay $0x4  }
0x35: {  	v5 =	vsub.s32 v5, v3  }
0x36: {  	v5 =	vmin.u32 v5, $0x1388  }
0x37: {  	[tilespmem:$0x9C70] =	vst v5  }
0x38: {  	v5 =	vld [tilespmem:s26+$0x4E60];
	_ =	sdelay $0x4  }
0x39: {  	v5 =	vsub.s32 v5, v3  }
0x3a: {  	v5 =	vmin.u32 v5, $0x1388  }
0x3b: {  	[tilespmem:$0x9C80] =	vst v5  }
0x3c: {  	_ =	swait.ge [sflag:s20], $0x2800  }
0x3d: {  	[sflag:s20] =	ssyncset.done $0x0  }
0x3e: {  	[sflag:s20] =	ssyncadd.s32 $0xFFFFD800  }
0x3f: {  	_ =	swait.ge [sflag:s21], $0x2800  }
0x40: {  	[sflag:s21] =	ssyncset.done $0x0  }
0x41: {  	s28 =	simm.s32 $0x0;
	[sflag:s21] =	ssyncadd.s32 $0xFFFFD800  }
0x42: {  	v5 =	vld [tilespmem:s28+$0xC4B0]  }
0x43: {  	v6 =	vld [tilespmem:s28+$0x9CB0]  }
0x44: {  	v7 =	vld [tilespmem:s28+$0xC4C0]  }
0x45: {  	v8 =	vld [tilespmem:s28+$0x9CC0]  }
0x46: {  	v9 =	vld [tilespmem:$0x11990]  }
0x47: {  	v10 =	vld [tilespmem:s28+$0xC490]  }
0x48: {  	v11 =	vld [tilespmem:s28+$0x9C90]  }
0x49: {  	v12 =	vld [tilespmem:s28+$0x9CA0]  }
0x4a: {  	v13 =	vld [tilespmem:s28+$0xC4A0]  }
0x4b: {  	v14 =	vld [tilespmem:s28+$0xC4D0]  }
0x4c: {  	v15 =	vld [tilespmem:s28+$0x9CD0]  }
0x4d: {  	v16 =	vld [tilespmem:$0x119A0];
	v10 =	vadd.f32 v10, v11  }
0x4e: {  	v17 =	vld [tilespmem:$0x119B0]  }
0x4f: {  	v52 =	vld [tilespmem:$0x119C0];
	v12 =	vadd.f32 v13, v12;
	v18 =	vmul.f32 $2.000000030e-01, v10  }
0x50: {  	v19 =	vld [tilespmem:$0x119D0]  }
0x51: {  	v5 =	vadd.f32 v5, v6;
	v6 =	vld [tilespmem:s28+$0xC4E0];
	v53 =	vmul.f32 $2.000000030e-01, v12;
	v10 =	vmax.f32 v10, v18  }
0x52: {  	v9 =	vmul.f32 v10, v9;
	v10 =	vld [tilespmem:s28+$0x9CE0]  }
0x53: {  	v55 =	vld [tilespmem:s28+$0x9CF0];
	v7 =	vadd.f32 v7, v8;
	v54 =	vmul.f32 $2.000000030e-01, v5;
	v12 =	vmax.f32 v12, v53  }
0x54: {  	v8 =	vld [tilespmem:s28+$0xC4F0];
	v12 =	vmul.f32 v12, v16;
	v9 =	vadd.f32 $0.0e+00, v9  }
0x55: {  	v57 =	vld [tilespmem:s28+$0xC500];
	v14 =	vadd.f32 v14, v15;
	v56 =	vmul.f32 $2.000000030e-01, v7;
	v5 =	vmax.f32 v5, v54  }
0x56: {  	v58 =	vld [tilespmem:s28+$0x9D00];
	v5 =	vmul.f32 v5, v17;
	v9 =	vadd.f32 v12, v9  }
0x57: {  	v59 =	vmul.f32 $2.000000030e-01, v14;
	v7 =	vmax.f32 v7, v56;
	v6 =	vadd.f32 v6, v10;
	v10 =	vld [tilespmem:$0x119E0]  }
0x58: {  	v7 =	vmul.f32 v7, v52;
	v5 =	vadd.f32 v5, v9  }
0x59: {  	v60 =	vmax.f32 v14, v59;
	v8 =	vadd.f32 v8, v55;
	v9 =	vld [tilespmem:$0x119F0];
	v61 =	vmul.f32 $2.000000030e-01, v6  }
0x5a: {  	v5 =	vadd.f32 v7, v5;
	v7 =	vmul.f32 v60, v19  }
0x5b: {  	v62 =	vld [tilespmem:$0x11A00];
	v63 =	vmul.f32 $2.000000030e-01, v8;
	v12 =	vadd.f32 v57, v58;
	v6 =	vmax.f32 v6, v61  }
0x5c: {  	v5 =	vadd.f32 v7, v5;
	v6 =	vmul.f32 v6, v10  }
0x5d: {  	v7 =	vmax.f32 v8, v63;
	v8 =	vmul.f32 $2.000000030e-01, v12  }
0x5e: {  	v5 =	vadd.f32 v6, v5;
	v6 =	vmul.f32 v7, v9  }
0x5f: {  	v7 =	vmax.f32 v12, v8  }
0x60: {  	v5 =	vadd.f32 v6, v5;
	v6 =	vmul.f32 v7, v62;
	_ =	sdelay $0x1  }
0x61: {  	v5 =	vadd.f32 v6, v5;
	_ =	sdelay $0x1  }
0x62: {  	v6 =	vperm.xlane v5, v0;
	_ =	sdelay $0x1  }
0x63: {  	v5 =	vadd.f32 v5, v6;
	_ =	sdelay $0x1  }
0x64: {  	v6 =	vperm.xlane v5, v1;
	_ =	sdelay $0x1  }
0x65: {  	v5 =	vadd.f32 v5, v6;
	_ =	sdelay $0x1  }
0x66: {  	v6 =	vperm.xlane v5, v2;
	_ =	sdelay $0x1  }
0x67: {  	v5 =	vadd.f32 v5, v6;
	_ =	sdelay $0x1  }
0x68: {  	v6 =	vperm.xlane v5, v4;
	_ =	sdelay $0x1  }
0x69: {  	v5 =	vadd.f32 v5, v6;
	_ =	sdelay $0x1  }
0x6a: {  	v5 =	vmul.f32 $1.442695020e+00, v5;
	_ =	sdelay $0x1  }
0x6b: {  	(erf) = vpow2.f32 v5;
	_ =	sdelay $0x8  }
0x6c: {  	v5 =	vpop (erf)  }
0x6d: {  	v6 =	vmul.f32 v5, v11  }
0x6e: {  	s26 =	simm.s32 $0xECD0  }
0x6f: {  	[tilespmem:s26+$0xFFFFFFC0] =	vst v6  }
0x70: {  	v6 =	vld [tilespmem:s28+$0x9CA0];
	_ =	sdelay $0x4  }
0x71: {  	v6 =	vmul.f32 v5, v6;
	_ =	sdelay $0x1  }
0x72: {  	[tilespmem:s26+$0xFFFFFFD0] =	vst v6  }
0x73: {  	v6 =	vld [tilespmem:s28+$0x9CB0];
	_ =	sdelay $0x4  }
0x74: {  	v6 =	vmul.f32 v5, v6;
	_ =	sdelay $0x1  }
0x75: {  	[tilespmem:s26+$0xFFFFFFE0] =	vst v6  }
0x76: {  	v6 =	vld [tilespmem:s28+$0x9CC0];
	_ =	sdelay $0x4  }
0x77: {  	v6 =	vmul.f32 v6, v5;
	_ =	sdelay $0x1  }
0x78: {  	[tilespmem:s26+$0xFFFFFFF0] =	vst v6  }
0x79: {  	v6 =	vld [tilespmem:s28+$0x9CD0];
	_ =	sdelay $0x4  }
0x7a: {  	v6 =	vmul.f32 v6, v5;
	_ =	sdelay $0x1  }
0x7b: {  	[tilespmem:s26+$0x0] =	vst v6  }
0x7c: {  	v6 =	vld [tilespmem:s28+$0x9CE0];
	_ =	sdelay $0x4  }
0x7d: {  	v6 =	vmul.f32 v6, v5;
	_ =	sdelay $0x1  }
0x7e: {  	[tilespmem:s26+$0x10] =	vst v6  }
0x7f: {  	v6 =	vld [tilespmem:s28+$0x9CF0];
	_ =	sdelay $0x4  }
0x80: {  	v6 =	vmul.f32 v6, v5;
	_ =	sdelay $0x1  }
0x81: {  	[tilespmem:s26+$0x20] =	vst v6  }
0x82: {  	v6 =	vld [tilespmem:s28+$0x9D00];
	_ =	sdelay $0x4  }
0x83: {  	v7 =	vnsel vm0, $0x0, v5;
	v5 =	vmul.f32 v6, v5  }
0x84: {  	[tilespmem:s26+$0x40] =	vst v7  }
0x85: {  	s28 =	simm.s32 $0x80;
	[tilespmem:s26+$0x30] =	vst v5  }
0x86: {  	v7 =	vld [tilespmem:s28+$0xC4B0]  }
0x87: {  	v8 =	vld [tilespmem:s28+$0x9CB0]  }
0x88: {  	v5 =	vld [tilespmem:s28+$0xC4C0]  }
0x89: {  	v6 =	vld [tilespmem:s28+$0x9CC0]  }
0x8a: {  	v9 =	vld [tilespmem:$0x11990]  }
0x8b: {  	s29 =	simm.s32 $0x400;
	v10 =	vld [tilespmem:s28+$0xC490]  }
.LBB2_3:
0x8c: {  	p0 =	sne.s32 s29, $0x9E00;
	v11 =	vld [tilespmem:s28+$0x9C90]  }
0x8d: {  	v12 =	vld [tilespmem:s28+$0x9CA0]  }
0x8e: {  	v13 =	vld [tilespmem:s28+$0xC4A0]  }
0x8f: {  	v14 =	vld [tilespmem:s28+$0xC4D0]  }
0x90: {  	v15 =	vld [tilespmem:s28+$0x9CD0]  }
0x91: {  	v10 =	vadd.f32 v10, v11;
	v16 =	vld [tilespmem:$0x119A0]  }
0x92: {  	v17 =	vld [tilespmem:$0x119B0]  }
0x93: {  	v18 =	vmul.f32 $2.000000030e-01, v10;
	v12 =	vadd.f32 v13, v12;
	v13 =	vld [tilespmem:$0x119C0]  }
0x94: {  	v19 =	vld [tilespmem:$0x119D0]  }
0x95: {  	v7 =	vadd.f32 v7, v8;
	v10 =	vmax.f32 v10, v18;
	v18 =	vmul.f32 $2.000000030e-01, v12;
	v8 =	vld [tilespmem:s28+$0xC4E0]  }
0x96: {  	v9 =	vmul.f32 v10, v9;
	v10 =	vld [tilespmem:s28+$0x9CE0]  }
0x97: {  	v5 =	vadd.f32 v5, v6;
	v12 =	vmax.f32 v12, v18;
	v18 =	vmul.f32 $2.000000030e-01, v7;
	v6 =	vld [tilespmem:s28+$0xC4F0]  }
0x98: {  	v9 =	vadd.f32 $0.0e+00, v9;
	v12 =	vmul.f32 v12, v16;
	v16 =	vld [tilespmem:s28+$0x9CF0]  }
0x99: {  	v14 =	vadd.f32 v14, v15;
	v7 =	vmax.f32 v7, v18;
	v18 =	vmul.f32 $2.000000030e-01, v5;
	v15 =	vld [tilespmem:s28+$0xC500]  }
0x9a: {  	v9 =	vadd.f32 v12, v9;
	v7 =	vmul.f32 v7, v17;
	v12 =	vld [tilespmem:s28+$0x9D00]  }
0x9b: {  	v17 =	vmul.f32 $2.000000030e-01, v14;
	v5 =	vmax.f32 v5, v18;
	v8 =	vadd.f32 v8, v10;
	v10 =	vld [tilespmem:$0x119E0]  }
0x9c: {  	v7 =	vadd.f32 v7, v9;
	v5 =	vmul.f32 v5, v13;
	v9 =	vld [tilespmem:$0x119F0]  }
0x9d: {  	v13 =	vmax.f32 v14, v17;
	v14 =	vmul.f32 $2.000000030e-01, v8;
	v6 =	vadd.f32 v6, v16;
	v16 =	vld [tilespmem:$0x11A00]  }
0x9e: {  	v5 =	vadd.f32 v5, v7;
	v7 =	vmul.f32 v13, v19  }
0x9f: {  	v8 =	vmax.f32 v8, v14;
	v13 =	vmul.f32 $2.000000030e-01, v6;
	v12 =	vadd.f32 v15, v12  }
0xa0: {  	v5 =	vadd.f32 v7, v5;
	v7 =	vmul.f32 v8, v10  }
0xa1: {  	v6 =	vmax.f32 v6, v13;
	v8 =	vmul.f32 $2.000000030e-01, v12  }
0xa2: {  	v5 =	vadd.f32 v7, v5;
	v6 =	vmul.f32 v6, v9  }
0xa3: {  	v7 =	vmax.f32 v12, v8  }
0xa4: {  	v5 =	vadd.f32 v6, v5;
	v6 =	vmul.f32 v7, v16;
	_ =	sdelay $0x1  }
0xa5: {  	v5 =	vadd.f32 v6, v5;
	_ =	sdelay $0x1  }
0xa6: {  	v6 =	vperm.xlane v5, v0;
	_ =	sdelay $0x1  }
0xa7: {  	v5 =	vadd.f32 v5, v6;
	_ =	sdelay $0x1  }
0xa8: {  	v6 =	vperm.xlane v5, v1;
	_ =	sdelay $0x1  }
0xa9: {  	v5 =	vadd.f32 v5, v6;
	_ =	sdelay $0x1  }
0xaa: {  	v6 =	vperm.xlane v5, v2;
	_ =	sdelay $0x1  }
0xab: {  	v5 =	vadd.f32 v5, v6;
	_ =	sdelay $0x1  }
0xac: {  	v6 =	vperm.xlane v5, v4;
	_ =	sdelay $0x1  }
0xad: {  	v5 =	vadd.f32 v5, v6;
	_ =	sdelay $0x1  }
0xae: {  	v5 =	vmul.f32 $1.442695020e+00, v5;
	_ =	sdelay $0x1  }
0xaf: {  	(erf) = vpow2.f32 v5;
	_ =	sdelay $0x8  }
0xb0: {  	v5 =	vpop (erf)  }
0xb1: {  	v6 =	vmul.f32 v5, v11;
	v7 =	vnsel vm0, $0x0, v5  }
0xb2: {  	s26 =	sadd.s32 $0x90, s26  }
0xb3: {  	[tilespmem:s26+$0xFFFFFFC0] =	vst v6  }
0xb4: {  	v6 =	vld [tilespmem:s28+$0x9CA0];
	_ =	sdelay $0x4  }
0xb5: {  	v6 =	vmul.f32 v5, v6;
	_ =	sdelay $0x1  }
0xb6: {  	[tilespmem:s26+$0xFFFFFFD0] =	vst v6  }
0xb7: {  	v6 =	vld [tilespmem:s28+$0x9CB0];
	_ =	sdelay $0x4  }
0xb8: {  	v6 =	vmul.f32 v5, v6;
	_ =	sdelay $0x1  }
0xb9: {  	[tilespmem:s26+$0xFFFFFFE0] =	vst v6  }
0xba: {  	v6 =	vld [tilespmem:s28+$0x9CC0];
	_ =	sdelay $0x4  }
0xbb: {  	v6 =	vmul.f32 v6, v5;
	_ =	sdelay $0x1  }
0xbc: {  	[tilespmem:s26+$0xFFFFFFF0] =	vst v6  }
0xbd: {  	v6 =	vld [tilespmem:s28+$0x9CD0];
	_ =	sdelay $0x4  }
0xbe: {  	v6 =	vmul.f32 v6, v5;
	_ =	sdelay $0x1  }
0xbf: {  	[tilespmem:s26+$0x0] =	vst v6  }
0xc0: {  	v6 =	vld [tilespmem:s28+$0x9CE0];
	_ =	sdelay $0x4  }
0xc1: {  	v6 =	vmul.f32 v6, v5;
	_ =	sdelay $0x1  }
0xc2: {  	[tilespmem:s26+$0x10] =	vst v6  }
0xc3: {  	v6 =	vld [tilespmem:s28+$0x9CF0];
	_ =	sdelay $0x4  }
0xc4: {  	v6 =	vmul.f32 v6, v5;
	_ =	sdelay $0x1  }
0xc5: {  	[tilespmem:s26+$0x20] =	vst v6  }
0xc6: {  	v6 =	vld [tilespmem:s28+$0x9D00];
	[tilespmem:s26+$0x40] =	vst v7;
	_ =	sdelay $0x4  }
0xc7: {  	v5 =	vmul.f32 v6, v5;
	_ =	sdelay $0x1  }
0xc8: {  	s28 =	sshra.s32 s29, $0x2;
	[tilespmem:s26+$0x30] =	vst v5  }
0xc9: {  	v7 =	vld [tilespmem:s28+$0xC4B0]  }
.Ltmp0:
0xca: {  	v8 =	vld [tilespmem:s28+$0x9CB0];
	(pc) =	sbr.rel @p0 .LBB2_3-.Ltmp0, $4  }
0xcb: {  	v5 =	vld [tilespmem:s28+$0xC4C0]  }
0xcc: {  	v6 =	vld [tilespmem:s28+$0x9CC0]  }
0xcd: {  	v9 =	vld [tilespmem:$0x11990]  }
0xce: {  	s29 =	sadd.s32 $0x200, s29;
	v10 =	vld [tilespmem:s28+$0xC490]  }
0xcf: {  	v11 =	vld [tilespmem:s28+$0x9C90]  }
0xd0: {  	v12 =	vld [tilespmem:s28+$0x9CA0]  }
0xd1: {  	v13 =	vld [tilespmem:s28+$0xC4A0]  }
0xd2: {  	v14 =	vld [tilespmem:s28+$0xC4D0]  }
0xd3: {  	v15 =	vld [tilespmem:s28+$0x9CD0]  }
0xd4: {  	v16 =	vld [tilespmem:$0x119A0];
	v10 =	vadd.f32 v10, v11  }
0xd5: {  	v17 =	vld [tilespmem:$0x119B0]  }
0xd6: {  	v47 =	vld [tilespmem:$0x119C0];
	v12 =	vadd.f32 v13, v12;
	v18 =	vmul.f32 $2.000000030e-01, v10  }
0xd7: {  	v19 =	vld [tilespmem:$0x119D0]  }
0xd8: {  	v7 =	vadd.f32 v7, v8;
	v49 =	vld [tilespmem:s28+$0xC4E0];
	v48 =	vmul.f32 $2.000000030e-01, v12;
	v10 =	vmax.f32 v10, v18  }
0xd9: {  	v50 =	vld [tilespmem:s28+$0x9CE0];
	v9 =	vmul.f32 v10, v9  }
0xda: {  	v52 =	vld [tilespmem:s28+$0x9CF0];
	v51 =	vmul.f32 $2.000000030e-01, v7;
	v5 =	vadd.f32 v5, v6;
	v12 =	vmax.f32 v12, v48  }
0xdb: {  	v6 =	vld [tilespmem:s28+$0xC4F0];
	v12 =	vmul.f32 v12, v16;
	v9 =	vadd.f32 $0.0e+00, v9  }
0xdc: {  	v54 =	vld [tilespmem:s28+$0xC500];
	v7 =	vmax.f32 v7, v51;
	v53 =	vmul.f32 $2.000000030e-01, v5;
	v14 =	vadd.f32 v14, v15  }
0xdd: {  	v55 =	vld [tilespmem:s28+$0x9D00];
	v7 =	vmul.f32 v7, v17;
	v9 =	vadd.f32 v12, v9  }
0xde: {  	v57 =	vld [tilespmem:$0x119E0];
	v8 =	vadd.f32 v49, v50;
	v5 =	vmax.f32 v5, v53;
	v56 =	vmul.f32 $2.000000030e-01, v14  }
0xdf: {  	v5 =	vmul.f32 v5, v47;
	v7 =	vadd.f32 v7, v9  }
0xe0: {  	v58 =	vld [tilespmem:$0x119F0];
	v60 =	vmul.f32 $2.000000030e-01, v8;
	v6 =	vadd.f32 v6, v52;
	v59 =	vmax.f32 v14, v56  }
0xe1: {  	v5 =	vadd.f32 v5, v7;
	v7 =	vmul.f32 v59, v19  }
0xe2: {  	v61 =	vld [tilespmem:$0x11A00];
	v8 =	vmax.f32 v8, v60;
	v62 =	vmul.f32 $2.000000030e-01, v6;
	v12 =	vadd.f32 v54, v55  }
0xe3: {  	v5 =	vadd.f32 v7, v5;
	v7 =	vmul.f32 v8, v57  }
0xe4: {  	v6 =	vmax.f32 v6, v62;
	v63 =	vmul.f32 $2.000000030e-01, v12  }
0xe5: {  	v6 =	vmul.f32 v6, v58;
	v5 =	vadd.f32 v7, v5  }
0xe6: {  	v7 =	vmax.f32 v12, v63  }
0xe7: {  	v5 =	vadd.f32 v6, v5;
	v6 =	vmul.f32 v7, v61;
	_ =	sdelay $0x1  }
0xe8: {  	v5 =	vadd.f32 v6, v5;
	_ =	sdelay $0x1  }
0xe9: {  	v6 =	vperm.xlane v5, v0;
	_ =	sdelay $0x1  }
0xea: {  	v5 =	vadd.f32 v5, v6;
	_ =	sdelay $0x1  }
0xeb: {  	v6 =	vperm.xlane v5, v1;
	_ =	sdelay $0x1  }
0xec: {  	v5 =	vadd.f32 v5, v6;
	_ =	sdelay $0x1  }
0xed: {  	v6 =	vperm.xlane v5, v2;
	_ =	sdelay $0x1  }
0xee: {  	v5 =	vadd.f32 v5, v6;
	_ =	sdelay $0x1  }
0xef: {  	v6 =	vperm.xlane v5, v4;
	_ =	sdelay $0x1  }
0xf0: {  	v5 =	vadd.f32 v5, v6;
	_ =	sdelay $0x1  }
0xf1: {  	v5 =	vmul.f32 $1.442695020e+00, v5;
	_ =	sdelay $0x1  }
0xf2: {  	(erf) = vpow2.f32 v5;
	_ =	sdelay $0x8  }
0xf3: {  	v5 =	vpop (erf)  }
0xf4: {  	v6 =	vmul.f32 v5, v11  }
0xf5: {  	s26 =	sadd.s32 $0x90, s26  }
0xf6: {  	[tilespmem:s26+$0xFFFFFFC0] =	vst v6  }
0xf7: {  	v6 =	vld [tilespmem:s28+$0x9CA0];
	_ =	sdelay $0x4  }
0xf8: {  	v6 =	vmul.f32 v5, v6;
	_ =	sdelay $0x1  }
0xf9: {  	[tilespmem:s26+$0xFFFFFFD0] =	vst v6  }
0xfa: {  	v6 =	vld [tilespmem:s28+$0x9CB0];
	_ =	sdelay $0x4  }
0xfb: {  	v6 =	vmul.f32 v5, v6;
	_ =	sdelay $0x1  }
0xfc: {  	[tilespmem:s26+$0xFFFFFFE0] =	vst v6  }
0xfd: {  	v6 =	vld [tilespmem:s28+$0x9CC0];
	_ =	sdelay $0x4  }
0xfe: {  	v6 =	vmul.f32 v6, v5;
	_ =	sdelay $0x1  }
0xff: {  	[tilespmem:s26+$0xFFFFFFF0] =	vst v6  }
0x100: {  	v6 =	vld [tilespmem:s28+$0x9CD0];
	_ =	sdelay $0x4  }
0x101: {  	v6 =	vmul.f32 v6, v5;
	_ =	sdelay $0x1  }
0x102: {  	[tilespmem:s26+$0x0] =	vst v6  }
0x103: {  	v6 =	vld [tilespmem:s28+$0x9CE0];
	_ =	sdelay $0x4  }
0x104: {  	v6 =	vmul.f32 v6, v5;
	_ =	sdelay $0x1  }
0x105: {  	[tilespmem:s26+$0x10] =	vst v6  }
0x106: {  	v6 =	vld [tilespmem:s28+$0x9CF0];
	_ =	sdelay $0x4  }
0x107: {  	v6 =	vmul.f32 v6, v5;
	_ =	sdelay $0x1  }
0x108: {  	[tilespmem:s26+$0x20] =	vst v6  }
0x109: {  	v6 =	vld [tilespmem:s28+$0x9D00];
	_ =	sdelay $0x4  }
0x10a: {  	s25 =	sadd.s32 $0x1, s25;
	v7 =	vnsel vm0, $0x0, v5;
	v5 =	vmul.f32 v6, v5  }
0x10b: {  	p0 =	sne.s32 s25, $0xFA;
	[tilespmem:s26+$0x40] =	vst v7  }
.Ltmp1:
0x10c: {  	[tilespmem:s26+$0x30] =	vst v5;
	(pc) =	sbr.rel @p0 .LBB2_2-.Ltmp1, $4  }
0x10d: {  	[spmem:s3] =	stream.indirect.scatter.add.f32 [tilespmem:s23], [sflag:$0x3], $0x90, s22, s17, $0xb8;
	[tilespmem:$0x1CE10] =	vst v63  }
0x10e: {  	_ =	swait.ge [sflag:s12], $0x2D00  }
0x10f: {  	[sflag:s12] =	ssyncset.done $0x0  }
0x110: {  	[sflag:s12] =	ssyncadd.s32 $0xFFFFD300  }
0x111: {  	s24 =	sadd.s32 $0x1, s24  }
0x112: {  	p0 =	sne.s32 s24, s11  }
.Ltmp2:
0x113: {  	[bflag:$0x0] =	sbarrier.arrive $0xFFFF;
	(pc) =	sbr.rel @p0 .LBB2_1-.Ltmp2, $4  }
0x114: {  	[hbm:s10], [sflag:s15] =	dma.local [spmem:s16], $0x1680  }
0x115: {  	_ =	swait.ge [sflag:s12], $0x1680  }
0x116: {  	[sflag:s12] =	ssyncset.done $0x0  }
0x117: {  	[sflag:s12] =	ssyncadd.s32 $0xFFFFE980  }
0x118: {  	_ =	sfence.sel $0x180000  }
0x119: {  	[bflag:$0x0] =	sbarrier.arrive $0xFFFF  }
0x11a: {  	p0 =	sne.s32 s1, $0x0;
	_ =	strace $0x9000004A  }
0x11b: {  	s0 =	sadd.s32 @!p0 $0x100000, s0;
	[bflag:$0x2] =	sbarrier.arrive $0xFFFF  }
0x11c: {  	[sflag:s0] =	ssyncadd.tile.s32 @!p0 $0x1;
	_ =	shalt  }
.Lfunc_end2:
_tile_overlayer_lowered:
.L_overlay_start_2:
0x11d: {  	(tag) =	ssettag $0x2  }
0x11e: {  	s0 =	rddreg [dreg:$0x0];
	s2 =	stileid.u32  }
0x11f: {  	s1 =	rddreg [dreg:$0x1];
	p0 =	sne.s32 s2, $0x0  }
0x120: {  	s3 =	rddreg [dreg:$0x2];
	[bflag:$0x3] =	sbarrier.arrive $0xFFFF;
	s2 =	simm.s32 @!p0 $0x1C03  }
0x121: {  	[timem:s3], [sflag:s2] =	dma.local @!p0 [hbm:s0], s1  }
0x122: {  	s0 =	simm.s32 @!p0 $0x3  }
0x123: {  	_ =	swait.ge @!p0 [sflag:s0], s1  }
0x124: {  	s1 =	ssub.s32 @!p0 $0x0, s1;
	[sflag:s0] =	ssyncset.done @!p0 $0x0  }
0x125: {  	[sflag:s0] =	ssyncadd.s32 @!p0 s1  }
0x126: {  	[bflag:$0x3] =	sbarrier.arrive $0xFFFF  }
0x127: {  	_ =	shalt  }

// kernel: kernel.7.cloned.1.call-start
scs
__scs_entry_jumppad:
0x0: {  	(pc) =	sbr.rel $0x88, $3  }
0x1: {  	(tag) =	ssettag $0x0;
	lr =	simm.s32 $0x1  }
0x2: {  	[smem:$0x3F7F] =	sst lr;
	_ =	strace $0xD0000000  }
0x3: {  	_ = 	snop  }
0x4: {  	_ = 	snop  }
0x5: {  	_ = 	snop  }
0x6: {  	_ = 	snop  }
0x7: {  	_ = 	snop  }
__scs_overlays_trampoline_lowered:
0x8: {  	[smem:$0x3F8E] =	sst s0  }
0x9: {  	[smem:$0x3F8F] =	sst s1  }
0xa: {  	[smem:$0x3F90] =	sst s2  }
0xb: {  	[smem:$0x3F91] =	sst s3  }
0xc: {  	[smem:$0x3F92] =	sst s4  }
0xd: {  	[smem:$0x3F93] =	sst s5  }
0xe: {  	[smem:$0x3F94] =	sst s6  }
0xf: {  	[smem:$0x3F95] =	sst s7  }
0x10: {  	[smem:$0x3F96] =	sst s8  }
0x11: {  	[smem:$0x3F97] =	sst s9;
	s0 =	simm.s32 @!p0 $0x0  }
0x12: {  	s1 =	sld [smem:$0x3F7D];
	s0 =	simm.s32 @p0 $0x1  }
0x13: {  	[smem:$0x3F98] =	sst s0;
	s0 =	simm.s32 @!p1 $0x0  }
0x14: {  	s2 =	sld [smem:$0x3F7C];
	s0 =	simm.s32 @p1 $0x1  }
0x15: {  	[smem:$0x3F99] =	sst s0;
	s0 =	simm.s32 @!p2 $0x0  }
0x16: {  	s3 =	sld [smem:$0x3FDB];
	s0 =	simm.s32 @p2 $0x1  }
0x17: {  	s4 =	simm.s32 $0x1BF5;
	[smem:$0x3F9B] =	sst s0  }
0x18: {  	s0 =	sld [smem:$0x3F7E];
	_ =	swait.ge [sflag:s4], $0x0  }
0x19: {  	s7 =	sld [smem:$0x3F7F]  }
0x1a: {  	s8 =	sadd.s32 $0xFFFFE003, lr  }
0x1b: {  	s9 =	sadd.s32 $0xFFFFFEF7, lr;
	s5 =	simm.s32 $0xFFFFFFFF;
	p2 =	slt.u32 s8, $0xFFFFF086  }
0x1c: {  	p1 =	slt.u32 s9, $0xF7A;
	s5 =	simm.s32 @!p2 $0x0  }
0x1d: {  	s5 =	simm.s32 @p1 $0x1;
	p0 =	seq.s32 s7, s2  }
0x1e: {  	s7 =	smul.u32 @!p0 $0xF7A, s2;
	p2 =	seq.s32 @!p0 s5, $0x0  }
0x1f: {  	s9 =	smul.u32 $0xF7A, s1;
	s8 =	simm.s32 @!p0 $0x1BF5;
	p2 =	por !p2, p0  }
0x20: {  	[sflag:s8] =	ssyncset.s32 @!p0 $0xFFFFF086;
	s6 =	sadd.s32 @!p0 s3, s7;
	s7 =	simm.s32 @!p0 $0x108  }
0x21: {  	s3 =	sadd.s32 s3, s9;
	s6 =	sadd.s32 @!p0 $0x88, s6;
	s7 =	simm.s32 @p2 $0x1082  }
0x22: {  	[simem:s7], [sflag:s8] =	dma.local @!p0 [hbm:s6], $0xF7A  }
0x23: {  	s9 =	sor.u32 $0xD0000000, s2;
	s6 =	simm.s32 $0x108;
	_ =	swait.ge @!p0 [sflag:s8], $0x0  }
0x24: {  	s3 =	sadd.s32 $0x88, s3;
	s6 =	simm.s32 @!p1 $0x1082;
	[sflag:s4] =	ssyncset.s32 $0xFFFFF086  }
0x25: {  	[simem:s6], [sflag:s4] =	dma.local [hbm:s3], $0xF7A  }
0x26: {  	[smem:$0x3F7F] =	sst s1;
	(tag) =	ssettag s2;
	_ =	strace s9  }
0x27: {  	s1 =	sld [smem:$0x3F8F]  }
0x28: {  	s2 =	sld [smem:$0x3F90]  }
0x29: {  	s4 =	sld [smem:$0x3F92]  }
0x2a: {  	p0 =	seq.s32 s5, $0x0;
	s5 =	sld [smem:$0x3F93]  }
0x2b: {  	s6 =	sld [smem:$0x3F94]  }
0x2c: {  	s7 =	sld [smem:$0x3F95]  }
0x2d: {  	s3 =	simm.s32 $0x108;
	s8 =	sld [smem:$0x3F96]  }
0x2e: {  	s3 =	simm.s32 @!p0 $0x1082;
	s9 =	sld [smem:$0x3F97]  }
0x2f: {  	lr =	sadd.s32 s0, s3;
	s0 =	sld [smem:$0x3F8E]  }
0x30: {  	s3 =	sld [smem:$0x3F91]  }
0x31: {  	[smem:$0x3F9A] =	sst s10  }
0x32: {  	s10 =	sld [smem:$0x3F98];
	_ =	sdelay $0x3  }
0x33: {  	p0 =	seq.s32 s10, $0x1;
	s10 =	sld [smem:$0x3F9A];
	_ =	sdelay $0x3  }
0x34: {  	[smem:$0x3F9A] =	sst s10  }
0x35: {  	s10 =	sld [smem:$0x3F99];
	_ =	sdelay $0x3  }
0x36: {  	p1 =	seq.s32 s10, $0x1;
	s10 =	sld [smem:$0x3F9A];
	_ =	sdelay $0x3  }
0x37: {  	[smem:$0x3F9A] =	sst s10  }
0x38: {  	s10 =	sld [smem:$0x3F9B]  }
0x39: {  	_ = 	snop;
	(pc) =	sbr.ind lr, $3  }
0x3a: {  	_ = 	snop  }
0x3b: {  	_ = 	snop  }
0x3c: {  	p2 =	seq.s32 s10, $0x1;
	s10 =	sld [smem:$0x3F9A]  }
0x3d: {  	_ =	shalt  }
0x3e: {  	_ =	shalt  }
0x3f: {  	_ =	shalt  }
0x40: {  	_ =	shalt  }
0x41: {  	_ =	shalt  }
0x42: {  	_ =	shalt  }
0x43: {  	_ =	shalt  }
0x44: {  	_ =	shalt  }
0x45: {  	_ =	shalt  }
0x46: {  	_ =	shalt  }
0x47: {  	_ =	shalt  }
0x48: {  	_ =	shalt  }
0x49: {  	_ =	shalt  }
0x4a: {  	_ =	shalt  }
0x4b: {  	_ =	shalt  }
0x4c: {  	_ =	shalt  }
0x4d: {  	_ =	shalt  }
0x4e: {  	_ =	shalt  }
0x4f: {  	_ =	shalt  }
0x50: {  	_ =	shalt  }
0x51: {  	_ =	shalt  }
0x52: {  	_ =	shalt  }
0x53: {  	_ =	shalt  }
0x54: {  	_ =	shalt  }
0x55: {  	_ =	shalt  }
0x56: {  	_ =	shalt  }
0x57: {  	_ =	shalt  }
0x58: {  	_ =	shalt  }
0x59: {  	_ =	shalt  }
0x5a: {  	_ =	shalt  }
0x5b: {  	_ =	shalt  }
0x5c: {  	_ =	shalt  }
0x5d: {  	_ =	shalt  }
0x5e: {  	_ =	shalt  }
0x5f: {  	_ =	shalt  }
0x60: {  	_ =	shalt  }
0x61: {  	_ =	shalt  }
0x62: {  	_ =	shalt  }
0x63: {  	_ =	shalt  }
0x64: {  	_ =	shalt  }
0x65: {  	_ =	shalt  }
0x66: {  	_ =	shalt  }
0x67: {  	_ =	shalt  }
0x68: {  	_ =	shalt  }
0x69: {  	_ =	shalt  }
0x6a: {  	_ =	shalt  }
0x6b: {  	_ =	shalt  }
0x6c: {  	_ =	shalt  }
0x6d: {  	_ =	shalt  }
0x6e: {  	_ =	shalt  }
0x6f: {  	_ =	shalt  }
0x70: {  	_ =	shalt  }
0x71: {  	_ =	shalt  }
0x72: {  	_ =	shalt  }
0x73: {  	_ =	shalt  }
0x74: {  	_ =	shalt  }
0x75: {  	_ =	shalt  }
0x76: {  	_ =	shalt  }
0x77: {  	_ =	shalt  }
0x78: {  	_ =	shalt  }
0x79: {  	_ =	shalt  }
0x7a: {  	_ =	shalt  }
0x7b: {  	_ =	shalt  }
0x7c: {  	_ =	shalt  }
0x7d: {  	_ =	shalt  }
0x7e: {  	_ =	shalt  }
0x7f: {  	_ =	shalt  }
0x80: {  	_ =	shalt  }
0x81: {  	_ =	shalt  }
0x82: {  	_ =	shalt  }
0x83: {  	_ =	shalt  }
0x84: {  	_ =	shalt  }
0x85: {  	_ =	shalt  }
0x86: {  	_ =	shalt  }
0x87: {  	_ =	shalt  }
.Lfunc_end0:
.L_simem_size_0:
called_computation_lowered:
.L_overlay_start_0:
0x88: {  	s2 =	sld [smem:$0x3FD9]  }
0x89: {  	s3 =	sld [smem:$0x3FFE];
	_ =	sdelay $0x1  }
0x8a: {  	s1 =	srdreg.scid  }
0x8b: {  	s0 =	sand.u32 $0x1, s1  }
0x8c: {  	s17 =	sshll.u32 s0, $0xA;
	s2 =	sadd.s32 s3, s2  }
0x8d: {  	s2 =	sadd.s32 s2, s17  }
0x8e: {  	[smem:$0x3FA6] =	sst s2  }
0x8f: {  	_ = 	snop  }
0x90: {  	s2 =	sld [smem:$0x3FC3];
	(tm) =	ssettm $0x1  }
0x91: {  	s18 =	sld [smem:$0x3FFB];
	_ =	sdelay $0x3  }
0x92: {  	_ =	strace s18  }
0x93: {  	s3 =	sld [smem:$0x3FFC];
	_ =	sdelay $0x3  }
0x94: {  	_ =	strace s3  }
0x95: {  	s3 =	sld [smem:$0x3FFD];
	_ =	sdelay $0x3  }
0x96: {  	_ =	strace s3  }
0x97: {  	_ =	strace $0x8FFFFFFF  }
0x98: {  	s19 =	sld [smem:$0x3FDB];
	_ =	sdelay $0x1  }
0x99: {  	s4 =	simm.s32 $_scs_section_size  }
0x9a: {  	s5 =	simm.s32 $_size__tile_overlayer_lowered;
	s6 =	simm.s32 $_tile_overlayer_lowered  }
0x9b: {  	s22 =	simm.s32 $0x1BFF;
	s21 =	sshll.u32 s6, $0x1;
	s3 =	sadd.s32 s4, s19  }
0x9c: {  	s7 =	simm.s32 $0x0;
	s20 =	sshll.u32 s5, $0x1;
	s5 =	sadd.s32 s21, s3  }
0x9d: {  	[timem:s7], [sflag:s22] =	dma.local [hbm:s5], s20  }
0x9e: {  	_ =	swait.ge [sflag:s22], s20  }
0x9f: {  	s4 =	ssub.s32 $0x0, s20;
	[sflag:s22] =	ssyncset.done $0x0  }
0xa0: {  	[sflag:s22] =	ssyncadd.s32 s4;
	_ =	sdelay $0x1  }
0xa1: {  	s23 =	simm.s32 $0x1B8B  }
0xa2: {  	_ =	swait.ge [sflag:s23], $0x1  }
0xa3: {  	[sflag:s23] =	ssyncset.done $0x0  }
0xa4: {  	s25 =	simm.s32 $0x1B8E;
	s24 =	sld [smem:$0x3FFE];
	[sflag:s23] =	ssyncadd.s32 $0xFFFFFFFF  }
0xa5: {  	s26 =	simm.s32 $execute0_lowered;
	[smem:$0x3FD2] =	sst s25  }
0xa6: {  	s5 =	sshll.u32 s26, $0x1;
	_ =	strace $0x80000046;
	[dreg:$0x1] =	wrdreg $0xFFFFFFFF  }
0xa7: {  	s28 =	simm.s32 $_size_execute0_lowered;
	s3 =	sadd.s32 s3, s5;
	[dreg:$0x0] =	wrdreg $0x0  }
0xa8: {  	s5 =	sshll.u32 s28, $0x1;
	[dreg:$0x2] =	wrdreg s3  }
0xa9: {  	[dreg:$0x3] =	wrdreg s5  }
0xaa: {  	[dreg:$0x4] =	wrdreg $0xC0  }
0xab: {  	_ =	task [dreg:s7], $0x5FFFF  }
0xac: {  	[dreg:$0x1] =	wrdreg $0xFFFFFFFF  }
0xad: {  	[dreg:$0x0] =	wrdreg $0x60  }
0xae: {  	[dreg:$0x2] =	wrdreg s24  }
0xaf: {  	[dreg:$0x3] =	wrdreg s2  }
0xb0: {  	[dreg:$0x4] =	wrdreg $0x11A100  }
0xb1: {  	[dreg:$0x5] =	wrdreg $0x9  }
0xb2: {  	_ =	task.clear_ibuf [dreg:s7], $0x6FFFF;
	_ =	strace $0x90000046  }
0xb3: {  	s29 =	simm.s32 $0x9;
	_ =	strace $0x80000048  }
0xb4: {  	_ =	swait.ge [sflag:s29], $0x1  }
0xb5: {  	[sflag:s29] =	ssyncadd.s32 $0xFFFFFFFF  }
0xb6: {  	_ =	strace $0x90000048  }
0xb7: {  	_ =	sfence  }
0xb8: {  	s30 =	sld [smem:$0x0];
	_ =	sdelay $0x2  }
0xb9: {  	s31 =	sshll.u32 s1, $0xD;
	s1 =	sshrl.u32 s1, $0x2  }
0xba: {  	s3 =	sand.u32 $0x4000, s31;
	s1 =	sadd.s32 s1, s30  }
0xbb: {  	s0 =	sor.u32 s3, s0;
	s1 =	sshll.u32 s1, $0x11  }
0xbc: {  	s0 =	sor.u32 s1, s0  }
0xbd: {  	s0 =	sadd.s32 $0x8F2B, s0  }
0xbe: {  	[sflag:s0] =	ssyncadd.remote.s32 $0x1  }
0xbf: {  	_ =	sfence.sel $0xFFFF  }
0xc0: {  	[dreg:$0x0] =	wrdreg $0xFFFFFFFF;
	(pc) =	sbr.abs _section_cstart, $3  }
0xc1: {  	[dreg:$0x1] =	wrdreg $0xFFFFFFFF  }
0xc2: {  	_ =	task.clear_ibuf [dreg:s7], $0x2FFFF;
	_ =	strace $0x9FFFFFFF  }
0xc3: {  	(tm) =	ssettm $0x7FFFFFFF  }
tec
execute0_lowered:
.L_overlay_start_1:
0x0: {  	(tag) =	ssettag $0x1  }
0x1: {  	s7 =	rddreg [dreg:$0x0]  }
0x2: {  	s2 =	rddreg [dreg:$0x1]  }
0x3: {  	s3 =	rddreg [dreg:$0x2]  }
0x4: {  	s0 =	rddreg [dreg:$0x3]  }
0x5: {  	s1 =	stileid.u32;
	s5 =	srdreg.scid  }
0x6: {  	s4 =	simm.s32 $0x0;
	s17 =	simm.s32 $0x50;
	s18 =	simm.s32 $0x9C90  }
0x7: {  	v0 =	vimm.s32 $0xEFCDAB89;
	v1 =	vimm.s32 $0x67452301;
	s19 =	simm.s32 $0xC490;
	s20 =	simm.s32 $0x1;
	s21 =	simm.s32 $0x2  }
0x8: {  	v2 =	vimm.s32 $0xDCFE98BA;
	v3 =	vimm.s32 $0x54761032;
	s23 =	simm.s32 $0xEC90;
	s24 =	simm.s32 $0x0;
	s8 =	smul.u32 $0x9C4, s1  }
0x9: {  	v4 =	vimm.s32 $0xBA98FEDC;
	v5 =	vimm.s32 $0x32107654;
	s9 =	smul.u32 $0xB400, s1;
	s10 =	sand.u32 $0x1, s5;
	[smem:$0x7FF] =	sst s4  }
0xa: {  	v6 =	vimm.s32 $0xFEDCBA98;
	v7 =	vimm.s32 $0x76543210;
	v0 =	vunpack.c.l.s4.s8 v0;
	s5 =	sadd.s32 $0x19C00, s7;
	s6 =	sadd.s32 $0x40E00, s7;
	s15 =	sshll.u32 s1, $0x6  }
0xb: {  	v1 =	vunpack.c.l.s4.s8 v1;
	v2 =	vunpack.c.l.s4.s8 v2;
	v3 =	vunpack.c.l.s4.s8 v3;
	s11 =	smul.u32 $0xB4000, s10;
	_ =	strace $0x80000047;
	s12 =	ssub.s32 $0x2, s10  }
0xc: {  	v4 =	vunpack.c.l.s4.s8 v4;
	v5 =	vunpack.c.l.s4.s8 v5;
	v6 =	vunpack.c.l.s4.s8 v6;
	s22 =	smul.u32 $0x1388, s10;
	s15 =	sor.u32 $0x1C03, s15;
	s8 =	sadd.s32 s8, s7  }
0xd: {  	v7 =	vunpack.c.l.s4.s8 v7;
	v0 =	vunpack.c.0.s8.s32 v0;
	s13 =	sshrl.u32 s9, $0x3;
	s14 =	sshrl.u32 s12, $0x1;
	v1 =	vunpack.c.0.s8.s32 v1;
	s16 =	sadd.s32 s9, s3  }
0xe: {  	v2 =	vunpack.c.0.s8.s32 v2;
	v3 =	vunpack.c.0.s8.s32 v3;
	v4 =	vunpack.c.0.s8.s32 v4;
	s11 =	sadd.s32 s9, s11;
	s13 =	sadd.s32 s13, s7;
	s12 =	ssub.s32 s12, s14  }
0xf: {  	v5 =	vunpack.c.0.s8.s32 v5;
	v6 =	vunpack.c.0.s8.s32 v6;
	v7 =	vunpack.c.0.s8.s32 v7;
	s14 =	simm.s32 $0x11990;
	s16 =	sshrl.u32 s16, $0x3;
	s11 =	sshrl.u32 s11, $0x3  }
0x10: {  	s9 =	sadd.s32 $0x68000, s13;
	s13 =	simm.s32 $0x4E20;
	v0 =	vcombine.low v1, v0;
	v1 =	vcombine.low v3, v2;
	v3 =	vmov s22;
	s22 =	simm.s32 $0x9C40  }
0x11: {  	v2 =	vcombine.low v5, v4;
	v4 =	vand.u32 $0xF, v6;
	s11 =	sadd.s32 s11, s7;
	s7 =	sadd.s32 $0xFE00, s8;
	s8 =	sadd.s32 $0x6000, s8  }
0x12: {  	vm0 =	vmmov $0x1;
	v4 =	vcombine.low v4, v7;
	s10 =	sadd.s32 $0x7E800, s11;
	s11 =	smax.u32 s12, $0x1;
	s12 =	simm.s32 $0x3  }
.LBB2_1:
0x13: {  	[tilespmem:s4], [sflag:$0x3] =	stream.linear.gather [hbm4b:s7+s4], $0x4E20, $0x38;
	[tilespmem:$0x1CE10] =	vst v63  }
0x14: {  	_ =	swait.ge [sflag:s12], $0x4E20  }
0x15: {  	[sflag:s12] =	ssyncset.done $0x0  }
0x16: {  	[sflag:s12] =	ssyncadd.s32 $0xFFFFB1E0  }
0x17: {  	[tilespmem:s13], [sflag:$0x3] =	stream.linear.gather [hbm4b:s8+s4], $0x4E20, $0x38;
	[tilespmem:$0x1CE10] =	vst v63  }
0x18: {  	_ =	swait.ge [sflag:s12], $0x4E20  }
0x19: {  	[sflag:s12] =	ssyncset.done $0x0  }
0x1a: {  	[sflag:s12] =	ssyncadd.s32 $0xFFFFB1E0  }
0x1b: {  	[tilespmem:s14], [sflag:$0x3] =	stream.linear.gather [hbm4b:s2+s4], $0x80, $0x38;
	[tilespmem:$0x1CE10] =	vst v63  }
0x1c: {  	_ =	swait.ge [sflag:s12], $0x80  }
0x1d: {  	[sflag:s12] =	ssyncset.done $0x0  }
0x1e: {  	[sflag:s12] =	ssyncadd.s32 $0xFFFFFF80  }
0x1f: {  	[spmem:s16], [sflag:s15] =	dma.local [hbm:s9], $0x1680  }
0x20: {  	_ =	swait.ge [sflag:s12], $0x1680  }
0x21: {  	[sflag:s12] =	ssyncset.done $0x0  }
0x22: {  	[sflag:s12] =	ssyncadd.s32 $0xFFFFE980  }
0x23: {  	s25 =	simm.s32 $0x0;
	[bflag:$0x0] =	sbarrier.arrive $0xFFFF  }
.LBB2_2:
0x24: {  	s26 =	smul.u32 $0x50, s25;
	_ =	sdelay $0x1  }
0x25: {  	[tilespmem:s18], [sflag:$0x1] =	stream.indirect.gather [hbm4b:s5+s17], $0x80, s26, s17, $0xb8;
	[tilespmem:$0x1CE10] =	vst v63  }
0x26: {  	s28 =	sadd.s32 $0x4E20, s26  }
0x27: {  	[tilespmem:s19], [sflag:$0x2] =	stream.indirect.gather [hbm4b:s6+s17], $0x80, s28, s17, $0xb8;
	[tilespmem:$0x1CE10] =	vst v63  }
0x28: {  	v5 =	vld [tilespmem:s26+$0x4E20];
	_ =	sdelay $0x4  }
0x29: {  	v5 =	vsub.s32 v5, v3  }
0x2a: {  	v5 =	vmin.u32 v5, $0x1388  }
0x2b: {  	[tilespmem:$0x9C40] =	vst v5  }
0x2c: {  	v5 =	vld [tilespmem:s26+$0x4E30];
	_ =	sdelay $0x4  }
0x2d: {  	v5 =	vsub.s32 v5, v3  }
0x2e: {  	v5 =	vmin.u32 v5, $0x1388  }
0x2f: {  	[tilespmem:$0x9C50] =	vst v5  }
0x30: {  	v5 =	vld [tilespmem:s26+$0x4E40];
	_ =	sdelay $0x4  }
0x31: {  	v5 =	vsub.s32 v5, v3  }
0x32: {  	v5 =	vmin.u32 v5, $0x1388  }
0x33: {  	[tilespmem:$0x9C60] =	vst v5  }
0x34: {  	v5 =	vld [tilespmem:s26+$0x4E50];
	_ =	sdelay $0x4  }
0x35: {  	v5 =	vsub.s32 v5, v3  }
0x36: {  	v5 =	vmin.u32 v5, $0x1388  }
0x37: {  	[tilespmem:$0x9C70] =	vst v5  }
0x38: {  	v5 =	vld [tilespmem:s26+$0x4E60];
	_ =	sdelay $0x4  }
0x39: {  	v5 =	vsub.s32 v5, v3  }
0x3a: {  	v5 =	vmin.u32 v5, $0x1388  }
0x3b: {  	[tilespmem:$0x9C80] =	vst v5  }
0x3c: {  	_ =	swait.ge [sflag:s20], $0x2800  }
0x3d: {  	[sflag:s20] =	ssyncset.done $0x0  }
0x3e: {  	[sflag:s20] =	ssyncadd.s32 $0xFFFFD800  }
0x3f: {  	_ =	swait.ge [sflag:s21], $0x2800  }
0x40: {  	[sflag:s21] =	ssyncset.done $0x0  }
0x41: {  	s28 =	simm.s32 $0x0;
	[sflag:s21] =	ssyncadd.s32 $0xFFFFD800  }
0x42: {  	v5 =	vld [tilespmem:s28+$0xC4B0]  }
0x43: {  	v6 =	vld [tilespmem:s28+$0x9CB0]  }
0x44: {  	v7 =	vld [tilespmem:s28+$0xC4C0]  }
0x45: {  	v8 =	vld [tilespmem:s28+$0x9CC0]  }
0x46: {  	v9 =	vld [tilespmem:$0x11990]  }
0x47: {  	v10 =	vld [tilespmem:s28+$0xC490]  }
0x48: {  	v11 =	vld [tilespmem:s28+$0x9C90]  }
0x49: {  	v12 =	vld [tilespmem:s28+$0x9CA0]  }
0x4a: {  	v13 =	vld [tilespmem:s28+$0xC4A0]  }
0x4b: {  	v14 =	vld [tilespmem:s28+$0xC4D0]  }
0x4c: {  	v15 =	vld [tilespmem:s28+$0x9CD0]  }
0x4d: {  	v16 =	vld [tilespmem:$0x119A0];
	v10 =	vadd.f32 v10, v11  }
0x4e: {  	v17 =	vld [tilespmem:$0x119B0]  }
0x4f: {  	v52 =	vld [tilespmem:$0x119C0];
	v12 =	vadd.f32 v13, v12;
	v18 =	vmul.f32 $2.000000030e-01, v10  }
0x50: {  	v19 =	vld [tilespmem:$0x119D0]  }
0x51: {  	v5 =	vadd.f32 v5, v6;
	v6 =	vld [tilespmem:s28+$0xC4E0];
	v53 =	vmul.f32 $2.000000030e-01, v12;
	v10 =	vmax.f32 v10, v18  }
0x52: {  	v9 =	vmul.f32 v10, v9;
	v10 =	vld [tilespmem:s28+$0x9CE0]  }
0x53: {  	v55 =	vld [tilespmem:s28+$0x9CF0];
	v7 =	vadd.f32 v7, v8;
	v54 =	vmul.f32 $2.000000030e-01, v5;
	v12 =	vmax.f32 v12, v53  }
0x54: {  	v8 =	vld [tilespmem:s28+$0xC4F0];
	v12 =	vmul.f32 v12, v16;
	v9 =	vadd.f32 $0.0e+00, v9  }
0x55: {  	v57 =	vld [tilespmem:s28+$0xC500];
	v14 =	vadd.f32 v14, v15;
	v56 =	vmul.f32 $2.000000030e-01, v7;
	v5 =	vmax.f32 v5, v54  }
0x56: {  	v58 =	vld [tilespmem:s28+$0x9D00];
	v5 =	vmul.f32 v5, v17;
	v9 =	vadd.f32 v12, v9  }
0x57: {  	v59 =	vmul.f32 $2.000000030e-01, v14;
	v7 =	vmax.f32 v7, v56;
	v6 =	vadd.f32 v6, v10;
	v10 =	vld [tilespmem:$0x119E0]  }
0x58: {  	v7 =	vmul.f32 v7, v52;
	v5 =	vadd.f32 v5, v9  }
0x59: {  	v60 =	vmax.f32 v14, v59;
	v8 =	vadd.f32 v8, v55;
	v9 =	vld [tilespmem:$0x119F0];
	v61 =	vmul.f32 $2.000000030e-01, v6  }
0x5a: {  	v5 =	vadd.f32 v7, v5;
	v7 =	vmul.f32 v60, v19  }
0x5b: {  	v62 =	vld [tilespmem:$0x11A00];
	v63 =	vmul.f32 $2.000000030e-01, v8;
	v12 =	vadd.f32 v57, v58;
	v6 =	vmax.f32 v6, v61  }
0x5c: {  	v5 =	vadd.f32 v7, v5;
	v6 =	vmul.f32 v6, v10  }
0x5d: {  	v7 =	vmax.f32 v8, v63;
	v8 =	vmul.f32 $2.000000030e-01, v12  }
0x5e: {  	v5 =	vadd.f32 v6, v5;
	v6 =	vmul.f32 v7, v9  }
0x5f: {  	v7 =	vmax.f32 v12, v8  }
0x60: {  	v5 =	vadd.f32 v6, v5;
	v6 =	vmul.f32 v7, v62;
	_ =	sdelay $0x1  }
0x61: {  	v5 =	vadd.f32 v6, v5;
	_ =	sdelay $0x1  }
0x62: {  	v6 =	vperm.xlane v5, v0;
	_ =	sdelay $0x1  }
0x63: {  	v5 =	vadd.f32 v5, v6;
	_ =	sdelay $0x1  }
0x64: {  	v6 =	vperm.xlane v5, v1;
	_ =	sdelay $0x1  }
0x65: {  	v5 =	vadd.f32 v5, v6;
	_ =	sdelay $0x1  }
0x66: {  	v6 =	vperm.xlane v5, v2;
	_ =	sdelay $0x1  }
0x67: {  	v5 =	vadd.f32 v5, v6;
	_ =	sdelay $0x1  }
0x68: {  	v6 =	vperm.xlane v5, v4;
	_ =	sdelay $0x1  }
0x69: {  	v5 =	vadd.f32 v5, v6;
	_ =	sdelay $0x1  }
0x6a: {  	v5 =	vmul.f32 $1.442695020e+00, v5;
	_ =	sdelay $0x1  }
0x6b: {  	(erf) = vpow2.f32 v5;
	_ =	sdelay $0x8  }
0x6c: {  	v5 =	vpop (erf)  }
0x6d: {  	v6 =	vmul.f32 v5, v11  }
0x6e: {  	s26 =	simm.s32 $0xECD0  }
0x6f: {  	[tilespmem:s26+$0xFFFFFFC0] =	vst v6  }
0x70: {  	v6 =	vld [tilespmem:s28+$0x9CA0];
	_ =	sdelay $0x4  }
0x71: {  	v6 =	vmul.f32 v5, v6;
	_ =	sdelay $0x1  }
0x72: {  	[tilespmem:s26+$0xFFFFFFD0] =	vst v6  }
0x73: {  	v6 =	vld [tilespmem:s28+$0x9CB0];
	_ =	sdelay $0x4  }
0x74: {  	v6 =	vmul.f32 v5, v6;
	_ =	sdelay $0x1  }
0x75: {  	[tilespmem:s26+$0xFFFFFFE0] =	vst v6  }
0x76: {  	v6 =	vld [tilespmem:s28+$0x9CC0];
	_ =	sdelay $0x4  }
0x77: {  	v6 =	vmul.f32 v6, v5;
	_ =	sdelay $0x1  }
0x78: {  	[tilespmem:s26+$0xFFFFFFF0] =	vst v6  }
0x79: {  	v6 =	vld [tilespmem:s28+$0x9CD0];
	_ =	sdelay $0x4  }
0x7a: {  	v6 =	vmul.f32 v6, v5;
	_ =	sdelay $0x1  }
0x7b: {  	[tilespmem:s26+$0x0] =	vst v6  }
0x7c: {  	v6 =	vld [tilespmem:s28+$0x9CE0];
	_ =	sdelay $0x4  }
0x7d: {  	v6 =	vmul.f32 v6, v5;
	_ =	sdelay $0x1  }
0x7e: {  	[tilespmem:s26+$0x10] =	vst v6  }
0x7f: {  	v6 =	vld [tilespmem:s28+$0x9CF0];
	_ =	sdelay $0x4  }
0x80: {  	v6 =	vmul.f32 v6, v5;
	_ =	sdelay $0x1  }
0x81: {  	[tilespmem:s26+$0x20] =	vst v6  }
0x82: {  	v6 =	vld [tilespmem:s28+$0x9D00];
	_ =	sdelay $0x4  }
0x83: {  	v7 =	vnsel vm0, $0x0, v5;
	v5 =	vmul.f32 v6, v5  }
0x84: {  	[tilespmem:s26+$0x40] =	vst v7  }
0x85: {  	s28 =	simm.s32 $0x80;
	[tilespmem:s26+$0x30] =	vst v5  }
0x86: {  	v7 =	vld [tilespmem:s28+$0xC4B0]  }
0x87: {  	v8 =	vld [tilespmem:s28+$0x9CB0]  }
0x88: {  	v5 =	vld [tilespmem:s28+$0xC4C0]  }
0x89: {  	v6 =	vld [tilespmem:s28+$0x9CC0]  }
0x8a: {  	v9 =	vld [tilespmem:$0x11990]  }
0x8b: {  	s29 =	simm.s32 $0x400;
	v10 =	vld [tilespmem:s28+$0xC490]  }
.LBB2_3:
0x8c: {  	p0 =	sne.s32 s29, $0x9E00;
	v11 =	vld [tilespmem:s28+$0x9C90]  }
0x8d: {  	v12 =	vld [tilespmem:s28+$0x9CA0]  }
0x8e: {  	v13 =	vld [tilespmem:s28+$0xC4A0]  }
0x8f: {  	v14 =	vld [tilespmem:s28+$0xC4D0]  }
0x90: {  	v15 =	vld [tilespmem:s28+$0x9CD0]  }
0x91: {  	v10 =	vadd.f32 v10, v11;
	v16 =	vld [tilespmem:$0x119A0]  }
0x92: {  	v17 =	vld [tilespmem:$0x119B0]  }
0x93: {  	v18 =	vmul.f32 $2.000000030e-01, v10;
	v12 =	vadd.f32 v13, v12;
	v13 =	vld [tilespmem:$0x119C0]  }
0x94: {  	v19 =	vld [tilespmem:$0x119D0]  }
0x95: {  	v7 =	vadd.f32 v7, v8;
	v10 =	vmax.f32 v10, v18;
	v18 =	vmul.f32 $2.000000030e-01, v12;
	v8 =	vld [tilespmem:s28+$0xC4E0]  }
0x96: {  	v9 =	vmul.f32 v10, v9;
	v10 =	vld [tilespmem:s28+$0x9CE0]  }
0x97: {  	v5 =	vadd.f32 v5, v6;
	v12 =	vmax.f32 v12, v18;
	v18 =	vmul.f32 $2.000000030e-01, v7;
	v6 =	vld [tilespmem:s28+$0xC4F0]  }
0x98: {  	v9 =	vadd.f32 $0.0e+00, v9;
	v12 =	vmul.f32 v12, v16;
	v16 =	vld [tilespmem:s28+$0x9CF0]  }
0x99: {  	v14 =	vadd.f32 v14, v15;
	v7 =	vmax.f32 v7, v18;
	v18 =	vmul.f32 $2.000000030e-01, v5;
	v15 =	vld [tilespmem:s28+$0xC500]  }
0x9a: {  	v9 =	vadd.f32 v12, v9;
	v7 =	vmul.f32 v7, v17;
	v12 =	vld [tilespmem:s28+$0x9D00]  }
0x9b: {  	v17 =	vmul.f32 $2.000000030e-01, v14;
	v5 =	vmax.f32 v5, v18;
	v8 =	vadd.f32 v8, v10;
	v10 =	vld [tilespmem:$0x119E0]  }
0x9c: {  	v7 =	vadd.f32 v7, v9;
	v5 =	vmul.f32 v5, v13;
	v9 =	vld [tilespmem:$0x119F0]  }
0x9d: {  	v13 =	vmax.f32 v14, v17;
	v14 =	vmul.f32 $2.000000030e-01, v8;
	v6 =	vadd.f32 v6, v16;
	v16 =	vld [tilespmem:$0x11A00]  }
0x9e: {  	v5 =	vadd.f32 v5, v7;
	v7 =	vmul.f32 v13, v19  }
0x9f: {  	v8 =	vmax.f32 v8, v14;
	v13 =	vmul.f32 $2.000000030e-01, v6;
	v12 =	vadd.f32 v15, v12  }
0xa0: {  	v5 =	vadd.f32 v7, v5;
	v7 =	vmul.f32 v8, v10  }
0xa1: {  	v6 =	vmax.f32 v6, v13;
	v8 =	vmul.f32 $2.000000030e-01, v12  }
0xa2: {  	v5 =	vadd.f32 v7, v5;
	v6 =	vmul.f32 v6, v9  }
0xa3: {  	v7 =	vmax.f32 v12, v8  }
0xa4: {  	v5 =	vadd.f32 v6, v5;
	v6 =	vmul.f32 v7, v16;
	_ =	sdelay $0x1  }
0xa5: {  	v5 =	vadd.f32 v6, v5;
	_ =	sdelay $0x1  }
0xa6: {  	v6 =	vperm.xlane v5, v0;
	_ =	sdelay $0x1  }
0xa7: {  	v5 =	vadd.f32 v5, v6;
	_ =	sdelay $0x1  }
0xa8: {  	v6 =	vperm.xlane v5, v1;
	_ =	sdelay $0x1  }
0xa9: {  	v5 =	vadd.f32 v5, v6;
	_ =	sdelay $0x1  }
0xaa: {  	v6 =	vperm.xlane v5, v2;
	_ =	sdelay $0x1  }
0xab: {  	v5 =	vadd.f32 v5, v6;
	_ =	sdelay $0x1  }
0xac: {  	v6 =	vperm.xlane v5, v4;
	_ =	sdelay $0x1  }
0xad: {  	v5 =	vadd.f32 v5, v6;
	_ =	sdelay $0x1  }
0xae: {  	v5 =	vmul.f32 $1.442695020e+00, v5;
	_ =	sdelay $0x1  }
0xaf: {  	(erf) = vpow2.f32 v5;
	_ =	sdelay $0x8  }
0xb0: {  	v5 =	vpop (erf)  }
0xb1: {  	v6 =	vmul.f32 v5, v11;
	v7 =	vnsel vm0, $0x0, v5  }
0xb2: {  	s26 =	sadd.s32 $0x90, s26  }
0xb3: {  	[tilespmem:s26+$0xFFFFFFC0] =	vst v6  }
0xb4: {  	v6 =	vld [tilespmem:s28+$0x9CA0];
	_ =	sdelay $0x4  }
0xb5: {  	v6 =	vmul.f32 v5, v6;
	_ =	sdelay $0x1  }
0xb6: {  	[tilespmem:s26+$0xFFFFFFD0] =	vst v6  }
0xb7: {  	v6 =	vld [tilespmem:s28+$0x9CB0];
	_ =	sdelay $0x4  }
0xb8: {  	v6 =	vmul.f32 v5, v6;
	_ =	sdelay $0x1  }
0xb9: {  	[tilespmem:s26+$0xFFFFFFE0] =	vst v6  }
0xba: {  	v6 =	vld [tilespmem:s28+$0x9CC0];
	_ =	sdelay $0x4  }
0xbb: {  	v6 =	vmul.f32 v6, v5;
	_ =	sdelay $0x1  }
0xbc: {  	[tilespmem:s26+$0xFFFFFFF0] =	vst v6  }
0xbd: {  	v6 =	vld [tilespmem:s28+$0x9CD0];
	_ =	sdelay $0x4  }
0xbe: {  	v6 =	vmul.f32 v6, v5;
	_ =	sdelay $0x1  }
0xbf: {  	[tilespmem:s26+$0x0] =	vst v6  }
0xc0: {  	v6 =	vld [tilespmem:s28+$0x9CE0];
	_ =	sdelay $0x4  }
0xc1: {  	v6 =	vmul.f32 v6, v5;
	_ =	sdelay $0x1  }
0xc2: {  	[tilespmem:s26+$0x10] =	vst v6  }
0xc3: {  	v6 =	vld [tilespmem:s28+$0x9CF0];
	_ =	sdelay $0x4  }
0xc4: {  	v6 =	vmul.f32 v6, v5;
	_ =	sdelay $0x1  }
0xc5: {  	[tilespmem:s26+$0x20] =	vst v6  }
0xc6: {  	v6 =	vld [tilespmem:s28+$0x9D00];
	[tilespmem:s26+$0x40] =	vst v7;
	_ =	sdelay $0x4  }
0xc7: {  	v5 =	vmul.f32 v6, v5;
	_ =	sdelay $0x1  }
0xc8: {  	s28 =	sshra.s32 s29, $0x2;
	[tilespmem:s26+$0x30] =	vst v5  }
0xc9: {  	v7 =	vld [tilespmem:s28+$0xC4B0]  }
.Ltmp0:
0xca: {  	v8 =	vld [tilespmem:s28+$0x9CB0];
	(pc) =	sbr.rel @p0 .LBB2_3-.Ltmp0, $4  }
0xcb: {  	v5 =	vld [tilespmem:s28+$0xC4C0]  }
0xcc: {  	v6 =	vld [tilespmem:s28+$0x9CC0]  }
0xcd: {  	v9 =	vld [tilespmem:$0x11990]  }
0xce: {  	s29 =	sadd.s32 $0x200, s29;
	v10 =	vld [tilespmem:s28+$0xC490]  }
0xcf: {  	v11 =	vld [tilespmem:s28+$0x9C90]  }
0xd0: {  	v12 =	vld [tilespmem:s28+$0x9CA0]  }
0xd1: {  	v13 =	vld [tilespmem:s28+$0xC4A0]  }
0xd2: {  	v14 =	vld [tilespmem:s28+$0xC4D0]  }
0xd3: {  	v15 =	vld [tilespmem:s28+$0x9CD0]  }
0xd4: {  	v16 =	vld [tilespmem:$0x119A0];
	v10 =	vadd.f32 v10, v11  }
0xd5: {  	v17 =	vld [tilespmem:$0x119B0]  }
0xd6: {  	v47 =	vld [tilespmem:$0x119C0];
	v12 =	vadd.f32 v13, v12;
	v18 =	vmul.f32 $2.000000030e-01, v10  }
0xd7: {  	v19 =	vld [tilespmem:$0x119D0]  }
0xd8: {  	v7 =	vadd.f32 v7, v8;
	v49 =	vld [tilespmem:s28+$0xC4E0];
	v48 =	vmul.f32 $2.000000030e-01, v12;
	v10 =	vmax.f32 v10, v18  }
0xd9: {  	v50 =	vld [tilespmem:s28+$0x9CE0];
	v9 =	vmul.f32 v10, v9  }
0xda: {  	v52 =	vld [tilespmem:s28+$0x9CF0];
	v51 =	vmul.f32 $2.000000030e-01, v7;
	v5 =	vadd.f32 v5, v6;
	v12 =	vmax.f32 v12, v48  }
0xdb: {  	v6 =	vld [tilespmem:s28+$0xC4F0];
	v12 =	vmul.f32 v12, v16;
	v9 =	vadd.f32 $0.0e+00, v9  }
0xdc: {  	v54 =	vld [tilespmem:s28+$0xC500];
	v7 =	vmax.f32 v7, v51;
	v53 =	vmul.f32 $2.000000030e-01, v5;
	v14 =	vadd.f32 v14, v15  }
0xdd: {  	v55 =	vld [tilespmem:s28+$0x9D00];
	v7 =	vmul.f32 v7, v17;
	v9 =	vadd.f32 v12, v9  }
0xde: {  	v57 =	vld [tilespmem:$0x119E0];
	v8 =	vadd.f32 v49, v50;
	v5 =	vmax.f32 v5, v53;
	v56 =	vmul.f32 $2.000000030e-01, v14  }
0xdf: {  	v5 =	vmul.f32 v5, v47;
	v7 =	vadd.f32 v7, v9  }
0xe0: {  	v58 =	vld [tilespmem:$0x119F0];
	v60 =	vmul.f32 $2.000000030e-01, v8;
	v6 =	vadd.f32 v6, v52;
	v59 =	vmax.f32 v14, v56  }
0xe1: {  	v5 =	vadd.f32 v5, v7;
	v7 =	vmul.f32 v59, v19  }
0xe2: {  	v61 =	vld [tilespmem:$0x11A00];
	v8 =	vmax.f32 v8, v60;
	v62 =	vmul.f32 $2.000000030e-01, v6;
	v12 =	vadd.f32 v54, v55  }
0xe3: {  	v5 =	vadd.f32 v7, v5;
	v7 =	vmul.f32 v8, v57  }
0xe4: {  	v6 =	vmax.f32 v6, v62;
	v63 =	vmul.f32 $2.000000030e-01, v12  }
0xe5: {  	v6 =	vmul.f32 v6, v58;
	v5 =	vadd.f32 v7, v5  }
0xe6: {  	v7 =	vmax.f32 v12, v63  }
0xe7: {  	v5 =	vadd.f32 v6, v5;
	v6 =	vmul.f32 v7, v61;
	_ =	sdelay $0x1  }
0xe8: {  	v5 =	vadd.f32 v6, v5;
	_ =	sdelay $0x1  }
0xe9: {  	v6 =	vperm.xlane v5, v0;
	_ =	sdelay $0x1  }
0xea: {  	v5 =	vadd.f32 v5, v6;
	_ =	sdelay $0x1  }
0xeb: {  	v6 =	vperm.xlane v5, v1;
	_ =	sdelay $0x1  }
0xec: {  	v5 =	vadd.f32 v5, v6;
	_ =	sdelay $0x1  }
0xed: {  	v6 =	vperm.xlane v5, v2;
	_ =	sdelay $0x1  }
0xee: {  	v5 =	vadd.f32 v5, v6;
	_ =	sdelay $0x1  }
0xef: {  	v6 =	vperm.xlane v5, v4;
	_ =	sdelay $0x1  }
0xf0: {  	v5 =	vadd.f32 v5, v6;
	_ =	sdelay $0x1  }
0xf1: {  	v5 =	vmul.f32 $1.442695020e+00, v5;
	_ =	sdelay $0x1  }
0xf2: {  	(erf) = vpow2.f32 v5;
	_ =	sdelay $0x8  }
0xf3: {  	v5 =	vpop (erf)  }
0xf4: {  	v6 =	vmul.f32 v5, v11  }
0xf5: {  	s26 =	sadd.s32 $0x90, s26  }
0xf6: {  	[tilespmem:s26+$0xFFFFFFC0] =	vst v6  }
0xf7: {  	v6 =	vld [tilespmem:s28+$0x9CA0];
	_ =	sdelay $0x4  }
0xf8: {  	v6 =	vmul.f32 v5, v6;
	_ =	sdelay $0x1  }
0xf9: {  	[tilespmem:s26+$0xFFFFFFD0] =	vst v6  }
0xfa: {  	v6 =	vld [tilespmem:s28+$0x9CB0];
	_ =	sdelay $0x4  }
0xfb: {  	v6 =	vmul.f32 v5, v6;
	_ =	sdelay $0x1  }
0xfc: {  	[tilespmem:s26+$0xFFFFFFE0] =	vst v6  }
0xfd: {  	v6 =	vld [tilespmem:s28+$0x9CC0];
	_ =	sdelay $0x4  }
0xfe: {  	v6 =	vmul.f32 v6, v5;
	_ =	sdelay $0x1  }
0xff: {  	[tilespmem:s26+$0xFFFFFFF0] =	vst v6  }
0x100: {  	v6 =	vld [tilespmem:s28+$0x9CD0];
	_ =	sdelay $0x4  }
0x101: {  	v6 =	vmul.f32 v6, v5;
	_ =	sdelay $0x1  }
0x102: {  	[tilespmem:s26+$0x0] =	vst v6  }
0x103: {  	v6 =	vld [tilespmem:s28+$0x9CE0];
	_ =	sdelay $0x4  }
0x104: {  	v6 =	vmul.f32 v6, v5;
	_ =	sdelay $0x1  }
0x105: {  	[tilespmem:s26+$0x10] =	vst v6  }
0x106: {  	v6 =	vld [tilespmem:s28+$0x9CF0];
	_ =	sdelay $0x4  }
0x107: {  	v6 =	vmul.f32 v6, v5;
	_ =	sdelay $0x1  }
0x108: {  	[tilespmem:s26+$0x20] =	vst v6  }
0x109: {  	v6 =	vld [tilespmem:s28+$0x9D00];
	_ =	sdelay $0x4  }
0x10a: {  	s25 =	sadd.s32 $0x1, s25;
	v7 =	vnsel vm0, $0x0, v5;
	v5 =	vmul.f32 v6, v5  }
0x10b: {  	p0 =	sne.s32 s25, $0xFA;
	[tilespmem:s26+$0x40] =	vst v7  }
.Ltmp1:
0x10c: {  	[tilespmem:s26+$0x30] =	vst v5;
	(pc) =	sbr.rel @p0 .LBB2_2-.Ltmp1, $4  }
0x10d: {  	[spmem:s3] =	stream.indirect.scatter.add.f32 [tilespmem:s23], [sflag:$0x3], $0x90, s22, s17, $0xb8;
	[tilespmem:$0x1CE10] =	vst v63  }
0x10e: {  	_ =	swait.ge [sflag:s12], $0x2D00  }
0x10f: {  	[sflag:s12] =	ssyncset.done $0x0  }
0x110: {  	[sflag:s12] =	ssyncadd.s32 $0xFFFFD300  }
0x111: {  	s24 =	sadd.s32 $0x1, s24  }
0x112: {  	p0 =	sne.s32 s24, s11  }
.Ltmp2:
0x113: {  	[bflag:$0x0] =	sbarrier.arrive $0xFFFF;
	(pc) =	sbr.rel @p0 .LBB2_1-.Ltmp2, $4  }
0x114: {  	[hbm:s10], [sflag:s15] =	dma.local [spmem:s16], $0x1680  }
0x115: {  	_ =	swait.ge [sflag:s12], $0x1680  }
0x116: {  	[sflag:s12] =	ssyncset.done $0x0  }
0x117: {  	[sflag:s12] =	ssyncadd.s32 $0xFFFFE980  }
0x118: {  	_ =	sfence.sel $0x180000  }
0x119: {  	[bflag:$0x0] =	sbarrier.arrive $0xFFFF  }
0x11a: {  	p0 =	sne.s32 s1, $0x0;
	_ =	strace $0x90000047  }
0x11b: {  	s0 =	sadd.s32 @!p0 $0x100000, s0;
	[bflag:$0x2] =	sbarrier.arrive $0xFFFF  }
0x11c: {  	[sflag:s0] =	ssyncadd.tile.s32 @!p0 $0x1;
	_ =	shalt  }
.Lfunc_end2:
_tile_overlayer_lowered:
.L_overlay_start_2:
0x11d: {  	(tag) =	ssettag $0x2  }
0x11e: {  	s0 =	rddreg [dreg:$0x0];
	s2 =	stileid.u32  }
0x11f: {  	s1 =	rddreg [dreg:$0x1];
	p0 =	sne.s32 s2, $0x0  }
0x120: {  	s3 =	rddreg [dreg:$0x2];
	[bflag:$0x3] =	sbarrier.arrive $0xFFFF;
	s2 =	simm.s32 @!p0 $0x1C03  }
0x121: {  	[timem:s3], [sflag:s2] =	dma.local @!p0 [hbm:s0], s1  }
0x122: {  	s0 =	simm.s32 @!p0 $0x3  }
0x123: {  	_ =	swait.ge @!p0 [sflag:s0], s1  }
0x124: {  	s1 =	ssub.s32 @!p0 $0x0, s1;
	[sflag:s0] =	ssyncset.done @!p0 $0x0  }
0x125: {  	[sflag:s0] =	ssyncadd.s32 @!p0 s1  }
0x126: {  	[bflag:$0x3] =	sbarrier.arrive $0xFFFF  }
0x127: {  	_ =	shalt  }

</sc_bundles>
